<compile_context>
chip_gen: v7x
topology: tpu7x:2x2x1
jax: 0.10.2.dev20260603
libtpu: 0.0.44.dev20260713+nightly
codegen_flags: <defaults>
</compile_context>

<pallas_src>
import functools

import jax
import jax.numpy as jnp
from jax import lax
from jax.experimental import pallas as pl
from jax.experimental.pallas import tpu as pltpu
from jax.experimental.pallas import tpu_sc as plsc

_NUM_CLASSES = 1000000
_HIDDEN = 64
_BATCH = 16384

_NW = 32
_B_PER_W = _BATCH // _NW
_GRP = 16
_NITER = _B_PER_W // _GRP


def _embed_body(labels_hbm, drop_hbm, table_hbm, out_hbm,
                lab_v, drop_v, idx_v, cfg_v, rows_v, sem):
    wid = lax.axis_index("s") * 2 + lax.axis_index("c")
    base = wid * _B_PER_W

    cp_lab = pltpu.make_async_copy(
        labels_hbm.at[pl.ds(base, _B_PER_W)], lab_v, sem)
    cp_drop = pltpu.make_async_copy(
        drop_hbm.at[pl.ds(base, _B_PER_W)], drop_v, sem)
    cp_lab.start()
    cp_drop.start()
    cp_cfg = pltpu.make_async_copy(
        table_hbm.at[pl.ds(_NUM_CLASSES, 1), :], cfg_v, sem)
    cp_cfg.start()
    cp_cfg.wait()
    cp_lab.wait()
    cp_drop.wait()

    for i in range(_B_PER_W // 16):
        sl = pl.ds(i * 16, 16)
        idx_v[sl] = jnp.where(drop_v[sl] == 1,
                              jnp.full((16,), _NUM_CLASSES, jnp.int32),
                              lab_v[sl])

    cfg_row = cfg_v.at[0]
    cfg_regs = [cfg_row[pl.ds(k * 16, 16)] for k in range(4)]

    @pl.loop(0, _NITER)
    def _fill(g):
        row0 = g * _GRP
        dvec = drop_v[pl.ds(row0, 16)]
        for j in range(_GRP):
            p = row0 + j

            @pl.when(dvec[j] == 1)
            def _():
                for k in range(4):
                    rows_v.at[p][pl.ds(k * 16, 16)] = cfg_regs[k]

    @pl.loop(0, _NITER)
    def _gather(g):
        row0 = g * _GRP
        vec = idx_v[pl.ds(row0, 16)]
        dvec = drop_v[pl.ds(row0, 16)]
        for phase in range(2):
            for j in range(_GRP):
                ok = dvec[j] == 0
                cp = pltpu.make_async_copy(
                    table_hbm.at[pl.ds(vec[j], 1), :],
                    rows_v.at[pl.ds(row0 + j, 1), :],
                    sem,
                )

                @pl.when(ok)
                def _():
                    if phase == 0:
                        cp.start()
                    else:
                        cp.wait()

    pltpu.sync_copy(rows_v, out_hbm.at[pl.ds(base, _B_PER_W)])


@jax.jit
def _embed(labels, force_drop_ids, table):
    mesh = plsc.VectorSubcoreMesh(core_axis_name="c", subcore_axis_name="s")
    f = functools.partial(
        pl.kernel,
        mesh=mesh,
        out_type=jax.ShapeDtypeStruct((_BATCH, _HIDDEN), jnp.float32),
        scratch_types=[
            pltpu.VMEM((_B_PER_W,), jnp.int32),
            pltpu.VMEM((_B_PER_W,), jnp.int32),
            pltpu.VMEM((_B_PER_W,), jnp.int32),
            pltpu.VMEM((1, _HIDDEN), jnp.float32),
            pltpu.VMEM((_B_PER_W, _HIDDEN), jnp.float32),
            pltpu.SemaphoreType.DMA,
        ],
    )(_embed_body)
    return f(labels, force_drop_ids, table)


def kernel(labels, train, force_drop_ids, table):
    del train
    return _embed(labels.reshape(-1), force_drop_ids, table)

# --- scband reference (transcript-rebuilt; emitter-appended) ---
"""Pipeline reference for scband-categorical-embedder-41111426957796 (READ-ONLY COPY).

The authoritative reference and input builder live on the scoring server;
editing this copy changes nothing except your own understanding.
"""

import jax, jax.numpy as jnp
import numpy as np

NUM_CLASSES = 1000000
HIDDEN_SIZE = 64
BATCH = 16384

def setup_inputs(seed: int = 0) -> dict:
    key = jax.random.key(seed)
    k1, k2, k3 = jax.random.split(key, 3)
    labels = jax.random.randint(k1, (BATCH,), 0, NUM_CLASSES, dtype=jnp.int32)
    force_drop_ids = jax.random.randint(k2, (BATCH,), 0, 2, dtype=jnp.int32)
    # embedding table sized num_classes + 1 (cfg embedding row since dropout_prob > 0)
    table = jax.random.normal(k3, (NUM_CLASSES + 1, HIDDEN_SIZE), dtype=jnp.float32)
    return {"labels": labels, "train": False, "force_drop_ids": force_drop_ids, "table": table}

def reference(labels, train, force_drop_ids, table):
    # labels = labels.long().view(-1)
    labels = labels.reshape(-1)
    # use_dropout = dropout_prob > 0 -> True
    drop_ids = (force_drop_ids == 1)
    # train == False, so no random dropout and no additive noise
    labels = jnp.where(drop_ids, NUM_CLASSES, labels)
    embeddings = jnp.take(table, labels, axis=0)
    return embeddings

if __name__ == "__main__":
    import jax
    _d = setup_inputs()
    print(jax.jit(kernel)(*tuple(_d.values())))

</pallas_src>

<mosaic_0001>
#map = affine_map<(d0, d1) -> (0)>
#map1 = affine_map<(d0, d1) -> (0, 0)>
module attributes {stable_mosaic.version = 14 : i64} {
  func.func @_embed_body(%arg0: i32, %arg1: i32, %arg2: memref<16384xi32, #tpu.memory_space<hbm>>, %arg3: memref<16384xi32, #tpu.memory_space<hbm>>, %arg4: memref<1000001x64xf32, #tpu.memory_space<hbm>>, %arg5: memref<16384x64xf32, #tpu.memory_space<hbm>>, %arg6: memref<512xi32, #tpu.memory_space<vmem>>, %arg7: memref<512xi32, #tpu.memory_space<vmem>>, %arg8: memref<512xi32, #tpu.memory_space<vmem>>, %arg9: memref<1x64xf32, #tpu.memory_space<vmem>>, %arg10: memref<512x64xf32, #tpu.memory_space<vmem>>, %arg11: memref<!tpu.dma_semaphore, #tpu.memory_space<semaphore_mem>>) attributes {dimension_semantics = [#tpu.dimension_semantics<core_parallel>, #tpu.dimension_semantics<subcore_parallel>], iteration_bounds = array<i64: 2, 16>, scalar_prefetch = 0 : i64, scratch_operands = 6 : i64, tpu.core_type = #tpu.core_type<sc_vector_subcore>, window_params = [{transform_indices = #map}, {transform_indices = #map}, {transform_indices = #map1}, {transform_indices = #map1}]} {
    %mul3A = arith.constant 2 : i32
    %mul3A_0 = arith.muli %arg1, %mul3A : i32
    %add3A = arith.addi %mul3A_0, %arg0 : i32
    %mul3A_1 = arith.constant 512 : i32
    %mul3A_2 = arith.muli %add3A, %mul3A_1 : i32
    %dma_start3A = tpu.memref_slice %arg2[%mul3A_2] : memref<16384xi32, #tpu.memory_space<hbm>> -> memref<512xi32, #tpu.memory_space<hbm>>
    %dma_start3A_3 = tpu.memref_slice %arg2[%mul3A_2] : memref<16384xi32, #tpu.memory_space<hbm>> -> memref<512xi32, #tpu.memory_space<hbm>>
    tpu.enqueue_dma source(%dma_start3A_3 : memref<512xi32, #tpu.memory_space<hbm>>) target(%arg6 : memref<512xi32, #tpu.memory_space<vmem>>) target_semaphore(%arg11 : memref<!tpu.dma_semaphore, #tpu.memory_space<semaphore_mem>>)
    %dma_start3A_4 = tpu.memref_slice %arg3[%mul3A_2] : memref<16384xi32, #tpu.memory_space<hbm>> -> memref<512xi32, #tpu.memory_space<hbm>>
    %dma_start3A_5 = tpu.memref_slice %arg3[%mul3A_2] : memref<16384xi32, #tpu.memory_space<hbm>> -> memref<512xi32, #tpu.memory_space<hbm>>
    tpu.enqueue_dma source(%dma_start3A_5 : memref<512xi32, #tpu.memory_space<hbm>>) target(%arg7 : memref<512xi32, #tpu.memory_space<vmem>>) target_semaphore(%arg11 : memref<!tpu.dma_semaphore, #tpu.memory_space<semaphore_mem>>)
    %dma_start3A_6 = arith.constant 1000000 : i32
    %dma_start3A_7 = arith.constant 0 : i32
    %dma_start3A_8 = tpu.memref_slice %arg4[%dma_start3A_6, %dma_start3A_7] : memref<1000001x64xf32, #tpu.memory_space<hbm>> -> memref<1x64xf32, #tpu.memory_space<hbm>>
    %dma_start3A_9 = arith.constant 1000000 : i32
    %dma_start3A_10 = arith.constant 0 : i32
    %dma_start3A_11 = tpu.memref_slice %arg4[%dma_start3A_9, %dma_start3A_10] : memref<1000001x64xf32, #tpu.memory_space<hbm>> -> memref<1x64xf32, #tpu.memory_space<hbm>>
    tpu.enqueue_dma source(%dma_start3A_11 : memref<1x64xf32, #tpu.memory_space<hbm>>) target(%arg9 : memref<1x64xf32, #tpu.memory_space<vmem>>) target_semaphore(%arg11 : memref<!tpu.dma_semaphore, #tpu.memory_space<semaphore_mem>>)
    %dma_wait3A = arith.constant 1000000 : i32
    %dma_wait3A_12 = arith.constant 0 : i32
    %dma_wait3A_13 = tpu.memref_slice %arg4[%dma_wait3A, %dma_wait3A_12] : memref<1000001x64xf32, #tpu.memory_space<hbm>> -> memref<1x64xf32, #tpu.memory_space<hbm>>
    %dma_wait3A_14 = arith.constant 1000000 : i32
    %dma_wait3A_15 = arith.constant 0 : i32
    %dma_wait3A_16 = tpu.memref_slice %arg4[%dma_wait3A_14, %dma_wait3A_15] : memref<1000001x64xf32, #tpu.memory_space<hbm>> -> memref<1x64xf32, #tpu.memory_space<hbm>>
    tpu.wait_dma2 semaphore(%arg11 : memref<!tpu.dma_semaphore, #tpu.memory_space<semaphore_mem>>) src(%dma_wait3A_16 : memref<1x64xf32, #tpu.memory_space<hbm>>) dst(%arg9 : memref<1x64xf32, #tpu.memory_space<vmem>>)
    %dma_wait3A_17 = tpu.memref_slice %arg2[%mul3A_2] : memref<16384xi32, #tpu.memory_space<hbm>> -> memref<512xi32, #tpu.memory_space<hbm>>
    %dma_wait3A_18 = tpu.memref_slice %arg2[%mul3A_2] : memref<16384xi32, #tpu.memory_space<hbm>> -> memref<512xi32, #tpu.memory_space<hbm>>
    tpu.wait_dma2 semaphore(%arg11 : memref<!tpu.dma_semaphore, #tpu.memory_space<semaphore_mem>>) src(%dma_wait3A_18 : memref<512xi32, #tpu.memory_space<hbm>>) dst(%arg6 : memref<512xi32, #tpu.memory_space<vmem>>)
    %dma_wait3A_19 = tpu.memref_slice %arg3[%mul3A_2] : memref<16384xi32, #tpu.memory_space<hbm>> -> memref<512xi32, #tpu.memory_space<hbm>>
    %dma_wait3A_20 = tpu.memref_slice %arg3[%mul3A_2] : memref<16384xi32, #tpu.memory_space<hbm>> -> memref<512xi32, #tpu.memory_space<hbm>>
    tpu.wait_dma2 semaphore(%arg11 : memref<!tpu.dma_semaphore, #tpu.memory_space<semaphore_mem>>) src(%dma_wait3A_20 : memref<512xi32, #tpu.memory_space<hbm>>) dst(%arg7 : memref<512xi32, #tpu.memory_space<vmem>>)
    %get3A = arith.constant 0 : index
    %get3A_21 = tpu.vector_load %arg7[%get3A] {strides = array<i32>} : memref<512xi32, #tpu.memory_space<vmem>>, vector<16xi32>,
    %get3A_22 = vector.shape_cast %get3A_21 : vector<16xi32> to vector<16xi32>
    %eq3A = arith.constant 1 : i32
    %eq3A_23 = vector.broadcast %eq3A : i32 to vector<16xi32>
    %eq3A_24 = arith.cmpi eq, %get3A_22, %eq3A_23 : vector<16xi32>
    %broadcast_in_dim3A = arith.constant 1000000 : i32
    %broadcast_in_dim3A_25 = vector.broadcast %broadcast_in_dim3A : i32 to vector<16xi32>
    %get3A_26 = arith.constant 0 : index
    %get3A_27 = tpu.vector_load %arg6[%get3A_26] {strides = array<i32>} : memref<512xi32, #tpu.memory_space<vmem>>, vector<16xi32>,
    %get3A_28 = vector.shape_cast %get3A_27 : vector<16xi32> to vector<16xi32>
    %select_n3A = arith.select %eq3A_24, %broadcast_in_dim3A_25, %get3A_28 : vector<16xi1>, vector<16xi32>
    %swap3A = arith.constant 0 : index
    %swap3A_29 = tpu.vector_load %arg8[%swap3A] {strides = array<i32>} : memref<512xi32, #tpu.memory_space<vmem>>, vector<16xi32>,
    %swap3A_30 = vector.shape_cast %swap3A_29 : vector<16xi32> to vector<16xi32>
    %swap3A_31 = vector.shape_cast %select_n3A : vector<16xi32> to vector<16xi32>
    tpu.vector_store %arg8[%swap3A], %swap3A_31 {strides = array<i32>} : memref<512xi32, #tpu.memory_space<vmem>>, vector<16xi32>,
    %get3A_32 = arith.constant 16 : index
    %get3A_33 = tpu.vector_load %arg7[%get3A_32] {strides = array<i32>} : memref<512xi32, #tpu.memory_space<vmem>>, vector<16xi32>,
    %get3A_34 = vector.shape_cast %get3A_33 : vector<16xi32> to vector<16xi32>
    %eq3A_35 = arith.constant 1 : i32
    %eq3A_36 = vector.broadcast %eq3A_35 : i32 to vector<16xi32>
    %eq3A_37 = arith.cmpi eq, %get3A_34, %eq3A_36 : vector<16xi32>
    %broadcast_in_dim3A_38 = arith.constant 1000000 : i32
    %broadcast_in_dim3A_39 = vector.broadcast %broadcast_in_dim3A_38 : i32 to vector<16xi32>
    %get3A_40 = arith.constant 16 : index
    %get3A_41 = tpu.vector_load %arg6[%get3A_40] {strides = array<i32>} : memref<512xi32, #tpu.memory_space<vmem>>, vector<16xi32>,
    %get3A_42 = vector.shape_cast %get3A_41 : vector<16xi32> to vector<16xi32>
    %select_n3A_43 = arith.select %eq3A_37, %broadcast_in_dim3A_39, %get3A_42 : vector<16xi1>, vector<16xi32>
    %swap3A_44 = arith.constant 16 : index
    %swap3A_45 = tpu.vector_load %arg8[%swap3A_44] {strides = array<i32>} : memref<512xi32, #tpu.memory_space<vmem>>, vector<16xi32>,
    %swap3A_46 = vector.shape_cast %swap3A_45 : vector<16xi32> to vector<16xi32>
    %swap3A_47 = vector.shape_cast %select_n3A_43 : vector<16xi32> to vector<16xi32>
    tpu.vector_store %arg8[%swap3A_44], %swap3A_47 {strides = array<i32>} : memref<512xi32, #tpu.memory_space<vmem>>, vector<16xi32>,
    %get3A_48 = arith.constant 32 : index
    %get3A_49 = tpu.vector_load %arg7[%get3A_48] {strides = array<i32>} : memref<512xi32, #tpu.memory_space<vmem>>, vector<16xi32>,
    %get3A_50 = vector.shape_cast %get3A_49 : vector<16xi32> to vector<16xi32>
    %eq3A_51 = arith.constant 1 : i32
    %eq3A_52 = vector.broadcast %eq3A_51 : i32 to vector<16xi32>
    %eq3A_53 = arith.cmpi eq, %get3A_50, %eq3A_52 : vector<16xi32>
    %broadcast_in_dim3A_54 = arith.constant 1000000 : i32
    %broadcast_in_dim3A_55 = vector.broadcast %broadcast_in_dim3A_54 : i32 to vector<16xi32>
    %get3A_56 = arith.constant 32 : index
    %get3A_57 = tpu.vector_load %arg6[%get3A_56] {strides = array<i32>} : memref<512xi32, #tpu.memory_space<vmem>>, vector<16xi32>,
    %get3A_58 = vector.shape_cast %get3A_57 : vector<16xi32> to vector<16xi32>
    %select_n3A_59 = arith.select %eq3A_53, %broadcast_in_dim3A_55, %get3A_58 : vector<16xi1>, vector<16xi32>
    %swap3A_60 = arith.constant 32 : index
    %swap3A_61 = tpu.vector_load %arg8[%swap3A_60] {strides = array<i32>} : memref<512xi32, #tpu.memory_space<vmem>>, vector<16xi32>,
    %swap3A_62 = vector.shape_cast %swap3A_61 : vector<16xi32> to vector<16xi32>
    %swap3A_63 = vector.shape_cast %select_n3A_59 : vector<16xi32> to vector<16xi32>
    tpu.vector_store %arg8[%swap3A_60], %swap3A_63 {strides = array<i32>} : memref<512xi32, #tpu.memory_space<vmem>>, vector<16xi32>,
    %get3A_64 = arith.constant 48 : index
    %get3A_65 = tpu.vector_load %arg7[%get3A_64] {strides = array<i32>} : memref<512xi32, #tpu.memory_space<vmem>>, vector<16xi32>,
    %get3A_66 = vector.shape_cast %get3A_65 : vector<16xi32> to vector<16xi32>
    %eq3A_67 = arith.constant 1 : i32
    %eq3A_68 = vector.broadcast %eq3A_67 : i32 to vector<16xi32>
    %eq3A_69 = arith.cmpi eq, %get3A_66, %eq3A_68 : vector<16xi32>
    %broadcast_in_dim3A_70 = arith.constant 1000000 : i32
    %broadcast_in_dim3A_71 = vector.broadcast %broadcast_in_dim3A_70 : i32 to vector<16xi32>
    %get3A_72 = arith.constant 48 : index
    %get3A_73 = tpu.vector_load %arg6[%get3A_72] {strides = array<i32>} : memref<512xi32, #tpu.memory_space<vmem>>, vector<16xi32>,
    %get3A_74 = vector.shape_cast %get3A_73 : vector<16xi32> to vector<16xi32>
    %select_n3A_75 = arith.select %eq3A_69, %broadcast_in_dim3A_71, %get3A_74 : vector<16xi1>, vector<16xi32>
    %swap3A_76 = arith.constant 48 : index
    %swap3A_77 = tpu.vector_load %arg8[%swap3A_76] {strides = array<i32>} : memref<512xi32, #tpu.memory_space<vmem>>, vector<16xi32>,
    %swap3A_78 = vector.shape_cast %swap3A_77 : vector<16xi32> to vector<16xi32>
    %swap3A_79 = vector.shape_cast %select_n3A_75 : vector<16xi32> to vector<16xi32>
    tpu.vector_store %arg8[%swap3A_76], %swap3A_79 {strides = array<i32>} : memref<512xi32, #tpu.memory_space<vmem>>, vector<16xi32>,
    %get3A_80 = arith.constant 64 : index
    %get3A_81 = tpu.vector_load %arg7[%get3A_80] {strides = array<i32>} : memref<512xi32, #tpu.memory_space<vmem>>, vector<16xi32>,
    %get3A_82 = vector.shape_cast %get3A_81 : vector<16xi32> to vector<16xi32>
    %eq3A_83 = arith.constant 1 : i32
    %eq3A_84 = vector.broadcast %eq3A_83 : i32 to vector<16xi32>
    %eq3A_85 = arith.cmpi eq, %get3A_82, %eq3A_84 : vector<16xi32>
    %broadcast_in_dim3A_86 = arith.constant 1000000 : i32
    %broadcast_in_dim3A_87 = vector.broadcast %broadcast_in_dim3A_86 : i32 to vector<16xi32>
    %get3A_88 = arith.constant 64 : index
    %get3A_89 = tpu.vector_load %arg6[%get3A_88] {strides = array<i32>} : memref<512xi32, #tpu.memory_space<vmem>>, vector<16xi32>,
    %get3A_90 = vector.shape_cast %get3A_89 : vector<16xi32> to vector<16xi32>
    %select_n3A_91 = arith.select %eq3A_85, %broadcast_in_dim3A_87, %get3A_90 : vector<16xi1>, vector<16xi32>
    %swap3A_92 = arith.constant 64 : index
    %swap3A_93 = tpu.vector_load %arg8[%swap3A_92] {strides = array<i32>} : memref<512xi32, #tpu.memory_space<vmem>>, vector<16xi32>,
    %swap3A_94 = vector.shape_cast %swap3A_93 : vector<16xi32> to vector<16xi32>
    %swap3A_95 = vector.shape_cast %select_n3A_91 : vector<16xi32> to vector<16xi32>
    tpu.vector_store %arg8[%swap3A_92], %swap3A_95 {strides = array<i32>} : memref<512xi32, #tpu.memory_space<vmem>>, vector<16xi32>,
    %get3A_96 = arith.constant 80 : index
    %get3A_97 = tpu.vector_load %arg7[%get3A_96] {strides = array<i32>} : memref<512xi32, #tpu.memory_space<vmem>>, vector<16xi32>,
    %get3A_98 = vector.shape_cast %get3A_97 : vector<16xi32> to vector<16xi32>
    %eq3A_99 = arith.constant 1 : i32
    %eq3A_100 = vector.broadcast %eq3A_99 : i32 to vector<16xi32>
    %eq3A_101 = arith.cmpi eq, %get3A_98, %eq3A_100 : vector<16xi32>
    %broadcast_in_dim3A_102 = arith.constant 1000000 : i32
    %broadcast_in_dim3A_103 = vector.broadcast %broadcast_in_dim3A_102 : i32 to vector<16xi32>
    %get3A_104 = arith.constant 80 : index
    %get3A_105 = tpu.vector_load %arg6[%get3A_104] {strides = array<i32>} : memref<512xi32, #tpu.memory_space<vmem>>, vector<16xi32>,
    %get3A_106 = vector.shape_cast %get3A_105 : vector<16xi32> to vector<16xi32>
    %select_n3A_107 = arith.select %eq3A_101, %broadcast_in_dim3A_103, %get3A_106 : vector<16xi1>, vector<16xi32>
    %swap3A_108 = arith.constant 80 : index
    %swap3A_109 = tpu.vector_load %arg8[%swap3A_108] {strides = array<i32>} : memref<512xi32, #tpu.memory_space<vmem>>, vector<16xi32>,
    %swap3A_110 = vector.shape_cast %swap3A_109 : vector<16xi32> to vector<16xi32>
    %swap3A_111 = vector.shape_cast %select_n3A_107 : vector<16xi32> to vector<16xi32>
    tpu.vector_store %arg8[%swap3A_108], %swap3A_111 {strides = array<i32>} : memref<512xi32, #tpu.memory_space<vmem>>, vector<16xi32>,
    %get3A_112 = arith.constant 96 : index
    %get3A_113 = tpu.vector_load %arg7[%get3A_112] {strides = array<i32>} : memref<512xi32, #tpu.memory_space<vmem>>, vector<16xi32>,
    %get3A_114 = vector.shape_cast %get3A_113 : vector<16xi32> to vector<16xi32>
    %eq3A_115 = arith.constant 1 : i32
    %eq3A_116 = vector.broadcast %eq3A_115 : i32 to vector<16xi32>
    %eq3A_117 = arith.cmpi eq, %get3A_114, %eq3A_116 : vector<16xi32>
    %broadcast_in_dim3A_118 = arith.constant 1000000 : i32
    %broadcast_in_dim3A_119 = vector.broadcast %broadcast_in_dim3A_118 : i32 to vector<16xi32>
    %get3A_120 = arith.constant 96 : index
    %get3A_121 = tpu.vector_load %arg6[%get3A_120] {strides = array<i32>} : memref<512xi32, #tpu.memory_space<vmem>>, vector<16xi32>,
    %get3A_122 = vector.shape_cast %get3A_121 : vector<16xi32> to vector<16xi32>
    %select_n3A_123 = arith.select %eq3A_117, %broadcast_in_dim3A_119, %get3A_122 : vector<16xi1>, vector<16xi32>
    %swap3A_124 = arith.constant 96 : index
    %swap3A_125 = tpu.vector_load %arg8[%swap3A_124] {strides = array<i32>} : memref<512xi32, #tpu.memory_space<vmem>>, vector<16xi32>,
    %swap3A_126 = vector.shape_cast %swap3A_125 : vector<16xi32> to vector<16xi32>
    %swap3A_127 = vector.shape_cast %select_n3A_123 : vector<16xi32> to vector<16xi32>
    tpu.vector_store %arg8[%swap3A_124], %swap3A_127 {strides = array<i32>} : memref<512xi32, #tpu.memory_space<vmem>>, vector<16xi32>,
    %get3A_128 = arith.constant 112 : index
    %get3A_129 = tpu.vector_load %arg7[%get3A_128] {strides = array<i32>} : memref<512xi32, #tpu.memory_space<vmem>>, vector<16xi32>,
    %get3A_130 = vector.shape_cast %get3A_129 : vector<16xi32> to vector<16xi32>
    %eq3A_131 = arith.constant 1 : i32
    %eq3A_132 = vector.broadcast %eq3A_131 : i32 to vector<16xi32>
    %eq3A_133 = arith.cmpi eq, %get3A_130, %eq3A_132 : vector<16xi32>
    %broadcast_in_dim3A_134 = arith.constant 1000000 : i32
    %broadcast_in_dim3A_135 = vector.broadcast %broadcast_in_dim3A_134 : i32 to vector<16xi32>
    %get3A_136 = arith.constant 112 : index
    %get3A_137 = tpu.vector_load %arg6[%get3A_136] {strides = array<i32>} : memref<512xi32, #tpu.memory_space<vmem>>, vector<16xi32>,
    %get3A_138 = vector.shape_cast %get3A_137 : vector<16xi32> to vector<16xi32>
    %select_n3A_139 = arith.select %eq3A_133, %broadcast_in_dim3A_135, %get3A_138 : vector<16xi1>, vector<16xi32>
    %swap3A_140 = arith.constant 112 : index
    %swap3A_141 = tpu.vector_load %arg8[%swap3A_140] {strides = array<i32>} : memref<512xi32, #tpu.memory_space<vmem>>, vector<16xi32>,
    %swap3A_142 = vector.shape_cast %swap3A_141 : vector<16xi32> to vector<16xi32>
    %swap3A_143 = vector.shape_cast %select_n3A_139 : vector<16xi32> to vector<16xi32>
    tpu.vector_store %arg8[%swap3A_140], %swap3A_143 {strides = array<i32>} : memref<512xi32, #tpu.memory_space<vmem>>, vector<16xi32>,
    %get3A_144 = arith.constant 128 : index
    %get3A_145 = tpu.vector_load %arg7[%get3A_144] {strides = array<i32>} : memref<512xi32, #tpu.memory_space<vmem>>, vector<16xi32>,
    %get3A_146 = vector.shape_cast %get3A_145 : vector<16xi32> to vector<16xi32>
    %eq3A_147 = arith.constant 1 : i32
    %eq3A_148 = vector.broadcast %eq3A_147 : i32 to vector<16xi32>
    %eq3A_149 = arith.cmpi eq, %get3A_146, %eq3A_148 : vector<16xi32>
    %broadcast_in_dim3A_150 = arith.constant 1000000 : i32
    %broadcast_in_dim3A_151 = vector.broadcast %broadcast_in_dim3A_150 : i32 to vector<16xi32>
    %get3A_152 = arith.constant 128 : index
    %get3A_153 = tpu.vector_load %arg6[%get3A_152] {strides = array<i32>} : memref<512xi32, #tpu.memory_space<vmem>>, vector<16xi32>,
    %get3A_154 = vector.shape_cast %get3A_153 : vector<16xi32> to vector<16xi32>
    %select_n3A_155 = arith.select %eq3A_149, %broadcast_in_dim3A_151, %get3A_154 : vector<16xi1>, vector<16xi32>
    %swap3A_156 = arith.constant 128 : index
    %swap3A_157 = tpu.vector_load %arg8[%swap3A_156] {strides = array<i32>} : memref<512xi32, #tpu.memory_space<vmem>>, vector<16xi32>,
    %swap3A_158 = vector.shape_cast %swap3A_157 : vector<16xi32> to vector<16xi32>
    %swap3A_159 = vector.shape_cast %select_n3A_155 : vector<16xi32> to vector<16xi32>
    tpu.vector_store %arg8[%swap3A_156], %swap3A_159 {strides = array<i32>} : memref<512xi32, #tpu.memory_space<vmem>>, vector<16xi32>,
    %get3A_160 = arith.constant 144 : index
    %get3A_161 = tpu.vector_load %arg7[%get3A_160] {strides = array<i32>} : memref<512xi32, #tpu.memory_space<vmem>>, vector<16xi32>,
    %get3A_162 = vector.shape_cast %get3A_161 : vector<16xi32> to vector<16xi32>
    %eq3A_163 = arith.constant 1 : i32
    %eq3A_164 = vector.broadcast %eq3A_163 : i32 to vector<16xi32>
    %eq3A_165 = arith.cmpi eq, %get3A_162, %eq3A_164 : vector<16xi32>
    %broadcast_in_dim3A_166 = arith.constant 1000000 : i32
    %broadcast_in_dim3A_167 = vector.broadcast %broadcast_in_dim3A_166 : i32 to vector<16xi32>
    %get3A_168 = arith.constant 144 : index
    %get3A_169 = tpu.vector_load %arg6[%get3A_168] {strides = array<i32>} : memref<512xi32, #tpu.memory_space<vmem>>, vector<16xi32>,
    %get3A_170 = vector.shape_cast %get3A_169 : vector<16xi32> to vector<16xi32>
    %select_n3A_171 = arith.select %eq3A_165, %broadcast_in_dim3A_167, %get3A_170 : vector<16xi1>, vector<16xi32>
    %swap3A_172 = arith.constant 144 : index
    %swap3A_173 = tpu.vector_load %arg8[%swap3A_172] {strides = array<i32>} : memref<512xi32, #tpu.memory_space<vmem>>, vector<16xi32>,
    %swap3A_174 = vector.shape_cast %swap3A_173 : vector<16xi32> to vector<16xi32>
    %swap3A_175 = vector.shape_cast %select_n3A_171 : vector<16xi32> to vector<16xi32>
    tpu.vector_store %arg8[%swap3A_172], %swap3A_175 {strides = array<i32>} : memref<512xi32, #tpu.memory_space<vmem>>, vector<16xi32>,
    %get3A_176 = arith.constant 160 : index
    %get3A_177 = tpu.vector_load %arg7[%get3A_176] {strides = array<i32>} : memref<512xi32, #tpu.memory_space<vmem>>, vector<16xi32>,
    %get3A_178 = vector.shape_cast %get3A_177 : vector<16xi32> to vector<16xi32>
    %eq3A_179 = arith.constant 1 : i32
    %eq3A_180 = vector.broadcast %eq3A_179 : i32 to vector<16xi32>
    %eq3A_181 = arith.cmpi eq, %get3A_178, %eq3A_180 : vector<16xi32>
    %broadcast_in_dim3A_182 = arith.constant 1000000 : i32
    %broadcast_in_dim3A_183 = vector.broadcast %broadcast_in_dim3A_182 : i32 to vector<16xi32>
    %get3A_184 = arith.constant 160 : index
    %get3A_185 = tpu.vector_load %arg6[%get3A_184] {strides = array<i32>} : memref<512xi32, #tpu.memory_space<vmem>>, vector<16xi32>,
    %get3A_186 = vector.shape_cast %get3A_185 : vector<16xi32> to vector<16xi32>
    %select_n3A_187 = arith.select %eq3A_181, %broadcast_in_dim3A_183, %get3A_186 : vector<16xi1>, vector<16xi32>
    %swap3A_188 = arith.constant 160 : index
    %swap3A_189 = tpu.vector_load %arg8[%swap3A_188] {strides = array<i32>} : memref<512xi32, #tpu.memory_space<vmem>>, vector<16xi32>,
    %swap3A_190 = vector.shape_cast %swap3A_189 : vector<16xi32> to vector<16xi32>
    %swap3A_191 = vector.shape_cast %select_n3A_187 : vector<16xi32> to vector<16xi32>
    tpu.vector_store %arg8[%swap3A_188], %swap3A_191 {strides = array<i32>} : memref<512xi32, #tpu.memory_space<vmem>>, vector<16xi32>,
    %get3A_192 = arith.constant 176 : index
    %get3A_193 = tpu.vector_load %arg7[%get3A_192] {strides = array<i32>} : memref<512xi32, #tpu.memory_space<vmem>>, vector<16xi32>,
    %get3A_194 = vector.shape_cast %get3A_193 : vector<16xi32> to vector<16xi32>
    %eq3A_195 = arith.constant 1 : i32
    %eq3A_196 = vector.broadcast %eq3A_195 : i32 to vector<16xi32>
    %eq3A_197 = arith.cmpi eq, %get3A_194, %eq3A_196 : vector<16xi32>
    %broadcast_in_dim3A_198 = arith.constant 1000000 : i32
    %broadcast_in_dim3A_199 = vector.broadcast %broadcast_in_dim3A_198 : i32 to vector<16xi32>
    %get3A_200 = arith.constant 176 : index
    %get3A_201 = tpu.vector_load %arg6[%get3A_200] {strides = array<i32>} : memref<512xi32, #tpu.memory_space<vmem>>, vector<16xi32>,
    %get3A_202 = vector.shape_cast %get3A_201 : vector<16xi32> to vector<16xi32>
    %select_n3A_203 = arith.select %eq3A_197, %broadcast_in_dim3A_199, %get3A_202 : vector<16xi1>, vector<16xi32>
    %swap3A_204 = arith.constant 176 : index
    %swap3A_205 = tpu.vector_load %arg8[%swap3A_204] {strides = array<i32>} : memref<512xi32, #tpu.memory_space<vmem>>, vector<16xi32>,
    %swap3A_206 = vector.shape_cast %swap3A_205 : vector<16xi32> to vector<16xi32>
    %swap3A_207 = vector.shape_cast %select_n3A_203 : vector<16xi32> to vector<16xi32>
    tpu.vector_store %arg8[%swap3A_204], %swap3A_207 {strides = array<i32>} : memref<512xi32, #tpu.memory_space<vmem>>, vector<16xi32>,
    %get3A_208 = arith.constant 192 : index
    %get3A_209 = tpu.vector_load %arg7[%get3A_208] {strides = array<i32>} : memref<512xi32, #tpu.memory_space<vmem>>, vector<16xi32>,
    %get3A_210 = vector.shape_cast %get3A_209 : vector<16xi32> to vector<16xi32>
    %eq3A_211 = arith.constant 1 : i32
    %eq3A_212 = vector.broadcast %eq3A_211 : i32 to vector<16xi32>
    %eq3A_213 = arith.cmpi eq, %get3A_210, %eq3A_212 : vector<16xi32>
    %broadcast_in_dim3A_214 = arith.constant 1000000 : i32
    %broadcast_in_dim3A_215 = vector.broadcast %broadcast_in_dim3A_214 : i32 to vector<16xi32>
    %get3A_216 = arith.constant 192 : index
    %get3A_217 = tpu.vector_load %arg6[%get3A_216] {strides = array<i32>} : memref<512xi32, #tpu.memory_space<vmem>>, vector<16xi32>,
    %get3A_218 = vector.shape_cast %get3A_217 : vector<16xi32> to vector<16xi32>
    %select_n3A_219 = arith.select %eq3A_213, %broadcast_in_dim3A_215, %get3A_218 : vector<16xi1>, vector<16xi32>
    %swap3A_220 = arith.constant 192 : index
    %swap3A_221 = tpu.vector_load %arg8[%swap3A_220] {strides = array<i32>} : memref<512xi32, #tpu.memory_space<vmem>>, vector<16xi32>,
    %swap3A_222 = vector.shape_cast %swap3A_221 : vector<16xi32> to vector<16xi32>
    %swap3A_223 = vector.shape_cast %select_n3A_219 : vector<16xi32> to vector<16xi32>
    tpu.vector_store %arg8[%swap3A_220], %swap3A_223 {strides = array<i32>} : memref<512xi32, #tpu.memory_space<vmem>>, vector<16xi32>,
    %get3A_224 = arith.constant 208 : index
    %get3A_225 = tpu.vector_load %arg7[%get3A_224] {strides = array<i32>} : memref<512xi32, #tpu.memory_space<vmem>>, vector<16xi32>,
    %get3A_226 = vector.shape_cast %get3A_225 : vector<16xi32> to vector<16xi32>
    %eq3A_227 = arith.constant 1 : i32
    %eq3A_228 = vector.broadcast %eq3A_227 : i32 to vector<16xi32>
    %eq3A_229 = arith.cmpi eq, %get3A_226, %eq3A_228 : vector<16xi32>
    %broadcast_in_dim3A_230 = arith.constant 1000000 : i32
    %broadcast_in_dim3A_231 = vector.broadcast %broadcast_in_dim3A_230 : i32 to vector<16xi32>
    %get3A_232 = arith.constant 208 : index
    %get3A_233 = tpu.vector_load %arg6[%get3A_232] {strides = array<i32>} : memref<512xi32, #tpu.memory_space<vmem>>, vector<16xi32>,
    %get3A_234 = vector.shape_cast %get3A_233 : vector<16xi32> to vector<16xi32>
    %select_n3A_235 = arith.select %eq3A_229, %broadcast_in_dim3A_231, %get3A_234 : vector<16xi1>, vector<16xi32>
    %swap3A_236 = arith.constant 208 : index
    %swap3A_237 = tpu.vector_load %arg8[%swap3A_236] {strides = array<i32>} : memref<512xi32, #tpu.memory_space<vmem>>, vector<16xi32>,
    %swap3A_238 = vector.shape_cast %swap3A_237 : vector<16xi32> to vector<16xi32>
    %swap3A_239 = vector.shape_cast %select_n3A_235 : vector<16xi32> to vector<16xi32>
    tpu.vector_store %arg8[%swap3A_236], %swap3A_239 {strides = array<i32>} : memref<512xi32, #tpu.memory_space<vmem>>, vector<16xi32>,
    %get3A_240 = arith.constant 224 : index
    %get3A_241 = tpu.vector_load %arg7[%get3A_240] {strides = array<i32>} : memref<512xi32, #tpu.memory_space<vmem>>, vector<16xi32>,
    %get3A_242 = vector.shape_cast %get3A_241 : vector<16xi32> to vector<16xi32>
    %eq3A_243 = arith.constant 1 : i32
    %eq3A_244 = vector.broadcast %eq3A_243 : i32 to vector<16xi32>
    %eq3A_245 = arith.cmpi eq, %get3A_242, %eq3A_244 : vector<16xi32>
    %broadcast_in_dim3A_246 = arith.constant 1000000 : i32
    %broadcast_in_dim3A_247 = vector.broadcast %broadcast_in_dim3A_246 : i32 to vector<16xi32>
    %get3A_248 = arith.constant 224 : index
    %get3A_249 = tpu.vector_load %arg6[%get3A_248] {strides = array<i32>} : memref<512xi32, #tpu.memory_space<vmem>>, vector<16xi32>,
    %get3A_250 = vector.shape_cast %get3A_249 : vector<16xi32> to vector<16xi32>
    %select_n3A_251 = arith.select %eq3A_245, %broadcast_in_dim3A_247, %get3A_250 : vector<16xi1>, vector<16xi32>
    %swap3A_252 = arith.constant 224 : index
    %swap3A_253 = tpu.vector_load %arg8[%swap3A_252] {strides = array<i32>} : memref<512xi32, #tpu.memory_space<vmem>>, vector<16xi32>,
    %swap3A_254 = vector.shape_cast %swap3A_253 : vector<16xi32> to vector<16xi32>
    %swap3A_255 = vector.shape_cast %select_n3A_251 : vector<16xi32> to vector<16xi32>
    tpu.vector_store %arg8[%swap3A_252], %swap3A_255 {strides = array<i32>} : memref<512xi32, #tpu.memory_space<vmem>>, vector<16xi32>,
    %get3A_256 = arith.constant 240 : index
    %get3A_257 = tpu.vector_load %arg7[%get3A_256] {strides = array<i32>} : memref<512xi32, #tpu.memory_space<vmem>>, vector<16xi32>,
    %get3A_258 = vector.shape_cast %get3A_257 : vector<16xi32> to vector<16xi32>
    %eq3A_259 = arith.constant 1 : i32
    %eq3A_260 = vector.broadcast %eq3A_259 : i32 to vector<16xi32>
    %eq3A_261 = arith.cmpi eq, %get3A_258, %eq3A_260 : vector<16xi32>
    %broadcast_in_dim3A_262 = arith.constant 1000000 : i32
    %broadcast_in_dim3A_263 = vector.broadcast %broadcast_in_dim3A_262 : i32 to vector<16xi32>
    %get3A_264 = arith.constant 240 : index
    %get3A_265 = tpu.vector_load %arg6[%get3A_264] {strides = array<i32>} : memref<512xi32, #tpu.memory_space<vmem>>, vector<16xi32>,
    %get3A_266 = vector.shape_cast %get3A_265 : vector<16xi32> to vector<16xi32>
    %select_n3A_267 = arith.select %eq3A_261, %broadcast_in_dim3A_263, %get3A_266 : vector<16xi1>, vector<16xi32>
    %swap3A_268 = arith.constant 240 : index
    %swap3A_269 = tpu.vector_load %arg8[%swap3A_268] {strides = array<i32>} : memref<512xi32, #tpu.memory_space<vmem>>, vector<16xi32>,
    %swap3A_270 = vector.shape_cast %swap3A_269 : vector<16xi32> to vector<16xi32>
    %swap3A_271 = vector.shape_cast %select_n3A_267 : vector<16xi32> to vector<16xi32>
    tpu.vector_store %arg8[%swap3A_268], %swap3A_271 {strides = array<i32>} : memref<512xi32, #tpu.memory_space<vmem>>, vector<16xi32>,
    %get3A_272 = arith.constant 256 : index
    %get3A_273 = tpu.vector_load %arg7[%get3A_272] {strides = array<i32>} : memref<512xi32, #tpu.memory_space<vmem>>, vector<16xi32>,
    %get3A_274 = vector.shape_cast %get3A_273 : vector<16xi32> to vector<16xi32>
    %eq3A_275 = arith.constant 1 : i32
    %eq3A_276 = vector.broadcast %eq3A_275 : i32 to vector<16xi32>
    %eq3A_277 = arith.cmpi eq, %get3A_274, %eq3A_276 : vector<16xi32>
    %broadcast_in_dim3A_278 = arith.constant 1000000 : i32
    %broadcast_in_dim3A_279 = vector.broadcast %broadcast_in_dim3A_278 : i32 to vector<16xi32>
    %get3A_280 = arith.constant 256 : index
    %get3A_281 = tpu.vector_load %arg6[%get3A_280] {strides = array<i32>} : memref<512xi32, #tpu.memory_space<vmem>>, vector<16xi32>,
    %get3A_282 = vector.shape_cast %get3A_281 : vector<16xi32> to vector<16xi32>
    %select_n3A_283 = arith.select %eq3A_277, %broadcast_in_dim3A_279, %get3A_282 : vector<16xi1>, vector<16xi32>
    %swap3A_284 = arith.constant 256 : index
    %swap3A_285 = tpu.vector_load %arg8[%swap3A_284] {strides = array<i32>} : memref<512xi32, #tpu.memory_space<vmem>>, vector<16xi32>,
    %swap3A_286 = vector.shape_cast %swap3A_285 : vector<16xi32> to vector<16xi32>
    %swap3A_287 = vector.shape_cast %select_n3A_283 : vector<16xi32> to vector<16xi32>
    tpu.vector_store %arg8[%swap3A_284], %swap3A_287 {strides = array<i32>} : memref<512xi32, #tpu.memory_space<vmem>>, vector<16xi32>,
    %get3A_288 = arith.constant 272 : index
    %get3A_289 = tpu.vector_load %arg7[%get3A_288] {strides = array<i32>} : memref<512xi32, #tpu.memory_space<vmem>>, vector<16xi32>,
    %get3A_290 = vector.shape_cast %get3A_289 : vector<16xi32> to vector<16xi32>
    %eq3A_291 = arith.constant 1 : i32
    %eq3A_292 = vector.broadcast %eq3A_291 : i32 to vector<16xi32>
    %eq3A_293 = arith.cmpi eq, %get3A_290, %eq3A_292 : vector<16xi32>
    %broadcast_in_dim3A_294 = arith.constant 1000000 : i32
    %broadcast_in_dim3A_295 = vector.broadcast %broadcast_in_dim3A_294 : i32 to vector<16xi32>
    %get3A_296 = arith.constant 272 : index
    %get3A_297 = tpu.vector_load %arg6[%get3A_296] {strides = array<i32>} : memref<512xi32, #tpu.memory_space<vmem>>, vector<16xi32>,
    %get3A_298 = vector.shape_cast %get3A_297 : vector<16xi32> to vector<16xi32>
    %select_n3A_299 = arith.select %eq3A_293, %broadcast_in_dim3A_295, %get3A_298 : vector<16xi1>, vector<16xi32>
    %swap3A_300 = arith.constant 272 : index
    %swap3A_301 = tpu.vector_load %arg8[%swap3A_300] {strides = array<i32>} : memref<512xi32, #tpu.memory_space<vmem>>, vector<16xi32>,
    %swap3A_302 = vector.shape_cast %swap3A_301 : vector<16xi32> to vector<16xi32>
    %swap3A_303 = vector.shape_cast %select_n3A_299 : vector<16xi32> to vector<16xi32>
    tpu.vector_store %arg8[%swap3A_300], %swap3A_303 {strides = array<i32>} : memref<512xi32, #tpu.memory_space<vmem>>, vector<16xi32>,
    %get3A_304 = arith.constant 288 : index
    %get3A_305 = tpu.vector_load %arg7[%get3A_304] {strides = array<i32>} : memref<512xi32, #tpu.memory_space<vmem>>, vector<16xi32>,
    %get3A_306 = vector.shape_cast %get3A_305 : vector<16xi32> to vector<16xi32>
    %eq3A_307 = arith.constant 1 : i32
    %eq3A_308 = vector.broadcast %eq3A_307 : i32 to vector<16xi32>
    %eq3A_309 = arith.cmpi eq, %get3A_306, %eq3A_308 : vector<16xi32>
    %broadcast_in_dim3A_310 = arith.constant 1000000 : i32
    %broadcast_in_dim3A_311 = vector.broadcast %broadcast_in_dim3A_310 : i32 to vector<16xi32>
    %get3A_312 = arith.constant 288 : index
    %get3A_313 = tpu.vector_load %arg6[%get3A_312] {strides = array<i32>} : memref<512xi32, #tpu.memory_space<vmem>>, vector<16xi32>,
    %get3A_314 = vector.shape_cast %get3A_313 : vector<16xi32> to vector<16xi32>
    %select_n3A_315 = arith.select %eq3A_309, %broadcast_in_dim3A_311, %get3A_314 : vector<16xi1>, vector<16xi32>
    %swap3A_316 = arith.constant 288 : index
    %swap3A_317 = tpu.vector_load %arg8[%swap3A_316] {strides = array<i32>} : memref<512xi32, #tpu.memory_space<vmem>>, vector<16xi32>,
    %swap3A_318 = vector.shape_cast %swap3A_317 : vector<16xi32> to vector<16xi32>
    %swap3A_319 = vector.shape_cast %select_n3A_315 : vector<16xi32> to vector<16xi32>
    tpu.vector_store %arg8[%swap3A_316], %swap3A_319 {strides = array<i32>} : memref<512xi32, #tpu.memory_space<vmem>>, vector<16xi32>,
    %get3A_320 = arith.constant 304 : index
    %get3A_321 = tpu.vector_load %arg7[%get3A_320] {strides = array<i32>} : memref<512xi32, #tpu.memory_space<vmem>>, vector<16xi32>,
    %get3A_322 = vector.shape_cast %get3A_321 : vector<16xi32> to vector<16xi32>
    %eq3A_323 = arith.constant 1 : i32
    %eq3A_324 = vector.broadcast %eq3A_323 : i32 to vector<16xi32>
    %eq3A_325 = arith.cmpi eq, %get3A_322, %eq3A_324 : vector<16xi32>
    %broadcast_in_dim3A_326 = arith.constant 1000000 : i32
    %broadcast_in_dim3A_327 = vector.broadcast %broadcast_in_dim3A_326 : i32 to vector<16xi32>
    %get3A_328 = arith.constant 304 : index
    %get3A_329 = tpu.vector_load %arg6[%get3A_328] {strides = array<i32>} : memref<512xi32, #tpu.memory_space<vmem>>, vector<16xi32>,
    %get3A_330 = vector.shape_cast %get3A_329 : vector<16xi32> to vector<16xi32>
    %select_n3A_331 = arith.select %eq3A_325, %broadcast_in_dim3A_327, %get3A_330 : vector<16xi1>, vector<16xi32>
    %swap3A_332 = arith.constant 304 : index
    %swap3A_333 = tpu.vector_load %arg8[%swap3A_332] {strides = array<i32>} : memref<512xi32, #tpu.memory_space<vmem>>, vector<16xi32>,
    %swap3A_334 = vector.shape_cast %swap3A_333 : vector<16xi32> to vector<16xi32>
    %swap3A_335 = vector.shape_cast %select_n3A_331 : vector<16xi32> to vector<16xi32>
    tpu.vector_store %arg8[%swap3A_332], %swap3A_335 {strides = array<i32>} : memref<512xi32, #tpu.memory_space<vmem>>, vector<16xi32>,
    %get3A_336 = arith.constant 320 : index
    %get3A_337 = tpu.vector_load %arg7[%get3A_336] {strides = array<i32>} : memref<512xi32, #tpu.memory_space<vmem>>, vector<16xi32>,
    %get3A_338 = vector.shape_cast %get3A_337 : vector<16xi32> to vector<16xi32>
    %eq3A_339 = arith.constant 1 : i32
    %eq3A_340 = vector.broadcast %eq3A_339 : i32 to vector<16xi32>
    %eq3A_341 = arith.cmpi eq, %get3A_338, %eq3A_340 : vector<16xi32>
    %broadcast_in_dim3A_342 = arith.constant 1000000 : i32
    %broadcast_in_dim3A_343 = vector.broadcast %broadcast_in_dim3A_342 : i32 to vector<16xi32>
    %get3A_344 = arith.constant 320 : index
    %get3A_345 = tpu.vector_load %arg6[%get3A_344] {strides = array<i32>} : memref<512xi32, #tpu.memory_space<vmem>>, vector<16xi32>,
    %get3A_346 = vector.shape_cast %get3A_345 : vector<16xi32> to vector<16xi32>
    %select_n3A_347 = arith.select %eq3A_341, %broadcast_in_dim3A_343, %get3A_346 : vector<16xi1>, vector<16xi32>
    %swap3A_348 = arith.constant 320 : index
    %swap3A_349 = tpu.vector_load %arg8[%swap3A_348] {strides = array<i32>} : memref<512xi32, #tpu.memory_space<vmem>>, vector<16xi32>,
    %swap3A_350 = vector.shape_cast %swap3A_349 : vector<16xi32> to vector<16xi32>
    %swap3A_351 = vector.shape_cast %select_n3A_347 : vector<16xi32> to vector<16xi32>
    tpu.vector_store %arg8[%swap3A_348], %swap3A_351 {strides = array<i32>} : memref<512xi32, #tpu.memory_space<vmem>>, vector<16xi32>,
    %get3A_352 = arith.constant 336 : index
    %get3A_353 = tpu.vector_load %arg7[%get3A_352] {strides = array<i32>} : memref<512xi32, #tpu.memory_space<vmem>>, vector<16xi32>,
    %get3A_354 = vector.shape_cast %get3A_353 : vector<16xi32> to vector<16xi32>
    %eq3A_355 = arith.constant 1 : i32
    %eq3A_356 = vector.broadcast %eq3A_355 : i32 to vector<16xi32>
    %eq3A_357 = arith.cmpi eq, %get3A_354, %eq3A_356 : vector<16xi32>
    %broadcast_in_dim3A_358 = arith.constant 1000000 : i32
    %broadcast_in_dim3A_359 = vector.broadcast %broadcast_in_dim3A_358 : i32 to vector<16xi32>
    %get3A_360 = arith.constant 336 : index
    %get3A_361 = tpu.vector_load %arg6[%get3A_360] {strides = array<i32>} : memref<512xi32, #tpu.memory_space<vmem>>, vector<16xi32>,
    %get3A_362 = vector.shape_cast %get3A_361 : vector<16xi32> to vector<16xi32>
    %select_n3A_363 = arith.select %eq3A_357, %broadcast_in_dim3A_359, %get3A_362 : vector<16xi1>, vector<16xi32>
    %swap3A_364 = arith.constant 336 : index
    %swap3A_365 = tpu.vector_load %arg8[%swap3A_364] {strides = array<i32>} : memref<512xi32, #tpu.memory_space<vmem>>, vector<16xi32>,
    %swap3A_366 = vector.shape_cast %swap3A_365 : vector<16xi32> to vector<16xi32>
    %swap3A_367 = vector.shape_cast %select_n3A_363 : vector<16xi32> to vector<16xi32>
    tpu.vector_store %arg8[%swap3A_364], %swap3A_367 {strides = array<i32>} : memref<512xi32, #tpu.memory_space<vmem>>, vector<16xi32>,
    %get3A_368 = arith.constant 352 : index
    %get3A_369 = tpu.vector_load %arg7[%get3A_368] {strides = array<i32>} : memref<512xi32, #tpu.memory_space<vmem>>, vector<16xi32>,
    %get3A_370 = vector.shape_cast %get3A_369 : vector<16xi32> to vector<16xi32>
    %eq3A_371 = arith.constant 1 : i32
    %eq3A_372 = vector.broadcast %eq3A_371 : i32 to vector<16xi32>
    %eq3A_373 = arith.cmpi eq, %get3A_370, %eq3A_372 : vector<16xi32>
    %broadcast_in_dim3A_374 = arith.constant 1000000 : i32
    %broadcast_in_dim3A_375 = vector.broadcast %broadcast_in_dim3A_374 : i32 to vector<16xi32>
    %get3A_376 = arith.constant 352 : index
    %get3A_377 = tpu.vector_load %arg6[%get3A_376] {strides = array<i32>} : memref<512xi32, #tpu.memory_space<vmem>>, vector<16xi32>,
    %get3A_378 = vector.shape_cast %get3A_377 : vector<16xi32> to vector<16xi32>
    %select_n3A_379 = arith.select %eq3A_373, %broadcast_in_dim3A_375, %get3A_378 : vector<16xi1>, vector<16xi32>
    %swap3A_380 = arith.constant 352 : index
    %swap3A_381 = tpu.vector_load %arg8[%swap3A_380] {strides = array<i32>} : memref<512xi32, #tpu.memory_space<vmem>>, vector<16xi32>,
    %swap3A_382 = vector.shape_cast %swap3A_381 : vector<16xi32> to vector<16xi32>
    %swap3A_383 = vector.shape_cast %select_n3A_379 : vector<16xi32> to vector<16xi32>
    tpu.vector_store %arg8[%swap3A_380], %swap3A_383 {strides = array<i32>} : memref<512xi32, #tpu.memory_space<vmem>>, vector<16xi32>,
    %get3A_384 = arith.constant 368 : index
    %get3A_385 = tpu.vector_load %arg7[%get3A_384] {strides = array<i32>} : memref<512xi32, #tpu.memory_space<vmem>>, vector<16xi32>,
    %get3A_386 = vector.shape_cast %get3A_385 : vector<16xi32> to vector<16xi32>
    %eq3A_387 = arith.constant 1 : i32
    %eq3A_388 = vector.broadcast %eq3A_387 : i32 to vector<16xi32>
    %eq3A_389 = arith.cmpi eq, %get3A_386, %eq3A_388 : vector<16xi32>
    %broadcast_in_dim3A_390 = arith.constant 1000000 : i32
    %broadcast_in_dim3A_391 = vector.broadcast %broadcast_in_dim3A_390 : i32 to vector<16xi32>
    %get3A_392 = arith.constant 368 : index
    %get3A_393 = tpu.vector_load %arg6[%get3A_392] {strides = array<i32>} : memref<512xi32, #tpu.memory_space<vmem>>, vector<16xi32>,
    %get3A_394 = vector.shape_cast %get3A_393 : vector<16xi32> to vector<16xi32>
    %select_n3A_395 = arith.select %eq3A_389, %broadcast_in_dim3A_391, %get3A_394 : vector<16xi1>, vector<16xi32>
    %swap3A_396 = arith.constant 368 : index
    %swap3A_397 = tpu.vector_load %arg8[%swap3A_396] {strides = array<i32>} : memref<512xi32, #tpu.memory_space<vmem>>, vector<16xi32>,
    %swap3A_398 = vector.shape_cast %swap3A_397 : vector<16xi32> to vector<16xi32>
    %swap3A_399 = vector.shape_cast %select_n3A_395 : vector<16xi32> to vector<16xi32>
    tpu.vector_store %arg8[%swap3A_396], %swap3A_399 {strides = array<i32>} : memref<512xi32, #tpu.memory_space<vmem>>, vector<16xi32>,
    %get3A_400 = arith.constant 384 : index
    %get3A_401 = tpu.vector_load %arg7[%get3A_400] {strides = array<i32>} : memref<512xi32, #tpu.memory_space<vmem>>, vector<16xi32>,
    %get3A_402 = vector.shape_cast %get3A_401 : vector<16xi32> to vector<16xi32>
    %eq3A_403 = arith.constant 1 : i32
    %eq3A_404 = vector.broadcast %eq3A_403 : i32 to vector<16xi32>
    %eq3A_405 = arith.cmpi eq, %get3A_402, %eq3A_404 : vector<16xi32>
    %broadcast_in_dim3A_406 = arith.constant 1000000 : i32
    %broadcast_in_dim3A_407 = vector.broadcast %broadcast_in_dim3A_406 : i32 to vector<16xi32>
    %get3A_408 = arith.constant 384 : index
    %get3A_409 = tpu.vector_load %arg6[%get3A_408] {strides = array<i32>} : memref<512xi32, #tpu.memory_space<vmem>>, vector<16xi32>,
    %get3A_410 = vector.shape_cast %get3A_409 : vector<16xi32> to vector<16xi32>
    %select_n3A_411 = arith.select %eq3A_405, %broadcast_in_dim3A_407, %get3A_410 : vector<16xi1>, vector<16xi32>
    %swap3A_412 = arith.constant 384 : index
    %swap3A_413 = tpu.vector_load %arg8[%swap3A_412] {strides = array<i32>} : memref<512xi32, #tpu.memory_space<vmem>>, vector<16xi32>,
    %swap3A_414 = vector.shape_cast %swap3A_413 : vector<16xi32> to vector<16xi32>
    %swap3A_415 = vector.shape_cast %select_n3A_411 : vector<16xi32> to vector<16xi32>
    tpu.vector_store %arg8[%swap3A_412], %swap3A_415 {strides = array<i32>} : memref<512xi32, #tpu.memory_space<vmem>>, vector<16xi32>,
    %get3A_416 = arith.constant 400 : index
    %get3A_417 = tpu.vector_load %arg7[%get3A_416] {strides = array<i32>} : memref<512xi32, #tpu.memory_space<vmem>>, vector<16xi32>,
    %get3A_418 = vector.shape_cast %get3A_417 : vector<16xi32> to vector<16xi32>
    %eq3A_419 = arith.constant 1 : i32
    %eq3A_420 = vector.broadcast %eq3A_419 : i32 to vector<16xi32>
    %eq3A_421 = arith.cmpi eq, %get3A_418, %eq3A_420 : vector<16xi32>
    %broadcast_in_dim3A_422 = arith.constant 1000000 : i32
    %broadcast_in_dim3A_423 = vector.broadcast %broadcast_in_dim3A_422 : i32 to vector<16xi32>
    %get3A_424 = arith.constant 400 : index
    %get3A_425 = tpu.vector_load %arg6[%get3A_424] {strides = array<i32>} : memref<512xi32, #tpu.memory_space<vmem>>, vector<16xi32>,
    %get3A_426 = vector.shape_cast %get3A_425 : vector<16xi32> to vector<16xi32>
    %select_n3A_427 = arith.select %eq3A_421, %broadcast_in_dim3A_423, %get3A_426 : vector<16xi1>, vector<16xi32>
    %swap3A_428 = arith.constant 400 : index
    %swap3A_429 = tpu.vector_load %arg8[%swap3A_428] {strides = array<i32>} : memref<512xi32, #tpu.memory_space<vmem>>, vector<16xi32>,
    %swap3A_430 = vector.shape_cast %swap3A_429 : vector<16xi32> to vector<16xi32>
    %swap3A_431 = vector.shape_cast %select_n3A_427 : vector<16xi32> to vector<16xi32>
    tpu.vector_store %arg8[%swap3A_428], %swap3A_431 {strides = array<i32>} : memref<512xi32, #tpu.memory_space<vmem>>, vector<16xi32>,
    %get3A_432 = arith.constant 416 : index
    %get3A_433 = tpu.vector_load %arg7[%get3A_432] {strides = array<i32>} : memref<512xi32, #tpu.memory_space<vmem>>, vector<16xi32>,
    %get3A_434 = vector.shape_cast %get3A_433 : vector<16xi32> to vector<16xi32>
    %eq3A_435 = arith.constant 1 : i32
    %eq3A_436 = vector.broadcast %eq3A_435 : i32 to vector<16xi32>
    %eq3A_437 = arith.cmpi eq, %get3A_434, %eq3A_436 : vector<16xi32>
    %broadcast_in_dim3A_438 = arith.constant 1000000 : i32
    %broadcast_in_dim3A_439 = vector.broadcast %broadcast_in_dim3A_438 : i32 to vector<16xi32>
    %get3A_440 = arith.constant 416 : index
    %get3A_441 = tpu.vector_load %arg6[%get3A_440] {strides = array<i32>} : memref<512xi32, #tpu.memory_space<vmem>>, vector<16xi32>,
    %get3A_442 = vector.shape_cast %get3A_441 : vector<16xi32> to vector<16xi32>
    %select_n3A_443 = arith.select %eq3A_437, %broadcast_in_dim3A_439, %get3A_442 : vector<16xi1>, vector<16xi32>
    %swap3A_444 = arith.constant 416 : index
    %swap3A_445 = tpu.vector_load %arg8[%swap3A_444] {strides = array<i32>} : memref<512xi32, #tpu.memory_space<vmem>>, vector<16xi32>,
    %swap3A_446 = vector.shape_cast %swap3A_445 : vector<16xi32> to vector<16xi32>
    %swap3A_447 = vector.shape_cast %select_n3A_443 : vector<16xi32> to vector<16xi32>
    tpu.vector_store %arg8[%swap3A_444], %swap3A_447 {strides = array<i32>} : memref<512xi32, #tpu.memory_space<vmem>>, vector<16xi32>,
    %get3A_448 = arith.constant 432 : index
    %get3A_449 = tpu.vector_load %arg7[%get3A_448] {strides = array<i32>} : memref<512xi32, #tpu.memory_space<vmem>>, vector<16xi32>,
    %get3A_450 = vector.shape_cast %get3A_449 : vector<16xi32> to vector<16xi32>
    %eq3A_451 = arith.constant 1 : i32
    %eq3A_452 = vector.broadcast %eq3A_451 : i32 to vector<16xi32>
    %eq3A_453 = arith.cmpi eq, %get3A_450, %eq3A_452 : vector<16xi32>
    %broadcast_in_dim3A_454 = arith.constant 1000000 : i32
    %broadcast_in_dim3A_455 = vector.broadcast %broadcast_in_dim3A_454 : i32 to vector<16xi32>
    %get3A_456 = arith.constant 432 : index
    %get3A_457 = tpu.vector_load %arg6[%get3A_456] {strides = array<i32>} : memref<512xi32, #tpu.memory_space<vmem>>, vector<16xi32>,
    %get3A_458 = vector.shape_cast %get3A_457 : vector<16xi32> to vector<16xi32>
    %select_n3A_459 = arith.select %eq3A_453, %broadcast_in_dim3A_455, %get3A_458 : vector<16xi1>, vector<16xi32>
    %swap3A_460 = arith.constant 432 : index
    %swap3A_461 = tpu.vector_load %arg8[%swap3A_460] {strides = array<i32>} : memref<512xi32, #tpu.memory_space<vmem>>, vector<16xi32>,
    %swap3A_462 = vector.shape_cast %swap3A_461 : vector<16xi32> to vector<16xi32>
    %swap3A_463 = vector.shape_cast %select_n3A_459 : vector<16xi32> to vector<16xi32>
    tpu.vector_store %arg8[%swap3A_460], %swap3A_463 {strides = array<i32>} : memref<512xi32, #tpu.memory_space<vmem>>, vector<16xi32>,
    %get3A_464 = arith.constant 448 : index
    %get3A_465 = tpu.vector_load %arg7[%get3A_464] {strides = array<i32>} : memref<512xi32, #tpu.memory_space<vmem>>, vector<16xi32>,
    %get3A_466 = vector.shape_cast %get3A_465 : vector<16xi32> to vector<16xi32>
    %eq3A_467 = arith.constant 1 : i32
    %eq3A_468 = vector.broadcast %eq3A_467 : i32 to vector<16xi32>
    %eq3A_469 = arith.cmpi eq, %get3A_466, %eq3A_468 : vector<16xi32>
    %broadcast_in_dim3A_470 = arith.constant 1000000 : i32
    %broadcast_in_dim3A_471 = vector.broadcast %broadcast_in_dim3A_470 : i32 to vector<16xi32>
    %get3A_472 = arith.constant 448 : index
    %get3A_473 = tpu.vector_load %arg6[%get3A_472] {strides = array<i32>} : memref<512xi32, #tpu.memory_space<vmem>>, vector<16xi32>,
    %get3A_474 = vector.shape_cast %get3A_473 : vector<16xi32> to vector<16xi32>
    %select_n3A_475 = arith.select %eq3A_469, %broadcast_in_dim3A_471, %get3A_474 : vector<16xi1>, vector<16xi32>
    %swap3A_476 = arith.constant 448 : index
    %swap3A_477 = tpu.vector_load %arg8[%swap3A_476] {strides = array<i32>} : memref<512xi32, #tpu.memory_space<vmem>>, vector<16xi32>,
    %swap3A_478 = vector.shape_cast %swap3A_477 : vector<16xi32> to vector<16xi32>
    %swap3A_479 = vector.shape_cast %select_n3A_475 : vector<16xi32> to vector<16xi32>
    tpu.vector_store %arg8[%swap3A_476], %swap3A_479 {strides = array<i32>} : memref<512xi32, #tpu.memory_space<vmem>>, vector<16xi32>,
    %get3A_480 = arith.constant 464 : index
    %get3A_481 = tpu.vector_load %arg7[%get3A_480] {strides = array<i32>} : memref<512xi32, #tpu.memory_space<vmem>>, vector<16xi32>,
    %get3A_482 = vector.shape_cast %get3A_481 : vector<16xi32> to vector<16xi32>
    %eq3A_483 = arith.constant 1 : i32
    %eq3A_484 = vector.broadcast %eq3A_483 : i32 to vector<16xi32>
    %eq3A_485 = arith.cmpi eq, %get3A_482, %eq3A_484 : vector<16xi32>
    %broadcast_in_dim3A_486 = arith.constant 1000000 : i32
    %broadcast_in_dim3A_487 = vector.broadcast %broadcast_in_dim3A_486 : i32 to vector<16xi32>
    %get3A_488 = arith.constant 464 : index
    %get3A_489 = tpu.vector_load %arg6[%get3A_488] {strides = array<i32>} : memref<512xi32, #tpu.memory_space<vmem>>, vector<16xi32>,
    %get3A_490 = vector.shape_cast %get3A_489 : vector<16xi32> to vector<16xi32>
    %select_n3A_491 = arith.select %eq3A_485, %broadcast_in_dim3A_487, %get3A_490 : vector<16xi1>, vector<16xi32>
    %swap3A_492 = arith.constant 464 : index
    %swap3A_493 = tpu.vector_load %arg8[%swap3A_492] {strides = array<i32>} : memref<512xi32, #tpu.memory_space<vmem>>, vector<16xi32>,
    %swap3A_494 = vector.shape_cast %swap3A_493 : vector<16xi32> to vector<16xi32>
    %swap3A_495 = vector.shape_cast %select_n3A_491 : vector<16xi32> to vector<16xi32>
    tpu.vector_store %arg8[%swap3A_492], %swap3A_495 {strides = array<i32>} : memref<512xi32, #tpu.memory_space<vmem>>, vector<16xi32>,
    %get3A_496 = arith.constant 480 : index
    %get3A_497 = tpu.vector_load %arg7[%get3A_496] {strides = array<i32>} : memref<512xi32, #tpu.memory_space<vmem>>, vector<16xi32>,
    %get3A_498 = vector.shape_cast %get3A_497 : vector<16xi32> to vector<16xi32>
    %eq3A_499 = arith.constant 1 : i32
    %eq3A_500 = vector.broadcast %eq3A_499 : i32 to vector<16xi32>
    %eq3A_501 = arith.cmpi eq, %get3A_498, %eq3A_500 : vector<16xi32>
    %broadcast_in_dim3A_502 = arith.constant 1000000 : i32
    %broadcast_in_dim3A_503 = vector.broadcast %broadcast_in_dim3A_502 : i32 to vector<16xi32>
    %get3A_504 = arith.constant 480 : index
    %get3A_505 = tpu.vector_load %arg6[%get3A_504] {strides = array<i32>} : memref<512xi32, #tpu.memory_space<vmem>>, vector<16xi32>,
    %get3A_506 = vector.shape_cast %get3A_505 : vector<16xi32> to vector<16xi32>
    %select_n3A_507 = arith.select %eq3A_501, %broadcast_in_dim3A_503, %get3A_506 : vector<16xi1>, vector<16xi32>
    %swap3A_508 = arith.constant 480 : index
    %swap3A_509 = tpu.vector_load %arg8[%swap3A_508] {strides = array<i32>} : memref<512xi32, #tpu.memory_space<vmem>>, vector<16xi32>,
    %swap3A_510 = vector.shape_cast %swap3A_509 : vector<16xi32> to vector<16xi32>
    %swap3A_511 = vector.shape_cast %select_n3A_507 : vector<16xi32> to vector<16xi32>
    tpu.vector_store %arg8[%swap3A_508], %swap3A_511 {strides = array<i32>} : memref<512xi32, #tpu.memory_space<vmem>>, vector<16xi32>,
    %get3A_512 = arith.constant 496 : index
    %get3A_513 = tpu.vector_load %arg7[%get3A_512] {strides = array<i32>} : memref<512xi32, #tpu.memory_space<vmem>>, vector<16xi32>,
    %get3A_514 = vector.shape_cast %get3A_513 : vector<16xi32> to vector<16xi32>
    %eq3A_515 = arith.constant 1 : i32
    %eq3A_516 = vector.broadcast %eq3A_515 : i32 to vector<16xi32>
    %eq3A_517 = arith.cmpi eq, %get3A_514, %eq3A_516 : vector<16xi32>
    %broadcast_in_dim3A_518 = arith.constant 1000000 : i32
    %broadcast_in_dim3A_519 = vector.broadcast %broadcast_in_dim3A_518 : i32 to vector<16xi32>
    %get3A_520 = arith.constant 496 : index
    %get3A_521 = tpu.vector_load %arg6[%get3A_520] {strides = array<i32>} : memref<512xi32, #tpu.memory_space<vmem>>, vector<16xi32>,
    %get3A_522 = vector.shape_cast %get3A_521 : vector<16xi32> to vector<16xi32>
    %select_n3A_523 = arith.select %eq3A_517, %broadcast_in_dim3A_519, %get3A_522 : vector<16xi1>, vector<16xi32>
    %swap3A_524 = arith.constant 496 : index
    %swap3A_525 = tpu.vector_load %arg8[%swap3A_524] {strides = array<i32>} : memref<512xi32, #tpu.memory_space<vmem>>, vector<16xi32>,
    %swap3A_526 = vector.shape_cast %swap3A_525 : vector<16xi32> to vector<16xi32>
    %swap3A_527 = vector.shape_cast %select_n3A_523 : vector<16xi32> to vector<16xi32>
    tpu.vector_store %arg8[%swap3A_524], %swap3A_527 {strides = array<i32>} : memref<512xi32, #tpu.memory_space<vmem>>, vector<16xi32>,
    %get3A_528 = arith.constant 0 : i32
    %get3A_529 = arith.constant 0 : i32
    %get3A_530 = tpu.memref_slice %arg9[%get3A_528, %get3A_529] : memref<1x64xf32, #tpu.memory_space<vmem>> -> memref<1x64xf32, #tpu.memory_space<vmem>>
    %get3A_531 = tpu.memref_squeeze %get3A_530 : memref<1x64xf32, #tpu.memory_space<vmem>> -> memref<64xf32, #tpu.memory_space<vmem>>
    %get3A_532 = arith.constant 0 : index
    %get3A_533 = tpu.vector_load %get3A_531[%get3A_532] {strides = array<i32>} : memref<64xf32, #tpu.memory_space<vmem>>, vector<16xf32>,
    %get3A_534 = vector.shape_cast %get3A_533 : vector<16xf32> to vector<16xf32>
    %get3A_535 = arith.constant 0 : i32
    %get3A_536 = arith.constant 0 : i32
    %get3A_537 = tpu.memref_slice %arg9[%get3A_535, %get3A_536] : memref<1x64xf32, #tpu.memory_space<vmem>> -> memref<1x64xf32, #tpu.memory_space<vmem>>
    %get3A_538 = tpu.memref_squeeze %get3A_537 : memref<1x64xf32, #tpu.memory_space<vmem>> -> memref<64xf32, #tpu.memory_space<vmem>>
    %get3A_539 = arith.constant 16 : index
    %get3A_540 = tpu.vector_load %get3A_538[%get3A_539] {strides = array<i32>} : memref<64xf32, #tpu.memory_space<vmem>>, vector<16xf32>,
    %get3A_541 = vector.shape_cast %get3A_540 : vector<16xf32> to vector<16xf32>
    %get3A_542 = arith.constant 0 : i32
    %get3A_543 = arith.constant 0 : i32
    %get3A_544 = tpu.memref_slice %arg9[%get3A_542, %get3A_543] : memref<1x64xf32, #tpu.memory_space<vmem>> -> memref<1x64xf32, #tpu.memory_space<vmem>>
    %get3A_545 = tpu.memref_squeeze %get3A_544 : memref<1x64xf32, #tpu.memory_space<vmem>> -> memref<64xf32, #tpu.memory_space<vmem>>
    %get3A_546 = arith.constant 32 : index
    %get3A_547 = tpu.vector_load %get3A_545[%get3A_546] {strides = array<i32>} : memref<64xf32, #tpu.memory_space<vmem>>, vector<16xf32>,
    %get3A_548 = vector.shape_cast %get3A_547 : vector<16xf32> to vector<16xf32>
    %get3A_549 = arith.constant 0 : i32
    %get3A_550 = arith.constant 0 : i32
    %get3A_551 = tpu.memref_slice %arg9[%get3A_549, %get3A_550] : memref<1x64xf32, #tpu.memory_space<vmem>> -> memref<1x64xf32, #tpu.memory_space<vmem>>
    %get3A_552 = tpu.memref_squeeze %get3A_551 : memref<1x64xf32, #tpu.memory_space<vmem>> -> memref<64xf32, #tpu.memory_space<vmem>>
    %get3A_553 = arith.constant 48 : index
    %get3A_554 = tpu.vector_load %get3A_552[%get3A_553] {strides = array<i32>} : memref<64xf32, #tpu.memory_space<vmem>>, vector<16xf32>,
    %get3A_555 = vector.shape_cast %get3A_554 : vector<16xf32> to vector<16xf32>
    %scan3A = arith.constant 0 : i32
    %scan3A_556 = arith.constant 32 : i32
    %scan3A_557 = arith.addi %scan3A, %scan3A_556 : i32
    %scan3A_558 = arith.constant 1 : i32
    scf.for %scan3A_565 = %scan3A to %scan3A_557 step %scan3A_558  : i32 {
      %mul3A_566 = arith.constant 1 : i32
      %mul3A_567 = arith.muli %scan3A_565, %mul3A_566 : i32
      %add3A_568 = arith.constant 0 : i32
      %add3A_569 = arith.addi %add3A_568, %mul3A_567 : i32
      %mul3A_570 = arith.constant 16 : i32
      %mul3A_571 = arith.muli %add3A_569, %mul3A_570 : i32
      %get3A_572 = arith.index_cast %mul3A_571 : i32 to index
      %get3A_573 = tpu.vector_load %arg7[%get3A_572] {strides = array<i32>} : memref<512xi32, #tpu.memory_space<vmem>>, vector<16xi32>,
      %get3A_574 = vector.shape_cast %get3A_573 : vector<16xi32> to vector<16xi32>
      %add3A_575 = arith.constant 0 : i32
      %add3A_576 = arith.addi %mul3A_571, %add3A_575 : i32
      %slice3A = vector.extract_strided_slice %get3A_574 {offsets = [0], sizes = [1], strides = [1]} : vector<16xi32> to vector<1xi32>
      %squeeze3A = vector.extract %slice3A[0] : i32 from vector<1xi32>
      %eq3A_577 = arith.constant 1 : i32
      %eq3A_578 = arith.cmpi eq, %squeeze3A, %eq3A_577 : i32
      %convert_element_type3A = arith.extui %eq3A_578 : i1 to i32
      %cond3A = arith.constant 0 : i32
      %cond3A_579 = arith.cmpi ne, %convert_element_type3A, %cond3A : i32
      scf.if %cond3A_579 {
        %swap3A_715 = arith.constant 0 : i32
        %swap3A_716 = tpu.memref_slice %arg10[%add3A_576, %swap3A_715] : memref<512x64xf32, #tpu.memory_space<vmem>> -> memref<1x64xf32, #tpu.memory_space<vmem>>
        %swap3A_717 = tpu.memref_squeeze %swap3A_716 : memref<1x64xf32, #tpu.memory_space<vmem>> -> memref<64xf32, #tpu.memory_space<vmem>>
        %swap3A_718 = arith.constant 0 : index
        %swap3A_719 = tpu.vector_load %swap3A_717[%swap3A_718] {strides = array<i32>} : memref<64xf32, #tpu.memory_space<vmem>>, vector<16xf32>,
        %swap3A_720 = vector.shape_cast %swap3A_719 : vector<16xf32> to vector<16xf32>
        %swap3A_721 = vector.shape_cast %get3A_534 : vector<16xf32> to vector<16xf32>
        tpu.vector_store %swap3A_717[%swap3A_718], %swap3A_721 {strides = array<i32>} : memref<64xf32, #tpu.memory_space<vmem>>, vector<16xf32>,
        %swap3A_722 = arith.constant 0 : i32
        %swap3A_723 = tpu.memref_slice %arg10[%add3A_576, %swap3A_722] : memref<512x64xf32, #tpu.memory_space<vmem>> -> memref<1x64xf32, #tpu.memory_space<vmem>>
        %swap3A_724 = tpu.memref_squeeze %swap3A_723 : memref<1x64xf32, #tpu.memory_space<vmem>> -> memref<64xf32, #tpu.memory_space<vmem>>
        %swap3A_725 = arith.constant 16 : index
        %swap3A_726 = tpu.vector_load %swap3A_724[%swap3A_725] {strides = array<i32>} : memref<64xf32, #tpu.memory_space<vmem>>, vector<16xf32>,
        %swap3A_727 = vector.shape_cast %swap3A_726 : vector<16xf32> to vector<16xf32>
        %swap3A_728 = vector.shape_cast %get3A_541 : vector<16xf32> to vector<16xf32>
        tpu.vector_store %swap3A_724[%swap3A_725], %swap3A_728 {strides = array<i32>} : memref<64xf32, #tpu.memory_space<vmem>>, vector<16xf32>,
        %swap3A_729 = arith.constant 0 : i32
        %swap3A_730 = tpu.memref_slice %arg10[%add3A_576, %swap3A_729] : memref<512x64xf32, #tpu.memory_space<vmem>> -> memref<1x64xf32, #tpu.memory_space<vmem>>
        %swap3A_731 = tpu.memref_squeeze %swap3A_730 : memref<1x64xf32, #tpu.memory_space<vmem>> -> memref<64xf32, #tpu.memory_space<vmem>>
        %swap3A_732 = arith.constant 32 : index
        %swap3A_733 = tpu.vector_load %swap3A_731[%swap3A_732] {strides = array<i32>} : memref<64xf32, #tpu.memory_space<vmem>>, vector<16xf32>,
        %swap3A_734 = vector.shape_cast %swap3A_733 : vector<16xf32> to vector<16xf32>
        %swap3A_735 = vector.shape_cast %get3A_548 : vector<16xf32> to vector<16xf32>
        tpu.vector_store %swap3A_731[%swap3A_732], %swap3A_735 {strides = array<i32>} : memref<64xf32, #tpu.memory_space<vmem>>, vector<16xf32>,
        %swap3A_736 = arith.constant 0 : i32
        %swap3A_737 = tpu.memref_slice %arg10[%add3A_576, %swap3A_736] : memref<512x64xf32, #tpu.memory_space<vmem>> -> memref<1x64xf32, #tpu.memory_space<vmem>>
        %swap3A_738 = tpu.memref_squeeze %swap3A_737 : memref<1x64xf32, #tpu.memory_space<vmem>> -> memref<64xf32, #tpu.memory_space<vmem>>
        %swap3A_739 = arith.constant 48 : index
        %swap3A_740 = tpu.vector_load %swap3A_738[%swap3A_739] {strides = array<i32>} : memref<64xf32, #tpu.memory_space<vmem>>, vector<16xf32>,
        %swap3A_741 = vector.shape_cast %swap3A_740 : vector<16xf32> to vector<16xf32>
        %swap3A_742 = vector.shape_cast %get3A_555 : vector<16xf32> to vector<16xf32>
        tpu.vector_store %swap3A_738[%swap3A_739], %swap3A_742 {strides = array<i32>} : memref<64xf32, #tpu.memory_space<vmem>>, vector<16xf32>,
      } else {
      }
      %add3A_580 = arith.constant 1 : i32
      %add3A_581 = arith.addi %mul3A_571, %add3A_580 : i32
      %slice3A_582 = vector.extract_strided_slice %get3A_574 {offsets = [1], sizes = [1], strides = [1]} : vector<16xi32> to vector<1xi32>
      %squeeze3A_583 = vector.extract %slice3A_582[0] : i32 from vector<1xi32>
      %eq3A_584 = arith.constant 1 : i32
      %eq3A_585 = arith.cmpi eq, %squeeze3A_583, %eq3A_584 : i32
      %convert_element_type3A_586 = arith.extui %eq3A_585 : i1 to i32
      %cond3A_587 = arith.constant 0 : i32
      %cond3A_588 = arith.cmpi ne, %convert_element_type3A_586, %cond3A_587 : i32
      scf.if %cond3A_588 {
        %swap3A_715 = arith.constant 0 : i32
        %swap3A_716 = tpu.memref_slice %arg10[%add3A_581, %swap3A_715] : memref<512x64xf32, #tpu.memory_space<vmem>> -> memref<1x64xf32, #tpu.memory_space<vmem>>
        %swap3A_717 = tpu.memref_squeeze %swap3A_716 : memref<1x64xf32, #tpu.memory_space<vmem>> -> memref<64xf32, #tpu.memory_space<vmem>>
        %swap3A_718 = arith.constant 0 : index
        %swap3A_719 = tpu.vector_load %swap3A_717[%swap3A_718] {strides = array<i32>} : memref<64xf32, #tpu.memory_space<vmem>>, vector<16xf32>,
        %swap3A_720 = vector.shape_cast %swap3A_719 : vector<16xf32> to vector<16xf32>
        %swap3A_721 = vector.shape_cast %get3A_534 : vector<16xf32> to vector<16xf32>
        tpu.vector_store %swap3A_717[%swap3A_718], %swap3A_721 {strides = array<i32>} : memref<64xf32, #tpu.memory_space<vmem>>, vector<16xf32>,
        %swap3A_722 = arith.constant 0 : i32
        %swap3A_723 = tpu.memref_slice %arg10[%add3A_581, %swap3A_722] : memref<512x64xf32, #tpu.memory_space<vmem>> -> memref<1x64xf32, #tpu.memory_space<vmem>>
        %swap3A_724 = tpu.memref_squeeze %swap3A_723 : memref<1x64xf32, #tpu.memory_space<vmem>> -> memref<64xf32, #tpu.memory_space<vmem>>
        %swap3A_725 = arith.constant 16 : index
        %swap3A_726 = tpu.vector_load %swap3A_724[%swap3A_725] {strides = array<i32>} : memref<64xf32, #tpu.memory_space<vmem>>, vector<16xf32>,
        %swap3A_727 = vector.shape_cast %swap3A_726 : vector<16xf32> to vector<16xf32>
        %swap3A_728 = vector.shape_cast %get3A_541 : vector<16xf32> to vector<16xf32>
        tpu.vector_store %swap3A_724[%swap3A_725], %swap3A_728 {strides = array<i32>} : memref<64xf32, #tpu.memory_space<vmem>>, vector<16xf32>,
        %swap3A_729 = arith.constant 0 : i32
        %swap3A_730 = tpu.memref_slice %arg10[%add3A_581, %swap3A_729] : memref<512x64xf32, #tpu.memory_space<vmem>> -> memref<1x64xf32, #tpu.memory_space<vmem>>
        %swap3A_731 = tpu.memref_squeeze %swap3A_730 : memref<1x64xf32, #tpu.memory_space<vmem>> -> memref<64xf32, #tpu.memory_space<vmem>>
        %swap3A_732 = arith.constant 32 : index
        %swap3A_733 = tpu.vector_load %swap3A_731[%swap3A_732] {strides = array<i32>} : memref<64xf32, #tpu.memory_space<vmem>>, vector<16xf32>,
        %swap3A_734 = vector.shape_cast %swap3A_733 : vector<16xf32> to vector<16xf32>
        %swap3A_735 = vector.shape_cast %get3A_548 : vector<16xf32> to vector<16xf32>
        tpu.vector_store %swap3A_731[%swap3A_732], %swap3A_735 {strides = array<i32>} : memref<64xf32, #tpu.memory_space<vmem>>, vector<16xf32>,
        %swap3A_736 = arith.constant 0 : i32
        %swap3A_737 = tpu.memref_slice %arg10[%add3A_581, %swap3A_736] : memref<512x64xf32, #tpu.memory_space<vmem>> -> memref<1x64xf32, #tpu.memory_space<vmem>>
        %swap3A_738 = tpu.memref_squeeze %swap3A_737 : memref<1x64xf32, #tpu.memory_space<vmem>> -> memref<64xf32, #tpu.memory_space<vmem>>
        %swap3A_739 = arith.constant 48 : index
        %swap3A_740 = tpu.vector_load %swap3A_738[%swap3A_739] {strides = array<i32>} : memref<64xf32, #tpu.memory_space<vmem>>, vector<16xf32>,
        %swap3A_741 = vector.shape_cast %swap3A_740 : vector<16xf32> to vector<16xf32>
        %swap3A_742 = vector.shape_cast %get3A_555 : vector<16xf32> to vector<16xf32>
        tpu.vector_store %swap3A_738[%swap3A_739], %swap3A_742 {strides = array<i32>} : memref<64xf32, #tpu.memory_space<vmem>>, vector<16xf32>,
      } else {
      }
      %add3A_589 = arith.constant 2 : i32
      %add3A_590 = arith.addi %mul3A_571, %add3A_589 : i32
      %slice3A_591 = vector.extract_strided_slice %get3A_574 {offsets = [2], sizes = [1], strides = [1]} : vector<16xi32> to vector<1xi32>
      %squeeze3A_592 = vector.extract %slice3A_591[0] : i32 from vector<1xi32>
      %eq3A_593 = arith.constant 1 : i32
      %eq3A_594 = arith.cmpi eq, %squeeze3A_592, %eq3A_593 : i32
      %convert_element_type3A_595 = arith.extui %eq3A_594 : i1 to i32
      %cond3A_596 = arith.constant 0 : i32
      %cond3A_597 = arith.cmpi ne, %convert_element_type3A_595, %cond3A_596 : i32
      scf.if %cond3A_597 {
        %swap3A_715 = arith.constant 0 : i32
        %swap3A_716 = tpu.memref_slice %arg10[%add3A_590, %swap3A_715] : memref<512x64xf32, #tpu.memory_space<vmem>> -> memref<1x64xf32, #tpu.memory_space<vmem>>
        %swap3A_717 = tpu.memref_squeeze %swap3A_716 : memref<1x64xf32, #tpu.memory_space<vmem>> -> memref<64xf32, #tpu.memory_space<vmem>>
        %swap3A_718 = arith.constant 0 : index
        %swap3A_719 = tpu.vector_load %swap3A_717[%swap3A_718] {strides = array<i32>} : memref<64xf32, #tpu.memory_space<vmem>>, vector<16xf32>,
        %swap3A_720 = vector.shape_cast %swap3A_719 : vector<16xf32> to vector<16xf32>
        %swap3A_721 = vector.shape_cast %get3A_534 : vector<16xf32> to vector<16xf32>
        tpu.vector_store %swap3A_717[%swap3A_718], %swap3A_721 {strides = array<i32>} : memref<64xf32, #tpu.memory_space<vmem>>, vector<16xf32>,
        %swap3A_722 = arith.constant 0 : i32
        %swap3A_723 = tpu.memref_slice %arg10[%add3A_590, %swap3A_722] : memref<512x64xf32, #tpu.memory_space<vmem>> -> memref<1x64xf32, #tpu.memory_space<vmem>>
        %swap3A_724 = tpu.memref_squeeze %swap3A_723 : memref<1x64xf32, #tpu.memory_space<vmem>> -> memref<64xf32, #tpu.memory_space<vmem>>
        %swap3A_725 = arith.constant 16 : index
        %swap3A_726 = tpu.vector_load %swap3A_724[%swap3A_725] {strides = array<i32>} : memref<64xf32, #tpu.memory_space<vmem>>, vector<16xf32>,
        %swap3A_727 = vector.shape_cast %swap3A_726 : vector<16xf32> to vector<16xf32>
        %swap3A_728 = vector.shape_cast %get3A_541 : vector<16xf32> to vector<16xf32>
        tpu.vector_store %swap3A_724[%swap3A_725], %swap3A_728 {strides = array<i32>} : memref<64xf32, #tpu.memory_space<vmem>>, vector<16xf32>,
        %swap3A_729 = arith.constant 0 : i32
        %swap3A_730 = tpu.memref_slice %arg10[%add3A_590, %swap3A_729] : memref<512x64xf32, #tpu.memory_space<vmem>> -> memref<1x64xf32, #tpu.memory_space<vmem>>
        %swap3A_731 = tpu.memref_squeeze %swap3A_730 : memref<1x64xf32, #tpu.memory_space<vmem>> -> memref<64xf32, #tpu.memory_space<vmem>>
        %swap3A_732 = arith.constant 32 : index
        %swap3A_733 = tpu.vector_load %swap3A_731[%swap3A_732] {strides = array<i32>} : memref<64xf32, #tpu.memory_space<vmem>>, vector<16xf32>,
        %swap3A_734 = vector.shape_cast %swap3A_733 : vector<16xf32> to vector<16xf32>
        %swap3A_735 = vector.shape_cast %get3A_548 : vector<16xf32> to vector<16xf32>
        tpu.vector_store %swap3A_731[%swap3A_732], %swap3A_735 {strides = array<i32>} : memref<64xf32, #tpu.memory_space<vmem>>, vector<16xf32>,
        %swap3A_736 = arith.constant 0 : i32
        %swap3A_737 = tpu.memref_slice %arg10[%add3A_590, %swap3A_736] : memref<512x64xf32, #tpu.memory_space<vmem>> -> memref<1x64xf32, #tpu.memory_space<vmem>>
        %swap3A_738 = tpu.memref_squeeze %swap3A_737 : memref<1x64xf32, #tpu.memory_space<vmem>> -> memref<64xf32, #tpu.memory_space<vmem>>
        %swap3A_739 = arith.constant 48 : index
        %swap3A_740 = tpu.vector_load %swap3A_738[%swap3A_739] {strides = array<i32>} : memref<64xf32, #tpu.memory_space<vmem>>, vector<16xf32>,
        %swap3A_741 = vector.shape_cast %swap3A_740 : vector<16xf32> to vector<16xf32>
        %swap3A_742 = vector.shape_cast %get3A_555 : vector<16xf32> to vector<16xf32>
        tpu.vector_store %swap3A_738[%swap3A_739], %swap3A_742 {strides = array<i32>} : memref<64xf32, #tpu.memory_space<vmem>>, vector<16xf32>,
      } else {
      }
      %add3A_598 = arith.constant 3 : i32
      %add3A_599 = arith.addi %mul3A_571, %add3A_598 : i32
      %slice3A_600 = vector.extract_strided_slice %get3A_574 {offsets = [3], sizes = [1], strides = [1]} : vector<16xi32> to vector<1xi32>
      %squeeze3A_601 = vector.extract %slice3A_600[0] : i32 from vector<1xi32>
      %eq3A_602 = arith.constant 1 : i32
      %eq3A_603 = arith.cmpi eq, %squeeze3A_601, %eq3A_602 : i32
      %convert_element_type3A_604 = arith.extui %eq3A_603 : i1 to i32
      %cond3A_605 = arith.constant 0 : i32
      %cond3A_606 = arith.cmpi ne, %convert_element_type3A_604, %cond3A_605 : i32
      scf.if %cond3A_606 {
        %swap3A_715 = arith.constant 0 : i32
        %swap3A_716 = tpu.memref_slice %arg10[%add3A_599, %swap3A_715] : memref<512x64xf32, #tpu.memory_space<vmem>> -> memref<1x64xf32, #tpu.memory_space<vmem>>
        %swap3A_717 = tpu.memref_squeeze %swap3A_716 : memref<1x64xf32, #tpu.memory_space<vmem>> -> memref<64xf32, #tpu.memory_space<vmem>>
        %swap3A_718 = arith.constant 0 : index
        %swap3A_719 = tpu.vector_load %swap3A_717[%swap3A_718] {strides = array<i32>} : memref<64xf32, #tpu.memory_space<vmem>>, vector<16xf32>,
        %swap3A_720 = vector.shape_cast %swap3A_719 : vector<16xf32> to vector<16xf32>
        %swap3A_721 = vector.shape_cast %get3A_534 : vector<16xf32> to vector<16xf32>
        tpu.vector_store %swap3A_717[%swap3A_718], %swap3A_721 {strides = array<i32>} : memref<64xf32, #tpu.memory_space<vmem>>, vector<16xf32>,
        %swap3A_722 = arith.constant 0 : i32
        %swap3A_723 = tpu.memref_slice %arg10[%add3A_599, %swap3A_722] : memref<512x64xf32, #tpu.memory_space<vmem>> -> memref<1x64xf32, #tpu.memory_space<vmem>>
        %swap3A_724 = tpu.memref_squeeze %swap3A_723 : memref<1x64xf32, #tpu.memory_space<vmem>> -> memref<64xf32, #tpu.memory_space<vmem>>
        %swap3A_725 = arith.constant 16 : index
        %swap3A_726 = tpu.vector_load %swap3A_724[%swap3A_725] {strides = array<i32>} : memref<64xf32, #tpu.memory_space<vmem>>, vector<16xf32>,
        %swap3A_727 = vector.shape_cast %swap3A_726 : vector<16xf32> to vector<16xf32>
        %swap3A_728 = vector.shape_cast %get3A_541 : vector<16xf32> to vector<16xf32>
        tpu.vector_store %swap3A_724[%swap3A_725], %swap3A_728 {strides = array<i32>} : memref<64xf32, #tpu.memory_space<vmem>>, vector<16xf32>,
        %swap3A_729 = arith.constant 0 : i32
        %swap3A_730 = tpu.memref_slice %arg10[%add3A_599, %swap3A_729] : memref<512x64xf32, #tpu.memory_space<vmem>> -> memref<1x64xf32, #tpu.memory_space<vmem>>
        %swap3A_731 = tpu.memref_squeeze %swap3A_730 : memref<1x64xf32, #tpu.memory_space<vmem>> -> memref<64xf32, #tpu.memory_space<vmem>>
        %swap3A_732 = arith.constant 32 : index
        %swap3A_733 = tpu.vector_load %swap3A_731[%swap3A_732] {strides = array<i32>} : memref<64xf32, #tpu.memory_space<vmem>>, vector<16xf32>,
        %swap3A_734 = vector.shape_cast %swap3A_733 : vector<16xf32> to vector<16xf32>
        %swap3A_735 = vector.shape_cast %get3A_548 : vector<16xf32> to vector<16xf32>
        tpu.vector_store %swap3A_731[%swap3A_732], %swap3A_735 {strides = array<i32>} : memref<64xf32, #tpu.memory_space<vmem>>, vector<16xf32>,
        %swap3A_736 = arith.constant 0 : i32
        %swap3A_737 = tpu.memref_slice %arg10[%add3A_599, %swap3A_736] : memref<512x64xf32, #tpu.memory_space<vmem>> -> memref<1x64xf32, #tpu.memory_space<vmem>>
        %swap3A_738 = tpu.memref_squeeze %swap3A_737 : memref<1x64xf32, #tpu.memory_space<vmem>> -> memref<64xf32, #tpu.memory_space<vmem>>
        %swap3A_739 = arith.constant 48 : index
        %swap3A_740 = tpu.vector_load %swap3A_738[%swap3A_739] {strides = array<i32>} : memref<64xf32, #tpu.memory_space<vmem>>, vector<16xf32>,
        %swap3A_741 = vector.shape_cast %swap3A_740 : vector<16xf32> to vector<16xf32>
        %swap3A_742 = vector.shape_cast %get3A_555 : vector<16xf32> to vector<16xf32>
        tpu.vector_store %swap3A_738[%swap3A_739], %swap3A_742 {strides = array<i32>} : memref<64xf32, #tpu.memory_space<vmem>>, vector<16xf32>,
      } else {
      }
      %add3A_607 = arith.constant 4 : i32
      %add3A_608 = arith.addi %mul3A_571, %add3A_607 : i32
      %slice3A_609 = vector.extract_strided_slice %get3A_574 {offsets = [4], sizes = [1], strides = [1]} : vector<16xi32> to vector<1xi32>
      %squeeze3A_610 = vector.extract %slice3A_609[0] : i32 from vector<1xi32>
      %eq3A_611 = arith.constant 1 : i32
      %eq3A_612 = arith.cmpi eq, %squeeze3A_610, %eq3A_611 : i32
      %convert_element_type3A_613 = arith.extui %eq3A_612 : i1 to i32
      %cond3A_614 = arith.constant 0 : i32
      %cond3A_615 = arith.cmpi ne, %convert_element_type3A_613, %cond3A_614 : i32
      scf.if %cond3A_615 {
        %swap3A_715 = arith.constant 0 : i32
        %swap3A_716 = tpu.memref_slice %arg10[%add3A_608, %swap3A_715] : memref<512x64xf32, #tpu.memory_space<vmem>> -> memref<1x64xf32, #tpu.memory_space<vmem>>
        %swap3A_717 = tpu.memref_squeeze %swap3A_716 : memref<1x64xf32, #tpu.memory_space<vmem>> -> memref<64xf32, #tpu.memory_space<vmem>>
        %swap3A_718 = arith.constant 0 : index
        %swap3A_719 = tpu.vector_load %swap3A_717[%swap3A_718] {strides = array<i32>} : memref<64xf32, #tpu.memory_space<vmem>>, vector<16xf32>,
        %swap3A_720 = vector.shape_cast %swap3A_719 : vector<16xf32> to vector<16xf32>
        %swap3A_721 = vector.shape_cast %get3A_534 : vector<16xf32> to vector<16xf32>
        tpu.vector_store %swap3A_717[%swap3A_718], %swap3A_721 {strides = array<i32>} : memref<64xf32, #tpu.memory_space<vmem>>, vector<16xf32>,
        %swap3A_722 = arith.constant 0 : i32
        %swap3A_723 = tpu.memref_slice %arg10[%add3A_608, %swap3A_722] : memref<512x64xf32, #tpu.memory_space<vmem>> -> memref<1x64xf32, #tpu.memory_space<vmem>>
        %swap3A_724 = tpu.memref_squeeze %swap3A_723 : memref<1x64xf32, #tpu.memory_space<vmem>> -> memref<64xf32, #tpu.memory_space<vmem>>
        %swap3A_725 = arith.constant 16 : index
        %swap3A_726 = tpu.vector_load %swap3A_724[%swap3A_725] {strides = array<i32>} : memref<64xf32, #tpu.memory_space<vmem>>, vector<16xf32>,
        %swap3A_727 = vector.shape_cast %swap3A_726 : vector<16xf32> to vector<16xf32>
        %swap3A_728 = vector.shape_cast %get3A_541 : vector<16xf32> to vector<16xf32>
        tpu.vector_store %swap3A_724[%swap3A_725], %swap3A_728 {strides = array<i32>} : memref<64xf32, #tpu.memory_space<vmem>>, vector<16xf32>,
        %swap3A_729 = arith.constant 0 : i32
        %swap3A_730 = tpu.memref_slice %arg10[%add3A_608, %swap3A_729] : memref<512x64xf32, #tpu.memory_space<vmem>> -> memref<1x64xf32, #tpu.memory_space<vmem>>
        %swap3A_731 = tpu.memref_squeeze %swap3A_730 : memref<1x64xf32, #tpu.memory_space<vmem>> -> memref<64xf32, #tpu.memory_space<vmem>>
        %swap3A_732 = arith.constant 32 : index
        %swap3A_733 = tpu.vector_load %swap3A_731[%swap3A_732] {strides = array<i32>} : memref<64xf32, #tpu.memory_space<vmem>>, vector<16xf32>,
        %swap3A_734 = vector.shape_cast %swap3A_733 : vector<16xf32> to vector<16xf32>
        %swap3A_735 = vector.shape_cast %get3A_548 : vector<16xf32> to vector<16xf32>
        tpu.vector_store %swap3A_731[%swap3A_732], %swap3A_735 {strides = array<i32>} : memref<64xf32, #tpu.memory_space<vmem>>, vector<16xf32>,
        %swap3A_736 = arith.constant 0 : i32
        %swap3A_737 = tpu.memref_slice %arg10[%add3A_608, %swap3A_736] : memref<512x64xf32, #tpu.memory_space<vmem>> -> memref<1x64xf32, #tpu.memory_space<vmem>>
        %swap3A_738 = tpu.memref_squeeze %swap3A_737 : memref<1x64xf32, #tpu.memory_space<vmem>> -> memref<64xf32, #tpu.memory_space<vmem>>
        %swap3A_739 = arith.constant 48 : index
        %swap3A_740 = tpu.vector_load %swap3A_738[%swap3A_739] {strides = array<i32>} : memref<64xf32, #tpu.memory_space<vmem>>, vector<16xf32>,
        %swap3A_741 = vector.shape_cast %swap3A_740 : vector<16xf32> to vector<16xf32>
        %swap3A_742 = vector.shape_cast %get3A_555 : vector<16xf32> to vector<16xf32>
        tpu.vector_store %swap3A_738[%swap3A_739], %swap3A_742 {strides = array<i32>} : memref<64xf32, #tpu.memory_space<vmem>>, vector<16xf32>,
      } else {
      }
      %add3A_616 = arith.constant 5 : i32
      %add3A_617 = arith.addi %mul3A_571, %add3A_616 : i32
      %slice3A_618 = vector.extract_strided_slice %get3A_574 {offsets = [5], sizes = [1], strides = [1]} : vector<16xi32> to vector<1xi32>
      %squeeze3A_619 = vector.extract %slice3A_618[0] : i32 from vector<1xi32>
      %eq3A_620 = arith.constant 1 : i32
      %eq3A_621 = arith.cmpi eq, %squeeze3A_619, %eq3A_620 : i32
      %convert_element_type3A_622 = arith.extui %eq3A_621 : i1 to i32
      %cond3A_623 = arith.constant 0 : i32
      %cond3A_624 = arith.cmpi ne, %convert_element_type3A_622, %cond3A_623 : i32
      scf.if %cond3A_624 {
        %swap3A_715 = arith.constant 0 : i32
        %swap3A_716 = tpu.memref_slice %arg10[%add3A_617, %swap3A_715] : memref<512x64xf32, #tpu.memory_space<vmem>> -> memref<1x64xf32, #tpu.memory_space<vmem>>
        %swap3A_717 = tpu.memref_squeeze %swap3A_716 : memref<1x64xf32, #tpu.memory_space<vmem>> -> memref<64xf32, #tpu.memory_space<vmem>>
        %swap3A_718 = arith.constant 0 : index
        %swap3A_719 = tpu.vector_load %swap3A_717[%swap3A_718] {strides = array<i32>} : memref<64xf32, #tpu.memory_space<vmem>>, vector<16xf32>,
        %swap3A_720 = vector.shape_cast %swap3A_719 : vector<16xf32> to vector<16xf32>
        %swap3A_721 = vector.shape_cast %get3A_534 : vector<16xf32> to vector<16xf32>
        tpu.vector_store %swap3A_717[%swap3A_718], %swap3A_721 {strides = array<i32>} : memref<64xf32, #tpu.memory_space<vmem>>, vector<16xf32>,
        %swap3A_722 = arith.constant 0 : i32
        %swap3A_723 = tpu.memref_slice %arg10[%add3A_617, %swap3A_722] : memref<512x64xf32, #tpu.memory_space<vmem>> -> memref<1x64xf32, #tpu.memory_space<vmem>>
        %swap3A_724 = tpu.memref_squeeze %swap3A_723 : memref<1x64xf32, #tpu.memory_space<vmem>> -> memref<64xf32, #tpu.memory_space<vmem>>
        %swap3A_725 = arith.constant 16 : index
        %swap3A_726 = tpu.vector_load %swap3A_724[%swap3A_725] {strides = array<i32>} : memref<64xf32, #tpu.memory_space<vmem>>, vector<16xf32>,
        %swap3A_727 = vector.shape_cast %swap3A_726 : vector<16xf32> to vector<16xf32>
        %swap3A_728 = vector.shape_cast %get3A_541 : vector<16xf32> to vector<16xf32>
        tpu.vector_store %swap3A_724[%swap3A_725], %swap3A_728 {strides = array<i32>} : memref<64xf32, #tpu.memory_space<vmem>>, vector<16xf32>,
        %swap3A_729 = arith.constant 0 : i32
        %swap3A_730 = tpu.memref_slice %arg10[%add3A_617, %swap3A_729] : memref<512x64xf32, #tpu.memory_space<vmem>> -> memref<1x64xf32, #tpu.memory_space<vmem>>
        %swap3A_731 = tpu.memref_squeeze %swap3A_730 : memref<1x64xf32, #tpu.memory_space<vmem>> -> memref<64xf32, #tpu.memory_space<vmem>>
        %swap3A_732 = arith.constant 32 : index
        %swap3A_733 = tpu.vector_load %swap3A_731[%swap3A_732] {strides = array<i32>} : memref<64xf32, #tpu.memory_space<vmem>>, vector<16xf32>,
        %swap3A_734 = vector.shape_cast %swap3A_733 : vector<16xf32> to vector<16xf32>
        %swap3A_735 = vector.shape_cast %get3A_548 : vector<16xf32> to vector<16xf32>
        tpu.vector_store %swap3A_731[%swap3A_732], %swap3A_735 {strides = array<i32>} : memref<64xf32, #tpu.memory_space<vmem>>, vector<16xf32>,
        %swap3A_736 = arith.constant 0 : i32
        %swap3A_737 = tpu.memref_slice %arg10[%add3A_617, %swap3A_736] : memref<512x64xf32, #tpu.memory_space<vmem>> -> memref<1x64xf32, #tpu.memory_space<vmem>>
        %swap3A_738 = tpu.memref_squeeze %swap3A_737 : memref<1x64xf32, #tpu.memory_space<vmem>> -> memref<64xf32, #tpu.memory_space<vmem>>
        %swap3A_739 = arith.constant 48 : index
        %swap3A_740 = tpu.vector_load %swap3A_738[%swap3A_739] {strides = array<i32>} : memref<64xf32, #tpu.memory_space<vmem>>, vector<16xf32>,
        %swap3A_741 = vector.shape_cast %swap3A_740 : vector<16xf32> to vector<16xf32>
        %swap3A_742 = vector.shape_cast %get3A_555 : vector<16xf32> to vector<16xf32>
        tpu.vector_store %swap3A_738[%swap3A_739], %swap3A_742 {strides = array<i32>} : memref<64xf32, #tpu.memory_space<vmem>>, vector<16xf32>,
      } else {
      }
      %add3A_625 = arith.constant 6 : i32
      %add3A_626 = arith.addi %mul3A_571, %add3A_625 : i32
      %slice3A_627 = vector.extract_strided_slice %get3A_574 {offsets = [6], sizes = [1], strides = [1]} : vector<16xi32> to vector<1xi32>
      %squeeze3A_628 = vector.extract %slice3A_627[0] : i32 from vector<1xi32>
      %eq3A_629 = arith.constant 1 : i32
      %eq3A_630 = arith.cmpi eq, %squeeze3A_628, %eq3A_629 : i32
      %convert_element_type3A_631 = arith.extui %eq3A_630 : i1 to i32
      %cond3A_632 = arith.constant 0 : i32
      %cond3A_633 = arith.cmpi ne, %convert_element_type3A_631, %cond3A_632 : i32
      scf.if %cond3A_633 {
        %swap3A_715 = arith.constant 0 : i32
        %swap3A_716 = tpu.memref_slice %arg10[%add3A_626, %swap3A_715] : memref<512x64xf32, #tpu.memory_space<vmem>> -> memref<1x64xf32, #tpu.memory_space<vmem>>
        %swap3A_717 = tpu.memref_squeeze %swap3A_716 : memref<1x64xf32, #tpu.memory_space<vmem>> -> memref<64xf32, #tpu.memory_space<vmem>>
        %swap3A_718 = arith.constant 0 : index
        %swap3A_719 = tpu.vector_load %swap3A_717[%swap3A_718] {strides = array<i32>} : memref<64xf32, #tpu.memory_space<vmem>>, vector<16xf32>,
        %swap3A_720 = vector.shape_cast %swap3A_719 : vector<16xf32> to vector<16xf32>
        %swap3A_721 = vector.shape_cast %get3A_534 : vector<16xf32> to vector<16xf32>
        tpu.vector_store %swap3A_717[%swap3A_718], %swap3A_721 {strides = array<i32>} : memref<64xf32, #tpu.memory_space<vmem>>, vector<16xf32>,
        %swap3A_722 = arith.constant 0 : i32
        %swap3A_723 = tpu.memref_slice %arg10[%add3A_626, %swap3A_722] : memref<512x64xf32, #tpu.memory_space<vmem>> -> memref<1x64xf32, #tpu.memory_space<vmem>>
        %swap3A_724 = tpu.memref_squeeze %swap3A_723 : memref<1x64xf32, #tpu.memory_space<vmem>> -> memref<64xf32, #tpu.memory_space<vmem>>
        %swap3A_725 = arith.constant 16 : index
        %swap3A_726 = tpu.vector_load %swap3A_724[%swap3A_725] {strides = array<i32>} : memref<64xf32, #tpu.memory_space<vmem>>, vector<16xf32>,
        %swap3A_727 = vector.shape_cast %swap3A_726 : vector<16xf32> to vector<16xf32>
        %swap3A_728 = vector.shape_cast %get3A_541 : vector<16xf32> to vector<16xf32>
        tpu.vector_store %swap3A_724[%swap3A_725], %swap3A_728 {strides = array<i32>} : memref<64xf32, #tpu.memory_space<vmem>>, vector<16xf32>,
        %swap3A_729 = arith.constant 0 : i32
        %swap3A_730 = tpu.memref_slice %arg10[%add3A_626, %swap3A_729] : memref<512x64xf32, #tpu.memory_space<vmem>> -> memref<1x64xf32, #tpu.memory_space<vmem>>
        %swap3A_731 = tpu.memref_squeeze %swap3A_730 : memref<1x64xf32, #tpu.memory_space<vmem>> -> memref<64xf32, #tpu.memory_space<vmem>>
        %swap3A_732 = arith.constant 32 : index
        %swap3A_733 = tpu.vector_load %swap3A_731[%swap3A_732] {strides = array<i32>} : memref<64xf32, #tpu.memory_space<vmem>>, vector<16xf32>,
        %swap3A_734 = vector.shape_cast %swap3A_733 : vector<16xf32> to vector<16xf32>
        %swap3A_735 = vector.shape_cast %get3A_548 : vector<16xf32> to vector<16xf32>
        tpu.vector_store %swap3A_731[%swap3A_732], %swap3A_735 {strides = array<i32>} : memref<64xf32, #tpu.memory_space<vmem>>, vector<16xf32>,
        %swap3A_736 = arith.constant 0 : i32
        %swap3A_737 = tpu.memref_slice %arg10[%add3A_626, %swap3A_736] : memref<512x64xf32, #tpu.memory_space<vmem>> -> memref<1x64xf32, #tpu.memory_space<vmem>>
        %swap3A_738 = tpu.memref_squeeze %swap3A_737 : memref<1x64xf32, #tpu.memory_space<vmem>> -> memref<64xf32, #tpu.memory_space<vmem>>
        %swap3A_739 = arith.constant 48 : index
        %swap3A_740 = tpu.vector_load %swap3A_738[%swap3A_739] {strides = array<i32>} : memref<64xf32, #tpu.memory_space<vmem>>, vector<16xf32>,
        %swap3A_741 = vector.shape_cast %swap3A_740 : vector<16xf32> to vector<16xf32>
        %swap3A_742 = vector.shape_cast %get3A_555 : vector<16xf32> to vector<16xf32>
        tpu.vector_store %swap3A_738[%swap3A_739], %swap3A_742 {strides = array<i32>} : memref<64xf32, #tpu.memory_space<vmem>>, vector<16xf32>,
      } else {
      }
      %add3A_634 = arith.constant 7 : i32
      %add3A_635 = arith.addi %mul3A_571, %add3A_634 : i32
      %slice3A_636 = vector.extract_strided_slice %get3A_574 {offsets = [7], sizes = [1], strides = [1]} : vector<16xi32> to vector<1xi32>
      %squeeze3A_637 = vector.extract %slice3A_636[0] : i32 from vector<1xi32>
      %eq3A_638 = arith.constant 1 : i32
      %eq3A_639 = arith.cmpi eq, %squeeze3A_637, %eq3A_638 : i32
      %convert_element_type3A_640 = arith.extui %eq3A_639 : i1 to i32
      %cond3A_641 = arith.constant 0 : i32
      %cond3A_642 = arith.cmpi ne, %convert_element_type3A_640, %cond3A_641 : i32
      scf.if %cond3A_642 {
        %swap3A_715 = arith.constant 0 : i32
        %swap3A_716 = tpu.memref_slice %arg10[%add3A_635, %swap3A_715] : memref<512x64xf32, #tpu.memory_space<vmem>> -> memref<1x64xf32, #tpu.memory_space<vmem>>
        %swap3A_717 = tpu.memref_squeeze %swap3A_716 : memref<1x64xf32, #tpu.memory_space<vmem>> -> memref<64xf32, #tpu.memory_space<vmem>>
        %swap3A_718 = arith.constant 0 : index
        %swap3A_719 = tpu.vector_load %swap3A_717[%swap3A_718] {strides = array<i32>} : memref<64xf32, #tpu.memory_space<vmem>>, vector<16xf32>,
        %swap3A_720 = vector.shape_cast %swap3A_719 : vector<16xf32> to vector<16xf32>
        %swap3A_721 = vector.shape_cast %get3A_534 : vector<16xf32> to vector<16xf32>
        tpu.vector_store %swap3A_717[%swap3A_718], %swap3A_721 {strides = array<i32>} : memref<64xf32, #tpu.memory_space<vmem>>, vector<16xf32>,
        %swap3A_722 = arith.constant 0 : i32
        %swap3A_723 = tpu.memref_slice %arg10[%add3A_635, %swap3A_722] : memref<512x64xf32, #tpu.memory_space<vmem>> -> memref<1x64xf32, #tpu.memory_space<vmem>>
        %swap3A_724 = tpu.memref_squeeze %swap3A_723 : memref<1x64xf32, #tpu.memory_space<vmem>> -> memref<64xf32, #tpu.memory_space<vmem>>
        %swap3A_725 = arith.constant 16 : index
        %swap3A_726 = tpu.vector_load %swap3A_724[%swap3A_725] {strides = array<i32>} : memref<64xf32, #tpu.memory_space<vmem>>, vector<16xf32>,
        %swap3A_727 = vector.shape_cast %swap3A_726 : vector<16xf32> to vector<16xf32>
        %swap3A_728 = vector.shape_cast %get3A_541 : vector<16xf32> to vector<16xf32>
        tpu.vector_store %swap3A_724[%swap3A_725], %swap3A_728 {strides = array<i32>} : memref<64xf32, #tpu.memory_space<vmem>>, vector<16xf32>,
        %swap3A_729 = arith.constant 0 : i32
        %swap3A_730 = tpu.memref_slice %arg10[%add3A_635, %swap3A_729] : memref<512x64xf32, #tpu.memory_space<vmem>> -> memref<1x64xf32, #tpu.memory_space<vmem>>
        %swap3A_731 = tpu.memref_squeeze %swap3A_730 : memref<1x64xf32, #tpu.memory_space<vmem>> -> memref<64xf32, #tpu.memory_space<vmem>>
        %swap3A_732 = arith.constant 32 : index
        %swap3A_733 = tpu.vector_load %swap3A_731[%swap3A_732] {strides = array<i32>} : memref<64xf32, #tpu.memory_space<vmem>>, vector<16xf32>,
        %swap3A_734 = vector.shape_cast %swap3A_733 : vector<16xf32> to vector<16xf32>
        %swap3A_735 = vector.shape_cast %get3A_548 : vector<16xf32> to vector<16xf32>
        tpu.vector_store %swap3A_731[%swap3A_732], %swap3A_735 {strides = array<i32>} : memref<64xf32, #tpu.memory_space<vmem>>, vector<16xf32>,
        %swap3A_736 = arith.constant 0 : i32
        %swap3A_737 = tpu.memref_slice %arg10[%add3A_635, %swap3A_736] : memref<512x64xf32, #tpu.memory_space<vmem>> -> memref<1x64xf32, #tpu.memory_space<vmem>>
        %swap3A_738 = tpu.memref_squeeze %swap3A_737 : memref<1x64xf32, #tpu.memory_space<vmem>> -> memref<64xf32, #tpu.memory_space<vmem>>
        %swap3A_739 = arith.constant 48 : index
        %swap3A_740 = tpu.vector_load %swap3A_738[%swap3A_739] {strides = array<i32>} : memref<64xf32, #tpu.memory_space<vmem>>, vector<16xf32>,
        %swap3A_741 = vector.shape_cast %swap3A_740 : vector<16xf32> to vector<16xf32>
        %swap3A_742 = vector.shape_cast %get3A_555 : vector<16xf32> to vector<16xf32>
        tpu.vector_store %swap3A_738[%swap3A_739], %swap3A_742 {strides = array<i32>} : memref<64xf32, #tpu.memory_space<vmem>>, vector<16xf32>,
      } else {
      }
      %add3A_643 = arith.constant 8 : i32
      %add3A_644 = arith.addi %mul3A_571, %add3A_643 : i32
      %slice3A_645 = vector.extract_strided_slice %get3A_574 {offsets = [8], sizes = [1], strides = [1]} : vector<16xi32> to vector<1xi32>
      %squeeze3A_646 = vector.extract %slice3A_645[0] : i32 from vector<1xi32>
      %eq3A_647 = arith.constant 1 : i32
      %eq3A_648 = arith.cmpi eq, %squeeze3A_646, %eq3A_647 : i32
      %convert_element_type3A_649 = arith.extui %eq3A_648 : i1 to i32
      %cond3A_650 = arith.constant 0 : i32
      %cond3A_651 = arith.cmpi ne, %convert_element_type3A_649, %cond3A_650 : i32
      scf.if %cond3A_651 {
        %swap3A_715 = arith.constant 0 : i32
        %swap3A_716 = tpu.memref_slice %arg10[%add3A_644, %swap3A_715] : memref<512x64xf32, #tpu.memory_space<vmem>> -> memref<1x64xf32, #tpu.memory_space<vmem>>
        %swap3A_717 = tpu.memref_squeeze %swap3A_716 : memref<1x64xf32, #tpu.memory_space<vmem>> -> memref<64xf32, #tpu.memory_space<vmem>>
        %swap3A_718 = arith.constant 0 : index
        %swap3A_719 = tpu.vector_load %swap3A_717[%swap3A_718] {strides = array<i32>} : memref<64xf32, #tpu.memory_space<vmem>>, vector<16xf32>,
        %swap3A_720 = vector.shape_cast %swap3A_719 : vector<16xf32> to vector<16xf32>
        %swap3A_721 = vector.shape_cast %get3A_534 : vector<16xf32> to vector<16xf32>
        tpu.vector_store %swap3A_717[%swap3A_718], %swap3A_721 {strides = array<i32>} : memref<64xf32, #tpu.memory_space<vmem>>, vector<16xf32>,
        %swap3A_722 = arith.constant 0 : i32
        %swap3A_723 = tpu.memref_slice %arg10[%add3A_644, %swap3A_722] : memref<512x64xf32, #tpu.memory_space<vmem>> -> memref<1x64xf32, #tpu.memory_space<vmem>>
        %swap3A_724 = tpu.memref_squeeze %swap3A_723 : memref<1x64xf32, #tpu.memory_space<vmem>> -> memref<64xf32, #tpu.memory_space<vmem>>
        %swap3A_725 = arith.constant 16 : index
        %swap3A_726 = tpu.vector_load %swap3A_724[%swap3A_725] {strides = array<i32>} : memref<64xf32, #tpu.memory_space<vmem>>, vector<16xf32>,
        %swap3A_727 = vector.shape_cast %swap3A_726 : vector<16xf32> to vector<16xf32>
        %swap3A_728 = vector.shape_cast %get3A_541 : vector<16xf32> to vector<16xf32>
        tpu.vector_store %swap3A_724[%swap3A_725], %swap3A_728 {strides = array<i32>} : memref<64xf32, #tpu.memory_space<vmem>>, vector<16xf32>,
        %swap3A_729 = arith.constant 0 : i32
        %swap3A_730 = tpu.memref_slice %arg10[%add3A_644, %swap3A_729] : memref<512x64xf32, #tpu.memory_space<vmem>> -> memref<1x64xf32, #tpu.memory_space<vmem>>
        %swap3A_731 = tpu.memref_squeeze %swap3A_730 : memref<1x64xf32, #tpu.memory_space<vmem>> -> memref<64xf32, #tpu.memory_space<vmem>>
        %swap3A_732 = arith.constant 32 : index
        %swap3A_733 = tpu.vector_load %swap3A_731[%swap3A_732] {strides = array<i32>} : memref<64xf32, #tpu.memory_space<vmem>>, vector<16xf32>,
        %swap3A_734 = vector.shape_cast %swap3A_733 : vector<16xf32> to vector<16xf32>
        %swap3A_735 = vector.shape_cast %get3A_548 : vector<16xf32> to vector<16xf32>
        tpu.vector_store %swap3A_731[%swap3A_732], %swap3A_735 {strides = array<i32>} : memref<64xf32, #tpu.memory_space<vmem>>, vector<16xf32>,
        %swap3A_736 = arith.constant 0 : i32
        %swap3A_737 = tpu.memref_slice %arg10[%add3A_644, %swap3A_736] : memref<512x64xf32, #tpu.memory_space<vmem>> -> memref<1x64xf32, #tpu.memory_space<vmem>>
        %swap3A_738 = tpu.memref_squeeze %swap3A_737 : memref<1x64xf32, #tpu.memory_space<vmem>> -> memref<64xf32, #tpu.memory_space<vmem>>
        %swap3A_739 = arith.constant 48 : index
        %swap3A_740 = tpu.vector_load %swap3A_738[%swap3A_739] {strides = array<i32>} : memref<64xf32, #tpu.memory_space<vmem>>, vector<16xf32>,
        %swap3A_741 = vector.shape_cast %swap3A_740 : vector<16xf32> to vector<16xf32>
        %swap3A_742 = vector.shape_cast %get3A_555 : vector<16xf32> to vector<16xf32>
        tpu.vector_store %swap3A_738[%swap3A_739], %swap3A_742 {strides = array<i32>} : memref<64xf32, #tpu.memory_space<vmem>>, vector<16xf32>,
      } else {
      }
      %add3A_652 = arith.constant 9 : i32
      %add3A_653 = arith.addi %mul3A_571, %add3A_652 : i32
      %slice3A_654 = vector.extract_strided_slice %get3A_574 {offsets = [9], sizes = [1], strides = [1]} : vector<16xi32> to vector<1xi32>
      %squeeze3A_655 = vector.extract %slice3A_654[0] : i32 from vector<1xi32>
      %eq3A_656 = arith.constant 1 : i32
      %eq3A_657 = arith.cmpi eq, %squeeze3A_655, %eq3A_656 : i32
      %convert_element_type3A_658 = arith.extui %eq3A_657 : i1 to i32
      %cond3A_659 = arith.constant 0 : i32
      %cond3A_660 = arith.cmpi ne, %convert_element_type3A_658, %cond3A_659 : i32
      scf.if %cond3A_660 {
        %swap3A_715 = arith.constant 0 : i32
        %swap3A_716 = tpu.memref_slice %arg10[%add3A_653, %swap3A_715] : memref<512x64xf32, #tpu.memory_space<vmem>> -> memref<1x64xf32, #tpu.memory_space<vmem>>
        %swap3A_717 = tpu.memref_squeeze %swap3A_716 : memref<1x64xf32, #tpu.memory_space<vmem>> -> memref<64xf32, #tpu.memory_space<vmem>>
        %swap3A_718 = arith.constant 0 : index
        %swap3A_719 = tpu.vector_load %swap3A_717[%swap3A_718] {strides = array<i32>} : memref<64xf32, #tpu.memory_space<vmem>>, vector<16xf32>,
        %swap3A_720 = vector.shape_cast %swap3A_719 : vector<16xf32> to vector<16xf32>
        %swap3A_721 = vector.shape_cast %get3A_534 : vector<16xf32> to vector<16xf32>
        tpu.vector_store %swap3A_717[%swap3A_718], %swap3A_721 {strides = array<i32>} : memref<64xf32, #tpu.memory_space<vmem>>, vector<16xf32>,
        %swap3A_722 = arith.constant 0 : i32
        %swap3A_723 = tpu.memref_slice %arg10[%add3A_653, %swap3A_722] : memref<512x64xf32, #tpu.memory_space<vmem>> -> memref<1x64xf32, #tpu.memory_space<vmem>>
        %swap3A_724 = tpu.memref_squeeze %swap3A_723 : memref<1x64xf32, #tpu.memory_space<vmem>> -> memref<64xf32, #tpu.memory_space<vmem>>
        %swap3A_725 = arith.constant 16 : index
        %swap3A_726 = tpu.vector_load %swap3A_724[%swap3A_725] {strides = array<i32>} : memref<64xf32, #tpu.memory_space<vmem>>, vector<16xf32>,
        %swap3A_727 = vector.shape_cast %swap3A_726 : vector<16xf32> to vector<16xf32>
        %swap3A_728 = vector.shape_cast %get3A_541 : vector<16xf32> to vector<16xf32>
        tpu.vector_store %swap3A_724[%swap3A_725], %swap3A_728 {strides = array<i32>} : memref<64xf32, #tpu.memory_space<vmem>>, vector<16xf32>,
        %swap3A_729 = arith.constant 0 : i32
        %swap3A_730 = tpu.memref_slice %arg10[%add3A_653, %swap3A_729] : memref<512x64xf32, #tpu.memory_space<vmem>> -> memref<1x64xf32, #tpu.memory_space<vmem>>
        %swap3A_731 = tpu.memref_squeeze %swap3A_730 : memref<1x64xf32, #tpu.memory_space<vmem>> -> memref<64xf32, #tpu.memory_space<vmem>>
        %swap3A_732 = arith.constant 32 : index
        %swap3A_733 = tpu.vector_load %swap3A_731[%swap3A_732] {strides = array<i32>} : memref<64xf32, #tpu.memory_space<vmem>>, vector<16xf32>,
        %swap3A_734 = vector.shape_cast %swap3A_733 : vector<16xf32> to vector<16xf32>
        %swap3A_735 = vector.shape_cast %get3A_548 : vector<16xf32> to vector<16xf32>
        tpu.vector_store %swap3A_731[%swap3A_732], %swap3A_735 {strides = array<i32>} : memref<64xf32, #tpu.memory_space<vmem>>, vector<16xf32>,
        %swap3A_736 = arith.constant 0 : i32
        %swap3A_737 = tpu.memref_slice %arg10[%add3A_653, %swap3A_736] : memref<512x64xf32, #tpu.memory_space<vmem>> -> memref<1x64xf32, #tpu.memory_space<vmem>>
        %swap3A_738 = tpu.memref_squeeze %swap3A_737 : memref<1x64xf32, #tpu.memory_space<vmem>> -> memref<64xf32, #tpu.memory_space<vmem>>
        %swap3A_739 = arith.constant 48 : index
        %swap3A_740 = tpu.vector_load %swap3A_738[%swap3A_739] {strides = array<i32>} : memref<64xf32, #tpu.memory_space<vmem>>, vector<16xf32>,
        %swap3A_741 = vector.shape_cast %swap3A_740 : vector<16xf32> to vector<16xf32>
        %swap3A_742 = vector.shape_cast %get3A_555 : vector<16xf32> to vector<16xf32>
        tpu.vector_store %swap3A_738[%swap3A_739], %swap3A_742 {strides = array<i32>} : memref<64xf32, #tpu.memory_space<vmem>>, vector<16xf32>,
      } else {
      }
      %add3A_661 = arith.constant 10 : i32
      %add3A_662 = arith.addi %mul3A_571, %add3A_661 : i32
      %slice3A_663 = vector.extract_strided_slice %get3A_574 {offsets = [10], sizes = [1], strides = [1]} : vector<16xi32> to vector<1xi32>
      %squeeze3A_664 = vector.extract %slice3A_663[0] : i32 from vector<1xi32>
      %eq3A_665 = arith.constant 1 : i32
      %eq3A_666 = arith.cmpi eq, %squeeze3A_664, %eq3A_665 : i32
      %convert_element_type3A_667 = arith.extui %eq3A_666 : i1 to i32
      %cond3A_668 = arith.constant 0 : i32
      %cond3A_669 = arith.cmpi ne, %convert_element_type3A_667, %cond3A_668 : i32
      scf.if %cond3A_669 {
        %swap3A_715 = arith.constant 0 : i32
        %swap3A_716 = tpu.memref_slice %arg10[%add3A_662, %swap3A_715] : memref<512x64xf32, #tpu.memory_space<vmem>> -> memref<1x64xf32, #tpu.memory_space<vmem>>
        %swap3A_717 = tpu.memref_squeeze %swap3A_716 : memref<1x64xf32, #tpu.memory_space<vmem>> -> memref<64xf32, #tpu.memory_space<vmem>>
        %swap3A_718 = arith.constant 0 : index
        %swap3A_719 = tpu.vector_load %swap3A_717[%swap3A_718] {strides = array<i32>} : memref<64xf32, #tpu.memory_space<vmem>>, vector<16xf32>,
        %swap3A_720 = vector.shape_cast %swap3A_719 : vector<16xf32> to vector<16xf32>
        %swap3A_721 = vector.shape_cast %get3A_534 : vector<16xf32> to vector<16xf32>
        tpu.vector_store %swap3A_717[%swap3A_718], %swap3A_721 {strides = array<i32>} : memref<64xf32, #tpu.memory_space<vmem>>, vector<16xf32>,
        %swap3A_722 = arith.constant 0 : i32
        %swap3A_723 = tpu.memref_slice %arg10[%add3A_662, %swap3A_722] : memref<512x64xf32, #tpu.memory_space<vmem>> -> memref<1x64xf32, #tpu.memory_space<vmem>>
        %swap3A_724 = tpu.memref_squeeze %swap3A_723 : memref<1x64xf32, #tpu.memory_space<vmem>> -> memref<64xf32, #tpu.memory_space<vmem>>
        %swap3A_725 = arith.constant 16 : index
        %swap3A_726 = tpu.vector_load %swap3A_724[%swap3A_725] {strides = array<i32>} : memref<64xf32, #tpu.memory_space<vmem>>, vector<16xf32>,
        %swap3A_727 = vector.shape_cast %swap3A_726 : vector<16xf32> to vector<16xf32>
        %swap3A_728 = vector.shape_cast %get3A_541 : vector<16xf32> to vector<16xf32>
        tpu.vector_store %swap3A_724[%swap3A_725], %swap3A_728 {strides = array<i32>} : memref<64xf32, #tpu.memory_space<vmem>>, vector<16xf32>,
        %swap3A_729 = arith.constant 0 : i32
        %swap3A_730 = tpu.memref_slice %arg10[%add3A_662, %swap3A_729] : memref<512x64xf32, #tpu.memory_space<vmem>> -> memref<1x64xf32, #tpu.memory_space<vmem>>
        %swap3A_731 = tpu.memref_squeeze %swap3A_730 : memref<1x64xf32, #tpu.memory_space<vmem>> -> memref<64xf32, #tpu.memory_space<vmem>>
        %swap3A_732 = arith.constant 32 : index
        %swap3A_733 = tpu.vector_load %swap3A_731[%swap3A_732] {strides = array<i32>} : memref<64xf32, #tpu.memory_space<vmem>>, vector<16xf32>,
        %swap3A_734 = vector.shape_cast %swap3A_733 : vector<16xf32> to vector<16xf32>
        %swap3A_735 = vector.shape_cast %get3A_548 : vector<16xf32> to vector<16xf32>
        tpu.vector_store %swap3A_731[%swap3A_732], %swap3A_735 {strides = array<i32>} : memref<64xf32, #tpu.memory_space<vmem>>, vector<16xf32>,
        %swap3A_736 = arith.constant 0 : i32
        %swap3A_737 = tpu.memref_slice %arg10[%add3A_662, %swap3A_736] : memref<512x64xf32, #tpu.memory_space<vmem>> -> memref<1x64xf32, #tpu.memory_space<vmem>>
        %swap3A_738 = tpu.memref_squeeze %swap3A_737 : memref<1x64xf32, #tpu.memory_space<vmem>> -> memref<64xf32, #tpu.memory_space<vmem>>
        %swap3A_739 = arith.constant 48 : index
        %swap3A_740 = tpu.vector_load %swap3A_738[%swap3A_739] {strides = array<i32>} : memref<64xf32, #tpu.memory_space<vmem>>, vector<16xf32>,
        %swap3A_741 = vector.shape_cast %swap3A_740 : vector<16xf32> to vector<16xf32>
        %swap3A_742 = vector.shape_cast %get3A_555 : vector<16xf32> to vector<16xf32>
        tpu.vector_store %swap3A_738[%swap3A_739], %swap3A_742 {strides = array<i32>} : memref<64xf32, #tpu.memory_space<vmem>>, vector<16xf32>,
      } else {
      }
      %add3A_670 = arith.constant 11 : i32
      %add3A_671 = arith.addi %mul3A_571, %add3A_670 : i32
      %slice3A_672 = vector.extract_strided_slice %get3A_574 {offsets = [11], sizes = [1], strides = [1]} : vector<16xi32> to vector<1xi32>
      %squeeze3A_673 = vector.extract %slice3A_672[0] : i32 from vector<1xi32>
      %eq3A_674 = arith.constant 1 : i32
      %eq3A_675 = arith.cmpi eq, %squeeze3A_673, %eq3A_674 : i32
      %convert_element_type3A_676 = arith.extui %eq3A_675 : i1 to i32
      %cond3A_677 = arith.constant 0 : i32
      %cond3A_678 = arith.cmpi ne, %convert_element_type3A_676, %cond3A_677 : i32
      scf.if %cond3A_678 {
        %swap3A_715 = arith.constant 0 : i32
        %swap3A_716 = tpu.memref_slice %arg10[%add3A_671, %swap3A_715] : memref<512x64xf32, #tpu.memory_space<vmem>> -> memref<1x64xf32, #tpu.memory_space<vmem>>
        %swap3A_717 = tpu.memref_squeeze %swap3A_716 : memref<1x64xf32, #tpu.memory_space<vmem>> -> memref<64xf32, #tpu.memory_space<vmem>>
        %swap3A_718 = arith.constant 0 : index
        %swap3A_719 = tpu.vector_load %swap3A_717[%swap3A_718] {strides = array<i32>} : memref<64xf32, #tpu.memory_space<vmem>>, vector<16xf32>,
        %swap3A_720 = vector.shape_cast %swap3A_719 : vector<16xf32> to vector<16xf32>
        %swap3A_721 = vector.shape_cast %get3A_534 : vector<16xf32> to vector<16xf32>
        tpu.vector_store %swap3A_717[%swap3A_718], %swap3A_721 {strides = array<i32>} : memref<64xf32, #tpu.memory_space<vmem>>, vector<16xf32>,
        %swap3A_722 = arith.constant 0 : i32
        %swap3A_723 = tpu.memref_slice %arg10[%add3A_671, %swap3A_722] : memref<512x64xf32, #tpu.memory_space<vmem>> -> memref<1x64xf32, #tpu.memory_space<vmem>>
        %swap3A_724 = tpu.memref_squeeze %swap3A_723 : memref<1x64xf32, #tpu.memory_space<vmem>> -> memref<64xf32, #tpu.memory_space<vmem>>
        %swap3A_725 = arith.constant 16 : index
        %swap3A_726 = tpu.vector_load %swap3A_724[%swap3A_725] {strides = array<i32>} : memref<64xf32, #tpu.memory_space<vmem>>, vector<16xf32>,
        %swap3A_727 = vector.shape_cast %swap3A_726 : vector<16xf32> to vector<16xf32>
        %swap3A_728 = vector.shape_cast %get3A_541 : vector<16xf32> to vector<16xf32>
        tpu.vector_store %swap3A_724[%swap3A_725], %swap3A_728 {strides = array<i32>} : memref<64xf32, #tpu.memory_space<vmem>>, vector<16xf32>,
        %swap3A_729 = arith.constant 0 : i32
        %swap3A_730 = tpu.memref_slice %arg10[%add3A_671, %swap3A_729] : memref<512x64xf32, #tpu.memory_space<vmem>> -> memref<1x64xf32, #tpu.memory_space<vmem>>
        %swap3A_731 = tpu.memref_squeeze %swap3A_730 : memref<1x64xf32, #tpu.memory_space<vmem>> -> memref<64xf32, #tpu.memory_space<vmem>>
        %swap3A_732 = arith.constant 32 : index
        %swap3A_733 = tpu.vector_load %swap3A_731[%swap3A_732] {strides = array<i32>} : memref<64xf32, #tpu.memory_space<vmem>>, vector<16xf32>,
        %swap3A_734 = vector.shape_cast %swap3A_733 : vector<16xf32> to vector<16xf32>
        %swap3A_735 = vector.shape_cast %get3A_548 : vector<16xf32> to vector<16xf32>
        tpu.vector_store %swap3A_731[%swap3A_732], %swap3A_735 {strides = array<i32>} : memref<64xf32, #tpu.memory_space<vmem>>, vector<16xf32>,
        %swap3A_736 = arith.constant 0 : i32
        %swap3A_737 = tpu.memref_slice %arg10[%add3A_671, %swap3A_736] : memref<512x64xf32, #tpu.memory_space<vmem>> -> memref<1x64xf32, #tpu.memory_space<vmem>>
        %swap3A_738 = tpu.memref_squeeze %swap3A_737 : memref<1x64xf32, #tpu.memory_space<vmem>> -> memref<64xf32, #tpu.memory_space<vmem>>
        %swap3A_739 = arith.constant 48 : index
        %swap3A_740 = tpu.vector_load %swap3A_738[%swap3A_739] {strides = array<i32>} : memref<64xf32, #tpu.memory_space<vmem>>, vector<16xf32>,
        %swap3A_741 = vector.shape_cast %swap3A_740 : vector<16xf32> to vector<16xf32>
        %swap3A_742 = vector.shape_cast %get3A_555 : vector<16xf32> to vector<16xf32>
        tpu.vector_store %swap3A_738[%swap3A_739], %swap3A_742 {strides = array<i32>} : memref<64xf32, #tpu.memory_space<vmem>>, vector<16xf32>,
      } else {
      }
      %add3A_679 = arith.constant 12 : i32
      %add3A_680 = arith.addi %mul3A_571, %add3A_679 : i32
      %slice3A_681 = vector.extract_strided_slice %get3A_574 {offsets = [12], sizes = [1], strides = [1]} : vector<16xi32> to vector<1xi32>
      %squeeze3A_682 = vector.extract %slice3A_681[0] : i32 from vector<1xi32>
      %eq3A_683 = arith.constant 1 : i32
      %eq3A_684 = arith.cmpi eq, %squeeze3A_682, %eq3A_683 : i32
      %convert_element_type3A_685 = arith.extui %eq3A_684 : i1 to i32
      %cond3A_686 = arith.constant 0 : i32
      %cond3A_687 = arith.cmpi ne, %convert_element_type3A_685, %cond3A_686 : i32
      scf.if %cond3A_687 {
        %swap3A_715 = arith.constant 0 : i32
        %swap3A_716 = tpu.memref_slice %arg10[%add3A_680, %swap3A_715] : memref<512x64xf32, #tpu.memory_space<vmem>> -> memref<1x64xf32, #tpu.memory_space<vmem>>
        %swap3A_717 = tpu.memref_squeeze %swap3A_716 : memref<1x64xf32, #tpu.memory_space<vmem>> -> memref<64xf32, #tpu.memory_space<vmem>>
        %swap3A_718 = arith.constant 0 : index
        %swap3A_719 = tpu.vector_load %swap3A_717[%swap3A_718] {strides = array<i32>} : memref<64xf32, #tpu.memory_space<vmem>>, vector<16xf32>,
        %swap3A_720 = vector.shape_cast %swap3A_719 : vector<16xf32> to vector<16xf32>
        %swap3A_721 = vector.shape_cast %get3A_534 : vector<16xf32> to vector<16xf32>
        tpu.vector_store %swap3A_717[%swap3A_718], %swap3A_721 {strides = array<i32>} : memref<64xf32, #tpu.memory_space<vmem>>, vector<16xf32>,
        %swap3A_722 = arith.constant 0 : i32
        %swap3A_723 = tpu.memref_slice %arg10[%add3A_680, %swap3A_722] : memref<512x64xf32, #tpu.memory_space<vmem>> -> memref<1x64xf32, #tpu.memory_space<vmem>>
        %swap3A_724 = tpu.memref_squeeze %swap3A_723 : memref<1x64xf32, #tpu.memory_space<vmem>> -> memref<64xf32, #tpu.memory_space<vmem>>
        %swap3A_725 = arith.constant 16 : index
        %swap3A_726 = tpu.vector_load %swap3A_724[%swap3A_725] {strides = array<i32>} : memref<64xf32, #tpu.memory_space<vmem>>, vector<16xf32>,
        %swap3A_727 = vector.shape_cast %swap3A_726 : vector<16xf32> to vector<16xf32>
        %swap3A_728 = vector.shape_cast %get3A_541 : vector<16xf32> to vector<16xf32>
        tpu.vector_store %swap3A_724[%swap3A_725], %swap3A_728 {strides = array<i32>} : memref<64xf32, #tpu.memory_space<vmem>>, vector<16xf32>,
        %swap3A_729 = arith.constant 0 : i32
        %swap3A_730 = tpu.memref_slice %arg10[%add3A_680, %swap3A_729] : memref<512x64xf32, #tpu.memory_space<vmem>> -> memref<1x64xf32, #tpu.memory_space<vmem>>
        %swap3A_731 = tpu.memref_squeeze %swap3A_730 : memref<1x64xf32, #tpu.memory_space<vmem>> -> memref<64xf32, #tpu.memory_space<vmem>>
        %swap3A_732 = arith.constant 32 : index
        %swap3A_733 = tpu.vector_load %swap3A_731[%swap3A_732] {strides = array<i32>} : memref<64xf32, #tpu.memory_space<vmem>>, vector<16xf32>,
        %swap3A_734 = vector.shape_cast %swap3A_733 : vector<16xf32> to vector<16xf32>
        %swap3A_735 = vector.shape_cast %get3A_548 : vector<16xf32> to vector<16xf32>
        tpu.vector_store %swap3A_731[%swap3A_732], %swap3A_735 {strides = array<i32>} : memref<64xf32, #tpu.memory_space<vmem>>, vector<16xf32>,
        %swap3A_736 = arith.constant 0 : i32
        %swap3A_737 = tpu.memref_slice %arg10[%add3A_680, %swap3A_736] : memref<512x64xf32, #tpu.memory_space<vmem>> -> memref<1x64xf32, #tpu.memory_space<vmem>>
        %swap3A_738 = tpu.memref_squeeze %swap3A_737 : memref<1x64xf32, #tpu.memory_space<vmem>> -> memref<64xf32, #tpu.memory_space<vmem>>
        %swap3A_739 = arith.constant 48 : index
        %swap3A_740 = tpu.vector_load %swap3A_738[%swap3A_739] {strides = array<i32>} : memref<64xf32, #tpu.memory_space<vmem>>, vector<16xf32>,
        %swap3A_741 = vector.shape_cast %swap3A_740 : vector<16xf32> to vector<16xf32>
        %swap3A_742 = vector.shape_cast %get3A_555 : vector<16xf32> to vector<16xf32>
        tpu.vector_store %swap3A_738[%swap3A_739], %swap3A_742 {strides = array<i32>} : memref<64xf32, #tpu.memory_space<vmem>>, vector<16xf32>,
      } else {
      }
      %add3A_688 = arith.constant 13 : i32
      %add3A_689 = arith.addi %mul3A_571, %add3A_688 : i32
      %slice3A_690 = vector.extract_strided_slice %get3A_574 {offsets = [13], sizes = [1], strides = [1]} : vector<16xi32> to vector<1xi32>
      %squeeze3A_691 = vector.extract %slice3A_690[0] : i32 from vector<1xi32>
      %eq3A_692 = arith.constant 1 : i32
      %eq3A_693 = arith.cmpi eq, %squeeze3A_691, %eq3A_692 : i32
      %convert_element_type3A_694 = arith.extui %eq3A_693 : i1 to i32
      %cond3A_695 = arith.constant 0 : i32
      %cond3A_696 = arith.cmpi ne, %convert_element_type3A_694, %cond3A_695 : i32
      scf.if %cond3A_696 {
        %swap3A_715 = arith.constant 0 : i32
        %swap3A_716 = tpu.memref_slice %arg10[%add3A_689, %swap3A_715] : memref<512x64xf32, #tpu.memory_space<vmem>> -> memref<1x64xf32, #tpu.memory_space<vmem>>
        %swap3A_717 = tpu.memref_squeeze %swap3A_716 : memref<1x64xf32, #tpu.memory_space<vmem>> -> memref<64xf32, #tpu.memory_space<vmem>>
        %swap3A_718 = arith.constant 0 : index
        %swap3A_719 = tpu.vector_load %swap3A_717[%swap3A_718] {strides = array<i32>} : memref<64xf32, #tpu.memory_space<vmem>>, vector<16xf32>,
        %swap3A_720 = vector.shape_cast %swap3A_719 : vector<16xf32> to vector<16xf32>
        %swap3A_721 = vector.shape_cast %get3A_534 : vector<16xf32> to vector<16xf32>
        tpu.vector_store %swap3A_717[%swap3A_718], %swap3A_721 {strides = array<i32>} : memref<64xf32, #tpu.memory_space<vmem>>, vector<16xf32>,
        %swap3A_722 = arith.constant 0 : i32
        %swap3A_723 = tpu.memref_slice %arg10[%add3A_689, %swap3A_722] : memref<512x64xf32, #tpu.memory_space<vmem>> -> memref<1x64xf32, #tpu.memory_space<vmem>>
        %swap3A_724 = tpu.memref_squeeze %swap3A_723 : memref<1x64xf32, #tpu.memory_space<vmem>> -> memref<64xf32, #tpu.memory_space<vmem>>
        %swap3A_725 = arith.constant 16 : index
        %swap3A_726 = tpu.vector_load %swap3A_724[%swap3A_725] {strides = array<i32>} : memref<64xf32, #tpu.memory_space<vmem>>, vector<16xf32>,
        %swap3A_727 = vector.shape_cast %swap3A_726 : vector<16xf32> to vector<16xf32>
        %swap3A_728 = vector.shape_cast %get3A_541 : vector<16xf32> to vector<16xf32>
        tpu.vector_store %swap3A_724[%swap3A_725], %swap3A_728 {strides = array<i32>} : memref<64xf32, #tpu.memory_space<vmem>>, vector<16xf32>,
        %swap3A_729 = arith.constant 0 : i32
        %swap3A_730 = tpu.memref_slice %arg10[%add3A_689, %swap3A_729] : memref<512x64xf32, #tpu.memory_space<vmem>> -> memref<1x64xf32, #tpu.memory_space<vmem>>
        %swap3A_731 = tpu.memref_squeeze %swap3A_730 : memref<1x64xf32, #tpu.memory_space<vmem>> -> memref<64xf32, #tpu.memory_space<vmem>>
        %swap3A_732 = arith.constant 32 : index
        %swap3A_733 = tpu.vector_load %swap3A_731[%swap3A_732] {strides = array<i32>} : memref<64xf32, #tpu.memory_space<vmem>>, vector<16xf32>,
        %swap3A_734 = vector.shape_cast %swap3A_733 : vector<16xf32> to vector<16xf32>
        %swap3A_735 = vector.shape_cast %get3A_548 : vector<16xf32> to vector<16xf32>
        tpu.vector_store %swap3A_731[%swap3A_732], %swap3A_735 {strides = array<i32>} : memref<64xf32, #tpu.memory_space<vmem>>, vector<16xf32>,
        %swap3A_736 = arith.constant 0 : i32
        %swap3A_737 = tpu.memref_slice %arg10[%add3A_689, %swap3A_736] : memref<512x64xf32, #tpu.memory_space<vmem>> -> memref<1x64xf32, #tpu.memory_space<vmem>>
        %swap3A_738 = tpu.memref_squeeze %swap3A_737 : memref<1x64xf32, #tpu.memory_space<vmem>> -> memref<64xf32, #tpu.memory_space<vmem>>
        %swap3A_739 = arith.constant 48 : index
        %swap3A_740 = tpu.vector_load %swap3A_738[%swap3A_739] {strides = array<i32>} : memref<64xf32, #tpu.memory_space<vmem>>, vector<16xf32>,
        %swap3A_741 = vector.shape_cast %swap3A_740 : vector<16xf32> to vector<16xf32>
        %swap3A_742 = vector.shape_cast %get3A_555 : vector<16xf32> to vector<16xf32>
        tpu.vector_store %swap3A_738[%swap3A_739], %swap3A_742 {strides = array<i32>} : memref<64xf32, #tpu.memory_space<vmem>>, vector<16xf32>,
      } else {
      }
      %add3A_697 = arith.constant 14 : i32
      %add3A_698 = arith.addi %mul3A_571, %add3A_697 : i32
      %slice3A_699 = vector.extract_strided_slice %get3A_574 {offsets = [14], sizes = [1], strides = [1]} : vector<16xi32> to vector<1xi32>
      %squeeze3A_700 = vector.extract %slice3A_699[0] : i32 from vector<1xi32>
      %eq3A_701 = arith.constant 1 : i32
      %eq3A_702 = arith.cmpi eq, %squeeze3A_700, %eq3A_701 : i32
      %convert_element_type3A_703 = arith.extui %eq3A_702 : i1 to i32
      %cond3A_704 = arith.constant 0 : i32
      %cond3A_705 = arith.cmpi ne, %convert_element_type3A_703, %cond3A_704 : i32
      scf.if %cond3A_705 {
        %swap3A_715 = arith.constant 0 : i32
        %swap3A_716 = tpu.memref_slice %arg10[%add3A_698, %swap3A_715] : memref<512x64xf32, #tpu.memory_space<vmem>> -> memref<1x64xf32, #tpu.memory_space<vmem>>
        %swap3A_717 = tpu.memref_squeeze %swap3A_716 : memref<1x64xf32, #tpu.memory_space<vmem>> -> memref<64xf32, #tpu.memory_space<vmem>>
        %swap3A_718 = arith.constant 0 : index
        %swap3A_719 = tpu.vector_load %swap3A_717[%swap3A_718] {strides = array<i32>} : memref<64xf32, #tpu.memory_space<vmem>>, vector<16xf32>,
        %swap3A_720 = vector.shape_cast %swap3A_719 : vector<16xf32> to vector<16xf32>
        %swap3A_721 = vector.shape_cast %get3A_534 : vector<16xf32> to vector<16xf32>
        tpu.vector_store %swap3A_717[%swap3A_718], %swap3A_721 {strides = array<i32>} : memref<64xf32, #tpu.memory_space<vmem>>, vector<16xf32>,
        %swap3A_722 = arith.constant 0 : i32
        %swap3A_723 = tpu.memref_slice %arg10[%add3A_698, %swap3A_722] : memref<512x64xf32, #tpu.memory_space<vmem>> -> memref<1x64xf32, #tpu.memory_space<vmem>>
        %swap3A_724 = tpu.memref_squeeze %swap3A_723 : memref<1x64xf32, #tpu.memory_space<vmem>> -> memref<64xf32, #tpu.memory_space<vmem>>
        %swap3A_725 = arith.constant 16 : index
        %swap3A_726 = tpu.vector_load %swap3A_724[%swap3A_725] {strides = array<i32>} : memref<64xf32, #tpu.memory_space<vmem>>, vector<16xf32>,
        %swap3A_727 = vector.shape_cast %swap3A_726 : vector<16xf32> to vector<16xf32>
        %swap3A_728 = vector.shape_cast %get3A_541 : vector<16xf32> to vector<16xf32>
        tpu.vector_store %swap3A_724[%swap3A_725], %swap3A_728 {strides = array<i32>} : memref<64xf32, #tpu.memory_space<vmem>>, vector<16xf32>,
        %swap3A_729 = arith.constant 0 : i32
        %swap3A_730 = tpu.memref_slice %arg10[%add3A_698, %swap3A_729] : memref<512x64xf32, #tpu.memory_space<vmem>> -> memref<1x64xf32, #tpu.memory_space<vmem>>
        %swap3A_731 = tpu.memref_squeeze %swap3A_730 : memref<1x64xf32, #tpu.memory_space<vmem>> -> memref<64xf32, #tpu.memory_space<vmem>>
        %swap3A_732 = arith.constant 32 : index
        %swap3A_733 = tpu.vector_load %swap3A_731[%swap3A_732] {strides = array<i32>} : memref<64xf32, #tpu.memory_space<vmem>>, vector<16xf32>,
        %swap3A_734 = vector.shape_cast %swap3A_733 : vector<16xf32> to vector<16xf32>
        %swap3A_735 = vector.shape_cast %get3A_548 : vector<16xf32> to vector<16xf32>
        tpu.vector_store %swap3A_731[%swap3A_732], %swap3A_735 {strides = array<i32>} : memref<64xf32, #tpu.memory_space<vmem>>, vector<16xf32>,
        %swap3A_736 = arith.constant 0 : i32
        %swap3A_737 = tpu.memref_slice %arg10[%add3A_698, %swap3A_736] : memref<512x64xf32, #tpu.memory_space<vmem>> -> memref<1x64xf32, #tpu.memory_space<vmem>>
        %swap3A_738 = tpu.memref_squeeze %swap3A_737 : memref<1x64xf32, #tpu.memory_space<vmem>> -> memref<64xf32, #tpu.memory_space<vmem>>
        %swap3A_739 = arith.constant 48 : index
        %swap3A_740 = tpu.vector_load %swap3A_738[%swap3A_739] {strides = array<i32>} : memref<64xf32, #tpu.memory_space<vmem>>, vector<16xf32>,
        %swap3A_741 = vector.shape_cast %swap3A_740 : vector<16xf32> to vector<16xf32>
        %swap3A_742 = vector.shape_cast %get3A_555 : vector<16xf32> to vector<16xf32>
        tpu.vector_store %swap3A_738[%swap3A_739], %swap3A_742 {strides = array<i32>} : memref<64xf32, #tpu.memory_space<vmem>>, vector<16xf32>,
      } else {
      }
      %add3A_706 = arith.constant 15 : i32
      %add3A_707 = arith.addi %mul3A_571, %add3A_706 : i32
      %slice3A_708 = vector.extract_strided_slice %get3A_574 {offsets = [15], sizes = [1], strides = [1]} : vector<16xi32> to vector<1xi32>
      %squeeze3A_709 = vector.extract %slice3A_708[0] : i32 from vector<1xi32>
      %eq3A_710 = arith.constant 1 : i32
      %eq3A_711 = arith.cmpi eq, %squeeze3A_709, %eq3A_710 : i32
      %convert_element_type3A_712 = arith.extui %eq3A_711 : i1 to i32
      %cond3A_713 = arith.constant 0 : i32
      %cond3A_714 = arith.cmpi ne, %convert_element_type3A_712, %cond3A_713 : i32
      scf.if %cond3A_714 {
        %swap3A_715 = arith.constant 0 : i32
        %swap3A_716 = tpu.memref_slice %arg10[%add3A_707, %swap3A_715] : memref<512x64xf32, #tpu.memory_space<vmem>> -> memref<1x64xf32, #tpu.memory_space<vmem>>
        %swap3A_717 = tpu.memref_squeeze %swap3A_716 : memref<1x64xf32, #tpu.memory_space<vmem>> -> memref<64xf32, #tpu.memory_space<vmem>>
        %swap3A_718 = arith.constant 0 : index
        %swap3A_719 = tpu.vector_load %swap3A_717[%swap3A_718] {strides = array<i32>} : memref<64xf32, #tpu.memory_space<vmem>>, vector<16xf32>,
        %swap3A_720 = vector.shape_cast %swap3A_719 : vector<16xf32> to vector<16xf32>
        %swap3A_721 = vector.shape_cast %get3A_534 : vector<16xf32> to vector<16xf32>
        tpu.vector_store %swap3A_717[%swap3A_718], %swap3A_721 {strides = array<i32>} : memref<64xf32, #tpu.memory_space<vmem>>, vector<16xf32>,
        %swap3A_722 = arith.constant 0 : i32
        %swap3A_723 = tpu.memref_slice %arg10[%add3A_707, %swap3A_722] : memref<512x64xf32, #tpu.memory_space<vmem>> -> memref<1x64xf32, #tpu.memory_space<vmem>>
        %swap3A_724 = tpu.memref_squeeze %swap3A_723 : memref<1x64xf32, #tpu.memory_space<vmem>> -> memref<64xf32, #tpu.memory_space<vmem>>
        %swap3A_725 = arith.constant 16 : index
        %swap3A_726 = tpu.vector_load %swap3A_724[%swap3A_725] {strides = array<i32>} : memref<64xf32, #tpu.memory_space<vmem>>, vector<16xf32>,
        %swap3A_727 = vector.shape_cast %swap3A_726 : vector<16xf32> to vector<16xf32>
        %swap3A_728 = vector.shape_cast %get3A_541 : vector<16xf32> to vector<16xf32>
        tpu.vector_store %swap3A_724[%swap3A_725], %swap3A_728 {strides = array<i32>} : memref<64xf32, #tpu.memory_space<vmem>>, vector<16xf32>,
        %swap3A_729 = arith.constant 0 : i32
        %swap3A_730 = tpu.memref_slice %arg10[%add3A_707, %swap3A_729] : memref<512x64xf32, #tpu.memory_space<vmem>> -> memref<1x64xf32, #tpu.memory_space<vmem>>
        %swap3A_731 = tpu.memref_squeeze %swap3A_730 : memref<1x64xf32, #tpu.memory_space<vmem>> -> memref<64xf32, #tpu.memory_space<vmem>>
        %swap3A_732 = arith.constant 32 : index
        %swap3A_733 = tpu.vector_load %swap3A_731[%swap3A_732] {strides = array<i32>} : memref<64xf32, #tpu.memory_space<vmem>>, vector<16xf32>,
        %swap3A_734 = vector.shape_cast %swap3A_733 : vector<16xf32> to vector<16xf32>
        %swap3A_735 = vector.shape_cast %get3A_548 : vector<16xf32> to vector<16xf32>
        tpu.vector_store %swap3A_731[%swap3A_732], %swap3A_735 {strides = array<i32>} : memref<64xf32, #tpu.memory_space<vmem>>, vector<16xf32>,
        %swap3A_736 = arith.constant 0 : i32
        %swap3A_737 = tpu.memref_slice %arg10[%add3A_707, %swap3A_736] : memref<512x64xf32, #tpu.memory_space<vmem>> -> memref<1x64xf32, #tpu.memory_space<vmem>>
        %swap3A_738 = tpu.memref_squeeze %swap3A_737 : memref<1x64xf32, #tpu.memory_space<vmem>> -> memref<64xf32, #tpu.memory_space<vmem>>
        %swap3A_739 = arith.constant 48 : index
        %swap3A_740 = tpu.vector_load %swap3A_738[%swap3A_739] {strides = array<i32>} : memref<64xf32, #tpu.memory_space<vmem>>, vector<16xf32>,
        %swap3A_741 = vector.shape_cast %swap3A_740 : vector<16xf32> to vector<16xf32>
        %swap3A_742 = vector.shape_cast %get3A_555 : vector<16xf32> to vector<16xf32>
        tpu.vector_store %swap3A_738[%swap3A_739], %swap3A_742 {strides = array<i32>} : memref<64xf32, #tpu.memory_space<vmem>>, vector<16xf32>,
      } else {
      }
    }
    %scan3A_559 = arith.constant 32 : i32
    %scan3A_560 = arith.constant 0 : i32
    %scan3A_561 = arith.constant 32 : i32
    %scan3A_562 = arith.addi %scan3A_560, %scan3A_561 : i32
    %scan3A_563 = arith.constant 1 : i32
    scf.for %scan3A_565 = %scan3A_560 to %scan3A_562 step %scan3A_563  : i32 {
      %mul3A_566 = arith.constant 1 : i32
      %mul3A_567 = arith.muli %scan3A_565, %mul3A_566 : i32
      %add3A_568 = arith.constant 0 : i32
      %add3A_569 = arith.addi %add3A_568, %mul3A_567 : i32
      %mul3A_570 = arith.constant 16 : i32
      %mul3A_571 = arith.muli %add3A_569, %mul3A_570 : i32
      %get3A_572 = arith.index_cast %mul3A_571 : i32 to index
      %get3A_573 = tpu.vector_load %arg8[%get3A_572] {strides = array<i32>} : memref<512xi32, #tpu.memory_space<vmem>>, vector<16xi32>,
      %get3A_574 = vector.shape_cast %get3A_573 : vector<16xi32> to vector<16xi32>
      %get3A_575 = arith.index_cast %mul3A_571 : i32 to index
      %get3A_576 = tpu.vector_load %arg7[%get3A_575] {strides = array<i32>} : memref<512xi32, #tpu.memory_space<vmem>>, vector<16xi32>,
      %get3A_577 = vector.shape_cast %get3A_576 : vector<16xi32> to vector<16xi32>
      %slice3A = vector.extract_strided_slice %get3A_577 {offsets = [0], sizes = [1], strides = [1]} : vector<16xi32> to vector<1xi32>
      %squeeze3A = vector.extract %slice3A[0] : i32 from vector<1xi32>
      %eq3A_578 = arith.constant 0 : i32
      %eq3A_579 = arith.cmpi eq, %squeeze3A, %eq3A_578 : i32
      %slice3A_580 = vector.extract_strided_slice %get3A_574 {offsets = [0], sizes = [1], strides = [1]} : vector<16xi32> to vector<1xi32>
      %squeeze3A_581 = vector.extract %slice3A_580[0] : i32 from vector<1xi32>
      %add3A_582 = arith.constant 0 : i32
      %add3A_583 = arith.addi %mul3A_571, %add3A_582 : i32
      %convert_element_type3A = arith.extui %eq3A_579 : i1 to i32
      %cond3A = arith.constant 0 : i32
      %cond3A_584 = arith.cmpi ne, %convert_element_type3A, %cond3A : i32
      scf.if %cond3A_584 {
        %dma_start3A_926 = arith.constant 0 : i32
        %dma_start3A_927 = tpu.memref_slice %arg10[%add3A_583, %dma_start3A_926] : memref<512x64xf32, #tpu.memory_space<vmem>> -> memref<1x64xf32, #tpu.memory_space<vmem>>
        %dma_start3A_928 = arith.constant 0 : i32
        %dma_start3A_929 = tpu.memref_slice %arg4[%squeeze3A_581, %dma_start3A_928] : memref<1000001x64xf32, #tpu.memory_space<hbm>> -> memref<1x64xf32, #tpu.memory_space<hbm>>
        %dma_start3A_930 = arith.constant 0 : i32
        %dma_start3A_931 = tpu.memref_slice %arg10[%add3A_583, %dma_start3A_930] : memref<512x64xf32, #tpu.memory_space<vmem>> -> memref<1x64xf32, #tpu.memory_space<vmem>>
        %dma_start3A_932 = arith.constant 0 : i32
        %dma_start3A_933 = tpu.memref_slice %arg4[%squeeze3A_581, %dma_start3A_932] : memref<1000001x64xf32, #tpu.memory_space<hbm>> -> memref<1x64xf32, #tpu.memory_space<hbm>>
        tpu.enqueue_dma source(%dma_start3A_933 : memref<1x64xf32, #tpu.memory_space<hbm>>) target(%dma_start3A_931 : memref<1x64xf32, #tpu.memory_space<vmem>>) target_semaphore(%arg11 : memref<!tpu.dma_semaphore, #tpu.memory_space<semaphore_mem>>)
      } else {
      }
      %slice3A_585 = vector.extract_strided_slice %get3A_577 {offsets = [1], sizes = [1], strides = [1]} : vector<16xi32> to vector<1xi32>
      %squeeze3A_586 = vector.extract %slice3A_585[0] : i32 from vector<1xi32>
      %eq3A_587 = arith.constant 0 : i32
      %eq3A_588 = arith.cmpi eq, %squeeze3A_586, %eq3A_587 : i32
      %slice3A_589 = vector.extract_strided_slice %get3A_574 {offsets = [1], sizes = [1], strides = [1]} : vector<16xi32> to vector<1xi32>
      %squeeze3A_590 = vector.extract %slice3A_589[0] : i32 from vector<1xi32>
      %add3A_591 = arith.constant 1 : i32
      %add3A_592 = arith.addi %mul3A_571, %add3A_591 : i32
      %convert_element_type3A_593 = arith.extui %eq3A_588 : i1 to i32
      %cond3A_594 = arith.constant 0 : i32
      %cond3A_595 = arith.cmpi ne, %convert_element_type3A_593, %cond3A_594 : i32
      scf.if %cond3A_595 {
        %dma_start3A_926 = arith.constant 0 : i32
        %dma_start3A_927 = tpu.memref_slice %arg10[%add3A_592, %dma_start3A_926] : memref<512x64xf32, #tpu.memory_space<vmem>> -> memref<1x64xf32, #tpu.memory_space<vmem>>
        %dma_start3A_928 = arith.constant 0 : i32
        %dma_start3A_929 = tpu.memref_slice %arg4[%squeeze3A_590, %dma_start3A_928] : memref<1000001x64xf32, #tpu.memory_space<hbm>> -> memref<1x64xf32, #tpu.memory_space<hbm>>
        %dma_start3A_930 = arith.constant 0 : i32
        %dma_start3A_931 = tpu.memref_slice %arg10[%add3A_592, %dma_start3A_930] : memref<512x64xf32, #tpu.memory_space<vmem>> -> memref<1x64xf32, #tpu.memory_space<vmem>>
        %dma_start3A_932 = arith.constant 0 : i32
        %dma_start3A_933 = tpu.memref_slice %arg4[%squeeze3A_590, %dma_start3A_932] : memref<1000001x64xf32, #tpu.memory_space<hbm>> -> memref<1x64xf32, #tpu.memory_space<hbm>>
        tpu.enqueue_dma source(%dma_start3A_933 : memref<1x64xf32, #tpu.memory_space<hbm>>) target(%dma_start3A_931 : memref<1x64xf32, #tpu.memory_space<vmem>>) target_semaphore(%arg11 : memref<!tpu.dma_semaphore, #tpu.memory_space<semaphore_mem>>)
      } else {
      }
      %slice3A_596 = vector.extract_strided_slice %get3A_577 {offsets = [2], sizes = [1], strides = [1]} : vector<16xi32> to vector<1xi32>
      %squeeze3A_597 = vector.extract %slice3A_596[0] : i32 from vector<1xi32>
      %eq3A_598 = arith.constant 0 : i32
      %eq3A_599 = arith.cmpi eq, %squeeze3A_597, %eq3A_598 : i32
      %slice3A_600 = vector.extract_strided_slice %get3A_574 {offsets = [2], sizes = [1], strides = [1]} : vector<16xi32> to vector<1xi32>
      %squeeze3A_601 = vector.extract %slice3A_600[0] : i32 from vector<1xi32>
      %add3A_602 = arith.constant 2 : i32
      %add3A_603 = arith.addi %mul3A_571, %add3A_602 : i32
      %convert_element_type3A_604 = arith.extui %eq3A_599 : i1 to i32
      %cond3A_605 = arith.constant 0 : i32
      %cond3A_606 = arith.cmpi ne, %convert_element_type3A_604, %cond3A_605 : i32
      scf.if %cond3A_606 {
        %dma_start3A_926 = arith.constant 0 : i32
        %dma_start3A_927 = tpu.memref_slice %arg10[%add3A_603, %dma_start3A_926] : memref<512x64xf32, #tpu.memory_space<vmem>> -> memref<1x64xf32, #tpu.memory_space<vmem>>
        %dma_start3A_928 = arith.constant 0 : i32
        %dma_start3A_929 = tpu.memref_slice %arg4[%squeeze3A_601, %dma_start3A_928] : memref<1000001x64xf32, #tpu.memory_space<hbm>> -> memref<1x64xf32, #tpu.memory_space<hbm>>
        %dma_start3A_930 = arith.constant 0 : i32
        %dma_start3A_931 = tpu.memref_slice %arg10[%add3A_603, %dma_start3A_930] : memref<512x64xf32, #tpu.memory_space<vmem>> -> memref<1x64xf32, #tpu.memory_space<vmem>>
        %dma_start3A_932 = arith.constant 0 : i32
        %dma_start3A_933 = tpu.memref_slice %arg4[%squeeze3A_601, %dma_start3A_932] : memref<1000001x64xf32, #tpu.memory_space<hbm>> -> memref<1x64xf32, #tpu.memory_space<hbm>>
        tpu.enqueue_dma source(%dma_start3A_933 : memref<1x64xf32, #tpu.memory_space<hbm>>) target(%dma_start3A_931 : memref<1x64xf32, #tpu.memory_space<vmem>>) target_semaphore(%arg11 : memref<!tpu.dma_semaphore, #tpu.memory_space<semaphore_mem>>)
      } else {
      }
      %slice3A_607 = vector.extract_strided_slice %get3A_577 {offsets = [3], sizes = [1], strides = [1]} : vector<16xi32> to vector<1xi32>
      %squeeze3A_608 = vector.extract %slice3A_607[0] : i32 from vector<1xi32>
      %eq3A_609 = arith.constant 0 : i32
      %eq3A_610 = arith.cmpi eq, %squeeze3A_608, %eq3A_609 : i32
      %slice3A_611 = vector.extract_strided_slice %get3A_574 {offsets = [3], sizes = [1], strides = [1]} : vector<16xi32> to vector<1xi32>
      %squeeze3A_612 = vector.extract %slice3A_611[0] : i32 from vector<1xi32>
      %add3A_613 = arith.constant 3 : i32
      %add3A_614 = arith.addi %mul3A_571, %add3A_613 : i32
      %convert_element_type3A_615 = arith.extui %eq3A_610 : i1 to i32
      %cond3A_616 = arith.constant 0 : i32
      %cond3A_617 = arith.cmpi ne, %convert_element_type3A_615, %cond3A_616 : i32
      scf.if %cond3A_617 {
        %dma_start3A_926 = arith.constant 0 : i32
        %dma_start3A_927 = tpu.memref_slice %arg10[%add3A_614, %dma_start3A_926] : memref<512x64xf32, #tpu.memory_space<vmem>> -> memref<1x64xf32, #tpu.memory_space<vmem>>
        %dma_start3A_928 = arith.constant 0 : i32
        %dma_start3A_929 = tpu.memref_slice %arg4[%squeeze3A_612, %dma_start3A_928] : memref<1000001x64xf32, #tpu.memory_space<hbm>> -> memref<1x64xf32, #tpu.memory_space<hbm>>
        %dma_start3A_930 = arith.constant 0 : i32
        %dma_start3A_931 = tpu.memref_slice %arg10[%add3A_614, %dma_start3A_930] : memref<512x64xf32, #tpu.memory_space<vmem>> -> memref<1x64xf32, #tpu.memory_space<vmem>>
        %dma_start3A_932 = arith.constant 0 : i32
        %dma_start3A_933 = tpu.memref_slice %arg4[%squeeze3A_612, %dma_start3A_932] : memref<1000001x64xf32, #tpu.memory_space<hbm>> -> memref<1x64xf32, #tpu.memory_space<hbm>>
        tpu.enqueue_dma source(%dma_start3A_933 : memref<1x64xf32, #tpu.memory_space<hbm>>) target(%dma_start3A_931 : memref<1x64xf32, #tpu.memory_space<vmem>>) target_semaphore(%arg11 : memref<!tpu.dma_semaphore, #tpu.memory_space<semaphore_mem>>)
      } else {
      }
      %slice3A_618 = vector.extract_strided_slice %get3A_577 {offsets = [4], sizes = [1], strides = [1]} : vector<16xi32> to vector<1xi32>
      %squeeze3A_619 = vector.extract %slice3A_618[0] : i32 from vector<1xi32>
      %eq3A_620 = arith.constant 0 : i32
      %eq3A_621 = arith.cmpi eq, %squeeze3A_619, %eq3A_620 : i32
      %slice3A_622 = vector.extract_strided_slice %get3A_574 {offsets = [4], sizes = [1], strides = [1]} : vector<16xi32> to vector<1xi32>
      %squeeze3A_623 = vector.extract %slice3A_622[0] : i32 from vector<1xi32>
      %add3A_624 = arith.constant 4 : i32
      %add3A_625 = arith.addi %mul3A_571, %add3A_624 : i32
      %convert_element_type3A_626 = arith.extui %eq3A_621 : i1 to i32
      %cond3A_627 = arith.constant 0 : i32
      %cond3A_628 = arith.cmpi ne, %convert_element_type3A_626, %cond3A_627 : i32
      scf.if %cond3A_628 {
        %dma_start3A_926 = arith.constant 0 : i32
        %dma_start3A_927 = tpu.memref_slice %arg10[%add3A_625, %dma_start3A_926] : memref<512x64xf32, #tpu.memory_space<vmem>> -> memref<1x64xf32, #tpu.memory_space<vmem>>
        %dma_start3A_928 = arith.constant 0 : i32
        %dma_start3A_929 = tpu.memref_slice %arg4[%squeeze3A_623, %dma_start3A_928] : memref<1000001x64xf32, #tpu.memory_space<hbm>> -> memref<1x64xf32, #tpu.memory_space<hbm>>
        %dma_start3A_930 = arith.constant 0 : i32
        %dma_start3A_931 = tpu.memref_slice %arg10[%add3A_625, %dma_start3A_930] : memref<512x64xf32, #tpu.memory_space<vmem>> -> memref<1x64xf32, #tpu.memory_space<vmem>>
        %dma_start3A_932 = arith.constant 0 : i32
        %dma_start3A_933 = tpu.memref_slice %arg4[%squeeze3A_623, %dma_start3A_932] : memref<1000001x64xf32, #tpu.memory_space<hbm>> -> memref<1x64xf32, #tpu.memory_space<hbm>>
        tpu.enqueue_dma source(%dma_start3A_933 : memref<1x64xf32, #tpu.memory_space<hbm>>) target(%dma_start3A_931 : memref<1x64xf32, #tpu.memory_space<vmem>>) target_semaphore(%arg11 : memref<!tpu.dma_semaphore, #tpu.memory_space<semaphore_mem>>)
      } else {
      }
      %slice3A_629 = vector.extract_strided_slice %get3A_577 {offsets = [5], sizes = [1], strides = [1]} : vector<16xi32> to vector<1xi32>
      %squeeze3A_630 = vector.extract %slice3A_629[0] : i32 from vector<1xi32>
      %eq3A_631 = arith.constant 0 : i32
      %eq3A_632 = arith.cmpi eq, %squeeze3A_630, %eq3A_631 : i32
      %slice3A_633 = vector.extract_strided_slice %get3A_574 {offsets = [5], sizes = [1], strides = [1]} : vector<16xi32> to vector<1xi32>
      %squeeze3A_634 = vector.extract %slice3A_633[0] : i32 from vector<1xi32>
      %add3A_635 = arith.constant 5 : i32
      %add3A_636 = arith.addi %mul3A_571, %add3A_635 : i32
      %convert_element_type3A_637 = arith.extui %eq3A_632 : i1 to i32
      %cond3A_638 = arith.constant 0 : i32
      %cond3A_639 = arith.cmpi ne, %convert_element_type3A_637, %cond3A_638 : i32
      scf.if %cond3A_639 {
        %dma_start3A_926 = arith.constant 0 : i32
        %dma_start3A_927 = tpu.memref_slice %arg10[%add3A_636, %dma_start3A_926] : memref<512x64xf32, #tpu.memory_space<vmem>> -> memref<1x64xf32, #tpu.memory_space<vmem>>
        %dma_start3A_928 = arith.constant 0 : i32
        %dma_start3A_929 = tpu.memref_slice %arg4[%squeeze3A_634, %dma_start3A_928] : memref<1000001x64xf32, #tpu.memory_space<hbm>> -> memref<1x64xf32, #tpu.memory_space<hbm>>
        %dma_start3A_930 = arith.constant 0 : i32
        %dma_start3A_931 = tpu.memref_slice %arg10[%add3A_636, %dma_start3A_930] : memref<512x64xf32, #tpu.memory_space<vmem>> -> memref<1x64xf32, #tpu.memory_space<vmem>>
        %dma_start3A_932 = arith.constant 0 : i32
        %dma_start3A_933 = tpu.memref_slice %arg4[%squeeze3A_634, %dma_start3A_932] : memref<1000001x64xf32, #tpu.memory_space<hbm>> -> memref<1x64xf32, #tpu.memory_space<hbm>>
        tpu.enqueue_dma source(%dma_start3A_933 : memref<1x64xf32, #tpu.memory_space<hbm>>) target(%dma_start3A_931 : memref<1x64xf32, #tpu.memory_space<vmem>>) target_semaphore(%arg11 : memref<!tpu.dma_semaphore, #tpu.memory_space<semaphore_mem>>)
      } else {
      }
      %slice3A_640 = vector.extract_strided_slice %get3A_577 {offsets = [6], sizes = [1], strides = [1]} : vector<16xi32> to vector<1xi32>
      %squeeze3A_641 = vector.extract %slice3A_640[0] : i32 from vector<1xi32>
      %eq3A_642 = arith.constant 0 : i32
      %eq3A_643 = arith.cmpi eq, %squeeze3A_641, %eq3A_642 : i32
      %slice3A_644 = vector.extract_strided_slice %get3A_574 {offsets = [6], sizes = [1], strides = [1]} : vector<16xi32> to vector<1xi32>
      %squeeze3A_645 = vector.extract %slice3A_644[0] : i32 from vector<1xi32>
      %add3A_646 = arith.constant 6 : i32
      %add3A_647 = arith.addi %mul3A_571, %add3A_646 : i32
      %convert_element_type3A_648 = arith.extui %eq3A_643 : i1 to i32
      %cond3A_649 = arith.constant 0 : i32
      %cond3A_650 = arith.cmpi ne, %convert_element_type3A_648, %cond3A_649 : i32
      scf.if %cond3A_650 {
        %dma_start3A_926 = arith.constant 0 : i32
        %dma_start3A_927 = tpu.memref_slice %arg10[%add3A_647, %dma_start3A_926] : memref<512x64xf32, #tpu.memory_space<vmem>> -> memref<1x64xf32, #tpu.memory_space<vmem>>
        %dma_start3A_928 = arith.constant 0 : i32
        %dma_start3A_929 = tpu.memref_slice %arg4[%squeeze3A_645, %dma_start3A_928] : memref<1000001x64xf32, #tpu.memory_space<hbm>> -> memref<1x64xf32, #tpu.memory_space<hbm>>
        %dma_start3A_930 = arith.constant 0 : i32
        %dma_start3A_931 = tpu.memref_slice %arg10[%add3A_647, %dma_start3A_930] : memref<512x64xf32, #tpu.memory_space<vmem>> -> memref<1x64xf32, #tpu.memory_space<vmem>>
        %dma_start3A_932 = arith.constant 0 : i32
        %dma_start3A_933 = tpu.memref_slice %arg4[%squeeze3A_645, %dma_start3A_932] : memref<1000001x64xf32, #tpu.memory_space<hbm>> -> memref<1x64xf32, #tpu.memory_space<hbm>>
        tpu.enqueue_dma source(%dma_start3A_933 : memref<1x64xf32, #tpu.memory_space<hbm>>) target(%dma_start3A_931 : memref<1x64xf32, #tpu.memory_space<vmem>>) target_semaphore(%arg11 : memref<!tpu.dma_semaphore, #tpu.memory_space<semaphore_mem>>)
      } else {
      }
      %slice3A_651 = vector.extract_strided_slice %get3A_577 {offsets = [7], sizes = [1], strides = [1]} : vector<16xi32> to vector<1xi32>
      %squeeze3A_652 = vector.extract %slice3A_651[0] : i32 from vector<1xi32>
      %eq3A_653 = arith.constant 0 : i32
      %eq3A_654 = arith.cmpi eq, %squeeze3A_652, %eq3A_653 : i32
      %slice3A_655 = vector.extract_strided_slice %get3A_574 {offsets = [7], sizes = [1], strides = [1]} : vector<16xi32> to vector<1xi32>
      %squeeze3A_656 = vector.extract %slice3A_655[0] : i32 from vector<1xi32>
      %add3A_657 = arith.constant 7 : i32
      %add3A_658 = arith.addi %mul3A_571, %add3A_657 : i32
      %convert_element_type3A_659 = arith.extui %eq3A_654 : i1 to i32
      %cond3A_660 = arith.constant 0 : i32
      %cond3A_661 = arith.cmpi ne, %convert_element_type3A_659, %cond3A_660 : i32
      scf.if %cond3A_661 {
        %dma_start3A_926 = arith.constant 0 : i32
        %dma_start3A_927 = tpu.memref_slice %arg10[%add3A_658, %dma_start3A_926] : memref<512x64xf32, #tpu.memory_space<vmem>> -> memref<1x64xf32, #tpu.memory_space<vmem>>
        %dma_start3A_928 = arith.constant 0 : i32
        %dma_start3A_929 = tpu.memref_slice %arg4[%squeeze3A_656, %dma_start3A_928] : memref<1000001x64xf32, #tpu.memory_space<hbm>> -> memref<1x64xf32, #tpu.memory_space<hbm>>
        %dma_start3A_930 = arith.constant 0 : i32
        %dma_start3A_931 = tpu.memref_slice %arg10[%add3A_658, %dma_start3A_930] : memref<512x64xf32, #tpu.memory_space<vmem>> -> memref<1x64xf32, #tpu.memory_space<vmem>>
        %dma_start3A_932 = arith.constant 0 : i32
        %dma_start3A_933 = tpu.memref_slice %arg4[%squeeze3A_656, %dma_start3A_932] : memref<1000001x64xf32, #tpu.memory_space<hbm>> -> memref<1x64xf32, #tpu.memory_space<hbm>>
        tpu.enqueue_dma source(%dma_start3A_933 : memref<1x64xf32, #tpu.memory_space<hbm>>) target(%dma_start3A_931 : memref<1x64xf32, #tpu.memory_space<vmem>>) target_semaphore(%arg11 : memref<!tpu.dma_semaphore, #tpu.memory_space<semaphore_mem>>)
      } else {
      }
      %slice3A_662 = vector.extract_strided_slice %get3A_577 {offsets = [8], sizes = [1], strides = [1]} : vector<16xi32> to vector<1xi32>
      %squeeze3A_663 = vector.extract %slice3A_662[0] : i32 from vector<1xi32>
      %eq3A_664 = arith.constant 0 : i32
      %eq3A_665 = arith.cmpi eq, %squeeze3A_663, %eq3A_664 : i32
      %slice3A_666 = vector.extract_strided_slice %get3A_574 {offsets = [8], sizes = [1], strides = [1]} : vector<16xi32> to vector<1xi32>
      %squeeze3A_667 = vector.extract %slice3A_666[0] : i32 from vector<1xi32>
      %add3A_668 = arith.constant 8 : i32
      %add3A_669 = arith.addi %mul3A_571, %add3A_668 : i32
      %convert_element_type3A_670 = arith.extui %eq3A_665 : i1 to i32
      %cond3A_671 = arith.constant 0 : i32
      %cond3A_672 = arith.cmpi ne, %convert_element_type3A_670, %cond3A_671 : i32
      scf.if %cond3A_672 {
        %dma_start3A_926 = arith.constant 0 : i32
        %dma_start3A_927 = tpu.memref_slice %arg10[%add3A_669, %dma_start3A_926] : memref<512x64xf32, #tpu.memory_space<vmem>> -> memref<1x64xf32, #tpu.memory_space<vmem>>
        %dma_start3A_928 = arith.constant 0 : i32
        %dma_start3A_929 = tpu.memref_slice %arg4[%squeeze3A_667, %dma_start3A_928] : memref<1000001x64xf32, #tpu.memory_space<hbm>> -> memref<1x64xf32, #tpu.memory_space<hbm>>
        %dma_start3A_930 = arith.constant 0 : i32
        %dma_start3A_931 = tpu.memref_slice %arg10[%add3A_669, %dma_start3A_930] : memref<512x64xf32, #tpu.memory_space<vmem>> -> memref<1x64xf32, #tpu.memory_space<vmem>>
        %dma_start3A_932 = arith.constant 0 : i32
        %dma_start3A_933 = tpu.memref_slice %arg4[%squeeze3A_667, %dma_start3A_932] : memref<1000001x64xf32, #tpu.memory_space<hbm>> -> memref<1x64xf32, #tpu.memory_space<hbm>>
        tpu.enqueue_dma source(%dma_start3A_933 : memref<1x64xf32, #tpu.memory_space<hbm>>) target(%dma_start3A_931 : memref<1x64xf32, #tpu.memory_space<vmem>>) target_semaphore(%arg11 : memref<!tpu.dma_semaphore, #tpu.memory_space<semaphore_mem>>)
      } else {
      }
      %slice3A_673 = vector.extract_strided_slice %get3A_577 {offsets = [9], sizes = [1], strides = [1]} : vector<16xi32> to vector<1xi32>
      %squeeze3A_674 = vector.extract %slice3A_673[0] : i32 from vector<1xi32>
      %eq3A_675 = arith.constant 0 : i32
      %eq3A_676 = arith.cmpi eq, %squeeze3A_674, %eq3A_675 : i32
      %slice3A_677 = vector.extract_strided_slice %get3A_574 {offsets = [9], sizes = [1], strides = [1]} : vector<16xi32> to vector<1xi32>
      %squeeze3A_678 = vector.extract %slice3A_677[0] : i32 from vector<1xi32>
      %add3A_679 = arith.constant 9 : i32
      %add3A_680 = arith.addi %mul3A_571, %add3A_679 : i32
      %convert_element_type3A_681 = arith.extui %eq3A_676 : i1 to i32
      %cond3A_682 = arith.constant 0 : i32
      %cond3A_683 = arith.cmpi ne, %convert_element_type3A_681, %cond3A_682 : i32
      scf.if %cond3A_683 {
        %dma_start3A_926 = arith.constant 0 : i32
        %dma_start3A_927 = tpu.memref_slice %arg10[%add3A_680, %dma_start3A_926] : memref<512x64xf32, #tpu.memory_space<vmem>> -> memref<1x64xf32, #tpu.memory_space<vmem>>
        %dma_start3A_928 = arith.constant 0 : i32
        %dma_start3A_929 = tpu.memref_slice %arg4[%squeeze3A_678, %dma_start3A_928] : memref<1000001x64xf32, #tpu.memory_space<hbm>> -> memref<1x64xf32, #tpu.memory_space<hbm>>
        %dma_start3A_930 = arith.constant 0 : i32
        %dma_start3A_931 = tpu.memref_slice %arg10[%add3A_680, %dma_start3A_930] : memref<512x64xf32, #tpu.memory_space<vmem>> -> memref<1x64xf32, #tpu.memory_space<vmem>>
        %dma_start3A_932 = arith.constant 0 : i32
        %dma_start3A_933 = tpu.memref_slice %arg4[%squeeze3A_678, %dma_start3A_932] : memref<1000001x64xf32, #tpu.memory_space<hbm>> -> memref<1x64xf32, #tpu.memory_space<hbm>>
        tpu.enqueue_dma source(%dma_start3A_933 : memref<1x64xf32, #tpu.memory_space<hbm>>) target(%dma_start3A_931 : memref<1x64xf32, #tpu.memory_space<vmem>>) target_semaphore(%arg11 : memref<!tpu.dma_semaphore, #tpu.memory_space<semaphore_mem>>)
      } else {
      }
      %slice3A_684 = vector.extract_strided_slice %get3A_577 {offsets = [10], sizes = [1], strides = [1]} : vector<16xi32> to vector<1xi32>
      %squeeze3A_685 = vector.extract %slice3A_684[0] : i32 from vector<1xi32>
      %eq3A_686 = arith.constant 0 : i32
      %eq3A_687 = arith.cmpi eq, %squeeze3A_685, %eq3A_686 : i32
      %slice3A_688 = vector.extract_strided_slice %get3A_574 {offsets = [10], sizes = [1], strides = [1]} : vector<16xi32> to vector<1xi32>
      %squeeze3A_689 = vector.extract %slice3A_688[0] : i32 from vector<1xi32>
      %add3A_690 = arith.constant 10 : i32
      %add3A_691 = arith.addi %mul3A_571, %add3A_690 : i32
      %convert_element_type3A_692 = arith.extui %eq3A_687 : i1 to i32
      %cond3A_693 = arith.constant 0 : i32
      %cond3A_694 = arith.cmpi ne, %convert_element_type3A_692, %cond3A_693 : i32
      scf.if %cond3A_694 {
        %dma_start3A_926 = arith.constant 0 : i32
        %dma_start3A_927 = tpu.memref_slice %arg10[%add3A_691, %dma_start3A_926] : memref<512x64xf32, #tpu.memory_space<vmem>> -> memref<1x64xf32, #tpu.memory_space<vmem>>
        %dma_start3A_928 = arith.constant 0 : i32
        %dma_start3A_929 = tpu.memref_slice %arg4[%squeeze3A_689, %dma_start3A_928] : memref<1000001x64xf32, #tpu.memory_space<hbm>> -> memref<1x64xf32, #tpu.memory_space<hbm>>
        %dma_start3A_930 = arith.constant 0 : i32
        %dma_start3A_931 = tpu.memref_slice %arg10[%add3A_691, %dma_start3A_930] : memref<512x64xf32, #tpu.memory_space<vmem>> -> memref<1x64xf32, #tpu.memory_space<vmem>>
        %dma_start3A_932 = arith.constant 0 : i32
        %dma_start3A_933 = tpu.memref_slice %arg4[%squeeze3A_689, %dma_start3A_932] : memref<1000001x64xf32, #tpu.memory_space<hbm>> -> memref<1x64xf32, #tpu.memory_space<hbm>>
        tpu.enqueue_dma source(%dma_start3A_933 : memref<1x64xf32, #tpu.memory_space<hbm>>) target(%dma_start3A_931 : memref<1x64xf32, #tpu.memory_space<vmem>>) target_semaphore(%arg11 : memref<!tpu.dma_semaphore, #tpu.memory_space<semaphore_mem>>)
      } else {
      }
      %slice3A_695 = vector.extract_strided_slice %get3A_577 {offsets = [11], sizes = [1], strides = [1]} : vector<16xi32> to vector<1xi32>
      %squeeze3A_696 = vector.extract %slice3A_695[0] : i32 from vector<1xi32>
      %eq3A_697 = arith.constant 0 : i32
      %eq3A_698 = arith.cmpi eq, %squeeze3A_696, %eq3A_697 : i32
      %slice3A_699 = vector.extract_strided_slice %get3A_574 {offsets = [11], sizes = [1], strides = [1]} : vector<16xi32> to vector<1xi32>
      %squeeze3A_700 = vector.extract %slice3A_699[0] : i32 from vector<1xi32>
      %add3A_701 = arith.constant 11 : i32
      %add3A_702 = arith.addi %mul3A_571, %add3A_701 : i32
      %convert_element_type3A_703 = arith.extui %eq3A_698 : i1 to i32
      %cond3A_704 = arith.constant 0 : i32
      %cond3A_705 = arith.cmpi ne, %convert_element_type3A_703, %cond3A_704 : i32
      scf.if %cond3A_705 {
        %dma_start3A_926 = arith.constant 0 : i32
        %dma_start3A_927 = tpu.memref_slice %arg10[%add3A_702, %dma_start3A_926] : memref<512x64xf32, #tpu.memory_space<vmem>> -> memref<1x64xf32, #tpu.memory_space<vmem>>
        %dma_start3A_928 = arith.constant 0 : i32
        %dma_start3A_929 = tpu.memref_slice %arg4[%squeeze3A_700, %dma_start3A_928] : memref<1000001x64xf32, #tpu.memory_space<hbm>> -> memref<1x64xf32, #tpu.memory_space<hbm>>
        %dma_start3A_930 = arith.constant 0 : i32
        %dma_start3A_931 = tpu.memref_slice %arg10[%add3A_702, %dma_start3A_930] : memref<512x64xf32, #tpu.memory_space<vmem>> -> memref<1x64xf32, #tpu.memory_space<vmem>>
        %dma_start3A_932 = arith.constant 0 : i32
        %dma_start3A_933 = tpu.memref_slice %arg4[%squeeze3A_700, %dma_start3A_932] : memref<1000001x64xf32, #tpu.memory_space<hbm>> -> memref<1x64xf32, #tpu.memory_space<hbm>>
        tpu.enqueue_dma source(%dma_start3A_933 : memref<1x64xf32, #tpu.memory_space<hbm>>) target(%dma_start3A_931 : memref<1x64xf32, #tpu.memory_space<vmem>>) target_semaphore(%arg11 : memref<!tpu.dma_semaphore, #tpu.memory_space<semaphore_mem>>)
      } else {
      }
      %slice3A_706 = vector.extract_strided_slice %get3A_577 {offsets = [12], sizes = [1], strides = [1]} : vector<16xi32> to vector<1xi32>
      %squeeze3A_707 = vector.extract %slice3A_706[0] : i32 from vector<1xi32>
      %eq3A_708 = arith.constant 0 : i32
      %eq3A_709 = arith.cmpi eq, %squeeze3A_707, %eq3A_708 : i32
      %slice3A_710 = vector.extract_strided_slice %get3A_574 {offsets = [12], sizes = [1], strides = [1]} : vector<16xi32> to vector<1xi32>
      %squeeze3A_711 = vector.extract %slice3A_710[0] : i32 from vector<1xi32>
      %add3A_712 = arith.constant 12 : i32
      %add3A_713 = arith.addi %mul3A_571, %add3A_712 : i32
      %convert_element_type3A_714 = arith.extui %eq3A_709 : i1 to i32
      %cond3A_715 = arith.constant 0 : i32
      %cond3A_716 = arith.cmpi ne, %convert_element_type3A_714, %cond3A_715 : i32
      scf.if %cond3A_716 {
        %dma_start3A_926 = arith.constant 0 : i32
        %dma_start3A_927 = tpu.memref_slice %arg10[%add3A_713, %dma_start3A_926] : memref<512x64xf32, #tpu.memory_space<vmem>> -> memref<1x64xf32, #tpu.memory_space<vmem>>
        %dma_start3A_928 = arith.constant 0 : i32
        %dma_start3A_929 = tpu.memref_slice %arg4[%squeeze3A_711, %dma_start3A_928] : memref<1000001x64xf32, #tpu.memory_space<hbm>> -> memref<1x64xf32, #tpu.memory_space<hbm>>
        %dma_start3A_930 = arith.constant 0 : i32
        %dma_start3A_931 = tpu.memref_slice %arg10[%add3A_713, %dma_start3A_930] : memref<512x64xf32, #tpu.memory_space<vmem>> -> memref<1x64xf32, #tpu.memory_space<vmem>>
        %dma_start3A_932 = arith.constant 0 : i32
        %dma_start3A_933 = tpu.memref_slice %arg4[%squeeze3A_711, %dma_start3A_932] : memref<1000001x64xf32, #tpu.memory_space<hbm>> -> memref<1x64xf32, #tpu.memory_space<hbm>>
        tpu.enqueue_dma source(%dma_start3A_933 : memref<1x64xf32, #tpu.memory_space<hbm>>) target(%dma_start3A_931 : memref<1x64xf32, #tpu.memory_space<vmem>>) target_semaphore(%arg11 : memref<!tpu.dma_semaphore, #tpu.memory_space<semaphore_mem>>)
      } else {
      }
      %slice3A_717 = vector.extract_strided_slice %get3A_577 {offsets = [13], sizes = [1], strides = [1]} : vector<16xi32> to vector<1xi32>
      %squeeze3A_718 = vector.extract %slice3A_717[0] : i32 from vector<1xi32>
      %eq3A_719 = arith.constant 0 : i32
      %eq3A_720 = arith.cmpi eq, %squeeze3A_718, %eq3A_719 : i32
      %slice3A_721 = vector.extract_strided_slice %get3A_574 {offsets = [13], sizes = [1], strides = [1]} : vector<16xi32> to vector<1xi32>
      %squeeze3A_722 = vector.extract %slice3A_721[0] : i32 from vector<1xi32>
      %add3A_723 = arith.constant 13 : i32
      %add3A_724 = arith.addi %mul3A_571, %add3A_723 : i32
      %convert_element_type3A_725 = arith.extui %eq3A_720 : i1 to i32
      %cond3A_726 = arith.constant 0 : i32
      %cond3A_727 = arith.cmpi ne, %convert_element_type3A_725, %cond3A_726 : i32
      scf.if %cond3A_727 {
        %dma_start3A_926 = arith.constant 0 : i32
        %dma_start3A_927 = tpu.memref_slice %arg10[%add3A_724, %dma_start3A_926] : memref<512x64xf32, #tpu.memory_space<vmem>> -> memref<1x64xf32, #tpu.memory_space<vmem>>
        %dma_start3A_928 = arith.constant 0 : i32
        %dma_start3A_929 = tpu.memref_slice %arg4[%squeeze3A_722, %dma_start3A_928] : memref<1000001x64xf32, #tpu.memory_space<hbm>> -> memref<1x64xf32, #tpu.memory_space<hbm>>
        %dma_start3A_930 = arith.constant 0 : i32
        %dma_start3A_931 = tpu.memref_slice %arg10[%add3A_724, %dma_start3A_930] : memref<512x64xf32, #tpu.memory_space<vmem>> -> memref<1x64xf32, #tpu.memory_space<vmem>>
        %dma_start3A_932 = arith.constant 0 : i32
        %dma_start3A_933 = tpu.memref_slice %arg4[%squeeze3A_722, %dma_start3A_932] : memref<1000001x64xf32, #tpu.memory_space<hbm>> -> memref<1x64xf32, #tpu.memory_space<hbm>>
        tpu.enqueue_dma source(%dma_start3A_933 : memref<1x64xf32, #tpu.memory_space<hbm>>) target(%dma_start3A_931 : memref<1x64xf32, #tpu.memory_space<vmem>>) target_semaphore(%arg11 : memref<!tpu.dma_semaphore, #tpu.memory_space<semaphore_mem>>)
      } else {
      }
      %slice3A_728 = vector.extract_strided_slice %get3A_577 {offsets = [14], sizes = [1], strides = [1]} : vector<16xi32> to vector<1xi32>
      %squeeze3A_729 = vector.extract %slice3A_728[0] : i32 from vector<1xi32>
      %eq3A_730 = arith.constant 0 : i32
      %eq3A_731 = arith.cmpi eq, %squeeze3A_729, %eq3A_730 : i32
      %slice3A_732 = vector.extract_strided_slice %get3A_574 {offsets = [14], sizes = [1], strides = [1]} : vector<16xi32> to vector<1xi32>
      %squeeze3A_733 = vector.extract %slice3A_732[0] : i32 from vector<1xi32>
      %add3A_734 = arith.constant 14 : i32
      %add3A_735 = arith.addi %mul3A_571, %add3A_734 : i32
      %convert_element_type3A_736 = arith.extui %eq3A_731 : i1 to i32
      %cond3A_737 = arith.constant 0 : i32
      %cond3A_738 = arith.cmpi ne, %convert_element_type3A_736, %cond3A_737 : i32
      scf.if %cond3A_738 {
        %dma_start3A_926 = arith.constant 0 : i32
        %dma_start3A_927 = tpu.memref_slice %arg10[%add3A_735, %dma_start3A_926] : memref<512x64xf32, #tpu.memory_space<vmem>> -> memref<1x64xf32, #tpu.memory_space<vmem>>
        %dma_start3A_928 = arith.constant 0 : i32
        %dma_start3A_929 = tpu.memref_slice %arg4[%squeeze3A_733, %dma_start3A_928] : memref<1000001x64xf32, #tpu.memory_space<hbm>> -> memref<1x64xf32, #tpu.memory_space<hbm>>
        %dma_start3A_930 = arith.constant 0 : i32
        %dma_start3A_931 = tpu.memref_slice %arg10[%add3A_735, %dma_start3A_930] : memref<512x64xf32, #tpu.memory_space<vmem>> -> memref<1x64xf32, #tpu.memory_space<vmem>>
        %dma_start3A_932 = arith.constant 0 : i32
        %dma_start3A_933 = tpu.memref_slice %arg4[%squeeze3A_733, %dma_start3A_932] : memref<1000001x64xf32, #tpu.memory_space<hbm>> -> memref<1x64xf32, #tpu.memory_space<hbm>>
        tpu.enqueue_dma source(%dma_start3A_933 : memref<1x64xf32, #tpu.memory_space<hbm>>) target(%dma_start3A_931 : memref<1x64xf32, #tpu.memory_space<vmem>>) target_semaphore(%arg11 : memref<!tpu.dma_semaphore, #tpu.memory_space<semaphore_mem>>)
      } else {
      }
      %slice3A_739 = vector.extract_strided_slice %get3A_577 {offsets = [15], sizes = [1], strides = [1]} : vector<16xi32> to vector<1xi32>
      %squeeze3A_740 = vector.extract %slice3A_739[0] : i32 from vector<1xi32>
      %eq3A_741 = arith.constant 0 : i32
      %eq3A_742 = arith.cmpi eq, %squeeze3A_740, %eq3A_741 : i32
      %slice3A_743 = vector.extract_strided_slice %get3A_574 {offsets = [15], sizes = [1], strides = [1]} : vector<16xi32> to vector<1xi32>
      %squeeze3A_744 = vector.extract %slice3A_743[0] : i32 from vector<1xi32>
      %add3A_745 = arith.constant 15 : i32
      %add3A_746 = arith.addi %mul3A_571, %add3A_745 : i32
      %convert_element_type3A_747 = arith.extui %eq3A_742 : i1 to i32
      %cond3A_748 = arith.constant 0 : i32
      %cond3A_749 = arith.cmpi ne, %convert_element_type3A_747, %cond3A_748 : i32
      scf.if %cond3A_749 {
        %dma_start3A_926 = arith.constant 0 : i32
        %dma_start3A_927 = tpu.memref_slice %arg10[%add3A_746, %dma_start3A_926] : memref<512x64xf32, #tpu.memory_space<vmem>> -> memref<1x64xf32, #tpu.memory_space<vmem>>
        %dma_start3A_928 = arith.constant 0 : i32
        %dma_start3A_929 = tpu.memref_slice %arg4[%squeeze3A_744, %dma_start3A_928] : memref<1000001x64xf32, #tpu.memory_space<hbm>> -> memref<1x64xf32, #tpu.memory_space<hbm>>
        %dma_start3A_930 = arith.constant 0 : i32
        %dma_start3A_931 = tpu.memref_slice %arg10[%add3A_746, %dma_start3A_930] : memref<512x64xf32, #tpu.memory_space<vmem>> -> memref<1x64xf32, #tpu.memory_space<vmem>>
        %dma_start3A_932 = arith.constant 0 : i32
        %dma_start3A_933 = tpu.memref_slice %arg4[%squeeze3A_744, %dma_start3A_932] : memref<1000001x64xf32, #tpu.memory_space<hbm>> -> memref<1x64xf32, #tpu.memory_space<hbm>>
        tpu.enqueue_dma source(%dma_start3A_933 : memref<1x64xf32, #tpu.memory_space<hbm>>) target(%dma_start3A_931 : memref<1x64xf32, #tpu.memory_space<vmem>>) target_semaphore(%arg11 : memref<!tpu.dma_semaphore, #tpu.memory_space<semaphore_mem>>)
      } else {
      }
      %slice3A_750 = vector.extract_strided_slice %get3A_577 {offsets = [0], sizes = [1], strides = [1]} : vector<16xi32> to vector<1xi32>
      %squeeze3A_751 = vector.extract %slice3A_750[0] : i32 from vector<1xi32>
      %eq3A_752 = arith.constant 0 : i32
      %eq3A_753 = arith.cmpi eq, %squeeze3A_751, %eq3A_752 : i32
      %slice3A_754 = vector.extract_strided_slice %get3A_574 {offsets = [0], sizes = [1], strides = [1]} : vector<16xi32> to vector<1xi32>
      %squeeze3A_755 = vector.extract %slice3A_754[0] : i32 from vector<1xi32>
      %add3A_756 = arith.constant 0 : i32
      %add3A_757 = arith.addi %mul3A_571, %add3A_756 : i32
      %convert_element_type3A_758 = arith.extui %eq3A_753 : i1 to i32
      %cond3A_759 = arith.constant 0 : i32
      %cond3A_760 = arith.cmpi ne, %convert_element_type3A_758, %cond3A_759 : i32
      scf.if %cond3A_760 {
        %dma_wait3A_926 = arith.constant 0 : i32
        %dma_wait3A_927 = tpu.memref_slice %arg10[%add3A_757, %dma_wait3A_926] : memref<512x64xf32, #tpu.memory_space<vmem>> -> memref<1x64xf32, #tpu.memory_space<vmem>>
        %dma_wait3A_928 = arith.constant 0 : i32
        %dma_wait3A_929 = tpu.memref_slice %arg4[%squeeze3A_755, %dma_wait3A_928] : memref<1000001x64xf32, #tpu.memory_space<hbm>> -> memref<1x64xf32, #tpu.memory_space<hbm>>
        %dma_wait3A_930 = arith.constant 0 : i32
        %dma_wait3A_931 = tpu.memref_slice %arg10[%add3A_757, %dma_wait3A_930] : memref<512x64xf32, #tpu.memory_space<vmem>> -> memref<1x64xf32, #tpu.memory_space<vmem>>
        %dma_wait3A_932 = arith.constant 0 : i32
        %dma_wait3A_933 = tpu.memref_slice %arg4[%squeeze3A_755, %dma_wait3A_932] : memref<1000001x64xf32, #tpu.memory_space<hbm>> -> memref<1x64xf32, #tpu.memory_space<hbm>>
        tpu.wait_dma2 semaphore(%arg11 : memref<!tpu.dma_semaphore, #tpu.memory_space<semaphore_mem>>) src(%dma_wait3A_933 : memref<1x64xf32, #tpu.memory_space<hbm>>) dst(%dma_wait3A_931 : memref<1x64xf32, #tpu.memory_space<vmem>>)
      } else {
      }
      %slice3A_761 = vector.extract_strided_slice %get3A_577 {offsets = [1], sizes = [1], strides = [1]} : vector<16xi32> to vector<1xi32>
      %squeeze3A_762 = vector.extract %slice3A_761[0] : i32 from vector<1xi32>
      %eq3A_763 = arith.constant 0 : i32
      %eq3A_764 = arith.cmpi eq, %squeeze3A_762, %eq3A_763 : i32
      %slice3A_765 = vector.extract_strided_slice %get3A_574 {offsets = [1], sizes = [1], strides = [1]} : vector<16xi32> to vector<1xi32>
      %squeeze3A_766 = vector.extract %slice3A_765[0] : i32 from vector<1xi32>
      %add3A_767 = arith.constant 1 : i32
      %add3A_768 = arith.addi %mul3A_571, %add3A_767 : i32
      %convert_element_type3A_769 = arith.extui %eq3A_764 : i1 to i32
      %cond3A_770 = arith.constant 0 : i32
      %cond3A_771 = arith.cmpi ne, %convert_element_type3A_769, %cond3A_770 : i32
      scf.if %cond3A_771 {
        %dma_wait3A_926 = arith.constant 0 : i32
        %dma_wait3A_927 = tpu.memref_slice %arg10[%add3A_768, %dma_wait3A_926] : memref<512x64xf32, #tpu.memory_space<vmem>> -> memref<1x64xf32, #tpu.memory_space<vmem>>
        %dma_wait3A_928 = arith.constant 0 : i32
        %dma_wait3A_929 = tpu.memref_slice %arg4[%squeeze3A_766, %dma_wait3A_928] : memref<1000001x64xf32, #tpu.memory_space<hbm>> -> memref<1x64xf32, #tpu.memory_space<hbm>>
        %dma_wait3A_930 = arith.constant 0 : i32
        %dma_wait3A_931 = tpu.memref_slice %arg10[%add3A_768, %dma_wait3A_930] : memref<512x64xf32, #tpu.memory_space<vmem>> -> memref<1x64xf32, #tpu.memory_space<vmem>>
        %dma_wait3A_932 = arith.constant 0 : i32
        %dma_wait3A_933 = tpu.memref_slice %arg4[%squeeze3A_766, %dma_wait3A_932] : memref<1000001x64xf32, #tpu.memory_space<hbm>> -> memref<1x64xf32, #tpu.memory_space<hbm>>
        tpu.wait_dma2 semaphore(%arg11 : memref<!tpu.dma_semaphore, #tpu.memory_space<semaphore_mem>>) src(%dma_wait3A_933 : memref<1x64xf32, #tpu.memory_space<hbm>>) dst(%dma_wait3A_931 : memref<1x64xf32, #tpu.memory_space<vmem>>)
      } else {
      }
      %slice3A_772 = vector.extract_strided_slice %get3A_577 {offsets = [2], sizes = [1], strides = [1]} : vector<16xi32> to vector<1xi32>
      %squeeze3A_773 = vector.extract %slice3A_772[0] : i32 from vector<1xi32>
      %eq3A_774 = arith.constant 0 : i32
      %eq3A_775 = arith.cmpi eq, %squeeze3A_773, %eq3A_774 : i32
      %slice3A_776 = vector.extract_strided_slice %get3A_574 {offsets = [2], sizes = [1], strides = [1]} : vector<16xi32> to vector<1xi32>
      %squeeze3A_777 = vector.extract %slice3A_776[0] : i32 from vector<1xi32>
      %add3A_778 = arith.constant 2 : i32
      %add3A_779 = arith.addi %mul3A_571, %add3A_778 : i32
      %convert_element_type3A_780 = arith.extui %eq3A_775 : i1 to i32
      %cond3A_781 = arith.constant 0 : i32
      %cond3A_782 = arith.cmpi ne, %convert_element_type3A_780, %cond3A_781 : i32
      scf.if %cond3A_782 {
        %dma_wait3A_926 = arith.constant 0 : i32
        %dma_wait3A_927 = tpu.memref_slice %arg10[%add3A_779, %dma_wait3A_926] : memref<512x64xf32, #tpu.memory_space<vmem>> -> memref<1x64xf32, #tpu.memory_space<vmem>>
        %dma_wait3A_928 = arith.constant 0 : i32
        %dma_wait3A_929 = tpu.memref_slice %arg4[%squeeze3A_777, %dma_wait3A_928] : memref<1000001x64xf32, #tpu.memory_space<hbm>> -> memref<1x64xf32, #tpu.memory_space<hbm>>
        %dma_wait3A_930 = arith.constant 0 : i32
        %dma_wait3A_931 = tpu.memref_slice %arg10[%add3A_779, %dma_wait3A_930] : memref<512x64xf32, #tpu.memory_space<vmem>> -> memref<1x64xf32, #tpu.memory_space<vmem>>
        %dma_wait3A_932 = arith.constant 0 : i32
        %dma_wait3A_933 = tpu.memref_slice %arg4[%squeeze3A_777, %dma_wait3A_932] : memref<1000001x64xf32, #tpu.memory_space<hbm>> -> memref<1x64xf32, #tpu.memory_space<hbm>>
        tpu.wait_dma2 semaphore(%arg11 : memref<!tpu.dma_semaphore, #tpu.memory_space<semaphore_mem>>) src(%dma_wait3A_933 : memref<1x64xf32, #tpu.memory_space<hbm>>) dst(%dma_wait3A_931 : memref<1x64xf32, #tpu.memory_space<vmem>>)
      } else {
      }
      %slice3A_783 = vector.extract_strided_slice %get3A_577 {offsets = [3], sizes = [1], strides = [1]} : vector<16xi32> to vector<1xi32>
      %squeeze3A_784 = vector.extract %slice3A_783[0] : i32 from vector<1xi32>
      %eq3A_785 = arith.constant 0 : i32
      %eq3A_786 = arith.cmpi eq, %squeeze3A_784, %eq3A_785 : i32
      %slice3A_787 = vector.extract_strided_slice %get3A_574 {offsets = [3], sizes = [1], strides = [1]} : vector<16xi32> to vector<1xi32>
      %squeeze3A_788 = vector.extract %slice3A_787[0] : i32 from vector<1xi32>
      %add3A_789 = arith.constant 3 : i32
      %add3A_790 = arith.addi %mul3A_571, %add3A_789 : i32
      %convert_element_type3A_791 = arith.extui %eq3A_786 : i1 to i32
      %cond3A_792 = arith.constant 0 : i32
      %cond3A_793 = arith.cmpi ne, %convert_element_type3A_791, %cond3A_792 : i32
      scf.if %cond3A_793 {
        %dma_wait3A_926 = arith.constant 0 : i32
        %dma_wait3A_927 = tpu.memref_slice %arg10[%add3A_790, %dma_wait3A_926] : memref<512x64xf32, #tpu.memory_space<vmem>> -> memref<1x64xf32, #tpu.memory_space<vmem>>
        %dma_wait3A_928 = arith.constant 0 : i32
        %dma_wait3A_929 = tpu.memref_slice %arg4[%squeeze3A_788, %dma_wait3A_928] : memref<1000001x64xf32, #tpu.memory_space<hbm>> -> memref<1x64xf32, #tpu.memory_space<hbm>>
        %dma_wait3A_930 = arith.constant 0 : i32
        %dma_wait3A_931 = tpu.memref_slice %arg10[%add3A_790, %dma_wait3A_930] : memref<512x64xf32, #tpu.memory_space<vmem>> -> memref<1x64xf32, #tpu.memory_space<vmem>>
        %dma_wait3A_932 = arith.constant 0 : i32
        %dma_wait3A_933 = tpu.memref_slice %arg4[%squeeze3A_788, %dma_wait3A_932] : memref<1000001x64xf32, #tpu.memory_space<hbm>> -> memref<1x64xf32, #tpu.memory_space<hbm>>
        tpu.wait_dma2 semaphore(%arg11 : memref<!tpu.dma_semaphore, #tpu.memory_space<semaphore_mem>>) src(%dma_wait3A_933 : memref<1x64xf32, #tpu.memory_space<hbm>>) dst(%dma_wait3A_931 : memref<1x64xf32, #tpu.memory_space<vmem>>)
      } else {
      }
      %slice3A_794 = vector.extract_strided_slice %get3A_577 {offsets = [4], sizes = [1], strides = [1]} : vector<16xi32> to vector<1xi32>
      %squeeze3A_795 = vector.extract %slice3A_794[0] : i32 from vector<1xi32>
      %eq3A_796 = arith.constant 0 : i32
      %eq3A_797 = arith.cmpi eq, %squeeze3A_795, %eq3A_796 : i32
      %slice3A_798 = vector.extract_strided_slice %get3A_574 {offsets = [4], sizes = [1], strides = [1]} : vector<16xi32> to vector<1xi32>
      %squeeze3A_799 = vector.extract %slice3A_798[0] : i32 from vector<1xi32>
      %add3A_800 = arith.constant 4 : i32
      %add3A_801 = arith.addi %mul3A_571, %add3A_800 : i32
      %convert_element_type3A_802 = arith.extui %eq3A_797 : i1 to i32
      %cond3A_803 = arith.constant 0 : i32
      %cond3A_804 = arith.cmpi ne, %convert_element_type3A_802, %cond3A_803 : i32
      scf.if %cond3A_804 {
        %dma_wait3A_926 = arith.constant 0 : i32
        %dma_wait3A_927 = tpu.memref_slice %arg10[%add3A_801, %dma_wait3A_926] : memref<512x64xf32, #tpu.memory_space<vmem>> -> memref<1x64xf32, #tpu.memory_space<vmem>>
        %dma_wait3A_928 = arith.constant 0 : i32
        %dma_wait3A_929 = tpu.memref_slice %arg4[%squeeze3A_799, %dma_wait3A_928] : memref<1000001x64xf32, #tpu.memory_space<hbm>> -> memref<1x64xf32, #tpu.memory_space<hbm>>
        %dma_wait3A_930 = arith.constant 0 : i32
        %dma_wait3A_931 = tpu.memref_slice %arg10[%add3A_801, %dma_wait3A_930] : memref<512x64xf32, #tpu.memory_space<vmem>> -> memref<1x64xf32, #tpu.memory_space<vmem>>
        %dma_wait3A_932 = arith.constant 0 : i32
        %dma_wait3A_933 = tpu.memref_slice %arg4[%squeeze3A_799, %dma_wait3A_932] : memref<1000001x64xf32, #tpu.memory_space<hbm>> -> memref<1x64xf32, #tpu.memory_space<hbm>>
        tpu.wait_dma2 semaphore(%arg11 : memref<!tpu.dma_semaphore, #tpu.memory_space<semaphore_mem>>) src(%dma_wait3A_933 : memref<1x64xf32, #tpu.memory_space<hbm>>) dst(%dma_wait3A_931 : memref<1x64xf32, #tpu.memory_space<vmem>>)
      } else {
      }
      %slice3A_805 = vector.extract_strided_slice %get3A_577 {offsets = [5], sizes = [1], strides = [1]} : vector<16xi32> to vector<1xi32>
      %squeeze3A_806 = vector.extract %slice3A_805[0] : i32 from vector<1xi32>
      %eq3A_807 = arith.constant 0 : i32
      %eq3A_808 = arith.cmpi eq, %squeeze3A_806, %eq3A_807 : i32
      %slice3A_809 = vector.extract_strided_slice %get3A_574 {offsets = [5], sizes = [1], strides = [1]} : vector<16xi32> to vector<1xi32>
      %squeeze3A_810 = vector.extract %slice3A_809[0] : i32 from vector<1xi32>
      %add3A_811 = arith.constant 5 : i32
      %add3A_812 = arith.addi %mul3A_571, %add3A_811 : i32
      %convert_element_type3A_813 = arith.extui %eq3A_808 : i1 to i32
      %cond3A_814 = arith.constant 0 : i32
      %cond3A_815 = arith.cmpi ne, %convert_element_type3A_813, %cond3A_814 : i32
      scf.if %cond3A_815 {
        %dma_wait3A_926 = arith.constant 0 : i32
        %dma_wait3A_927 = tpu.memref_slice %arg10[%add3A_812, %dma_wait3A_926] : memref<512x64xf32, #tpu.memory_space<vmem>> -> memref<1x64xf32, #tpu.memory_space<vmem>>
        %dma_wait3A_928 = arith.constant 0 : i32
        %dma_wait3A_929 = tpu.memref_slice %arg4[%squeeze3A_810, %dma_wait3A_928] : memref<1000001x64xf32, #tpu.memory_space<hbm>> -> memref<1x64xf32, #tpu.memory_space<hbm>>
        %dma_wait3A_930 = arith.constant 0 : i32
        %dma_wait3A_931 = tpu.memref_slice %arg10[%add3A_812, %dma_wait3A_930] : memref<512x64xf32, #tpu.memory_space<vmem>> -> memref<1x64xf32, #tpu.memory_space<vmem>>
        %dma_wait3A_932 = arith.constant 0 : i32
        %dma_wait3A_933 = tpu.memref_slice %arg4[%squeeze3A_810, %dma_wait3A_932] : memref<1000001x64xf32, #tpu.memory_space<hbm>> -> memref<1x64xf32, #tpu.memory_space<hbm>>
        tpu.wait_dma2 semaphore(%arg11 : memref<!tpu.dma_semaphore, #tpu.memory_space<semaphore_mem>>) src(%dma_wait3A_933 : memref<1x64xf32, #tpu.memory_space<hbm>>) dst(%dma_wait3A_931 : memref<1x64xf32, #tpu.memory_space<vmem>>)
      } else {
      }
      %slice3A_816 = vector.extract_strided_slice %get3A_577 {offsets = [6], sizes = [1], strides = [1]} : vector<16xi32> to vector<1xi32>
      %squeeze3A_817 = vector.extract %slice3A_816[0] : i32 from vector<1xi32>
      %eq3A_818 = arith.constant 0 : i32
      %eq3A_819 = arith.cmpi eq, %squeeze3A_817, %eq3A_818 : i32
      %slice3A_820 = vector.extract_strided_slice %get3A_574 {offsets = [6], sizes = [1], strides = [1]} : vector<16xi32> to vector<1xi32>
      %squeeze3A_821 = vector.extract %slice3A_820[0] : i32 from vector<1xi32>
      %add3A_822 = arith.constant 6 : i32
      %add3A_823 = arith.addi %mul3A_571, %add3A_822 : i32
      %convert_element_type3A_824 = arith.extui %eq3A_819 : i1 to i32
      %cond3A_825 = arith.constant 0 : i32
      %cond3A_826 = arith.cmpi ne, %convert_element_type3A_824, %cond3A_825 : i32
      scf.if %cond3A_826 {
        %dma_wait3A_926 = arith.constant 0 : i32
        %dma_wait3A_927 = tpu.memref_slice %arg10[%add3A_823, %dma_wait3A_926] : memref<512x64xf32, #tpu.memory_space<vmem>> -> memref<1x64xf32, #tpu.memory_space<vmem>>
        %dma_wait3A_928 = arith.constant 0 : i32
        %dma_wait3A_929 = tpu.memref_slice %arg4[%squeeze3A_821, %dma_wait3A_928] : memref<1000001x64xf32, #tpu.memory_space<hbm>> -> memref<1x64xf32, #tpu.memory_space<hbm>>
        %dma_wait3A_930 = arith.constant 0 : i32
        %dma_wait3A_931 = tpu.memref_slice %arg10[%add3A_823, %dma_wait3A_930] : memref<512x64xf32, #tpu.memory_space<vmem>> -> memref<1x64xf32, #tpu.memory_space<vmem>>
        %dma_wait3A_932 = arith.constant 0 : i32
        %dma_wait3A_933 = tpu.memref_slice %arg4[%squeeze3A_821, %dma_wait3A_932] : memref<1000001x64xf32, #tpu.memory_space<hbm>> -> memref<1x64xf32, #tpu.memory_space<hbm>>
        tpu.wait_dma2 semaphore(%arg11 : memref<!tpu.dma_semaphore, #tpu.memory_space<semaphore_mem>>) src(%dma_wait3A_933 : memref<1x64xf32, #tpu.memory_space<hbm>>) dst(%dma_wait3A_931 : memref<1x64xf32, #tpu.memory_space<vmem>>)
      } else {
      }
      %slice3A_827 = vector.extract_strided_slice %get3A_577 {offsets = [7], sizes = [1], strides = [1]} : vector<16xi32> to vector<1xi32>
      %squeeze3A_828 = vector.extract %slice3A_827[0] : i32 from vector<1xi32>
      %eq3A_829 = arith.constant 0 : i32
      %eq3A_830 = arith.cmpi eq, %squeeze3A_828, %eq3A_829 : i32
      %slice3A_831 = vector.extract_strided_slice %get3A_574 {offsets = [7], sizes = [1], strides = [1]} : vector<16xi32> to vector<1xi32>
      %squeeze3A_832 = vector.extract %slice3A_831[0] : i32 from vector<1xi32>
      %add3A_833 = arith.constant 7 : i32
      %add3A_834 = arith.addi %mul3A_571, %add3A_833 : i32
      %convert_element_type3A_835 = arith.extui %eq3A_830 : i1 to i32
      %cond3A_836 = arith.constant 0 : i32
      %cond3A_837 = arith.cmpi ne, %convert_element_type3A_835, %cond3A_836 : i32
      scf.if %cond3A_837 {
        %dma_wait3A_926 = arith.constant 0 : i32
        %dma_wait3A_927 = tpu.memref_slice %arg10[%add3A_834, %dma_wait3A_926] : memref<512x64xf32, #tpu.memory_space<vmem>> -> memref<1x64xf32, #tpu.memory_space<vmem>>
        %dma_wait3A_928 = arith.constant 0 : i32
        %dma_wait3A_929 = tpu.memref_slice %arg4[%squeeze3A_832, %dma_wait3A_928] : memref<1000001x64xf32, #tpu.memory_space<hbm>> -> memref<1x64xf32, #tpu.memory_space<hbm>>
        %dma_wait3A_930 = arith.constant 0 : i32
        %dma_wait3A_931 = tpu.memref_slice %arg10[%add3A_834, %dma_wait3A_930] : memref<512x64xf32, #tpu.memory_space<vmem>> -> memref<1x64xf32, #tpu.memory_space<vmem>>
        %dma_wait3A_932 = arith.constant 0 : i32
        %dma_wait3A_933 = tpu.memref_slice %arg4[%squeeze3A_832, %dma_wait3A_932] : memref<1000001x64xf32, #tpu.memory_space<hbm>> -> memref<1x64xf32, #tpu.memory_space<hbm>>
        tpu.wait_dma2 semaphore(%arg11 : memref<!tpu.dma_semaphore, #tpu.memory_space<semaphore_mem>>) src(%dma_wait3A_933 : memref<1x64xf32, #tpu.memory_space<hbm>>) dst(%dma_wait3A_931 : memref<1x64xf32, #tpu.memory_space<vmem>>)
      } else {
      }
      %slice3A_838 = vector.extract_strided_slice %get3A_577 {offsets = [8], sizes = [1], strides = [1]} : vector<16xi32> to vector<1xi32>
      %squeeze3A_839 = vector.extract %slice3A_838[0] : i32 from vector<1xi32>
      %eq3A_840 = arith.constant 0 : i32
      %eq3A_841 = arith.cmpi eq, %squeeze3A_839, %eq3A_840 : i32
      %slice3A_842 = vector.extract_strided_slice %get3A_574 {offsets = [8], sizes = [1], strides = [1]} : vector<16xi32> to vector<1xi32>
      %squeeze3A_843 = vector.extract %slice3A_842[0] : i32 from vector<1xi32>
      %add3A_844 = arith.constant 8 : i32
      %add3A_845 = arith.addi %mul3A_571, %add3A_844 : i32
      %convert_element_type3A_846 = arith.extui %eq3A_841 : i1 to i32
      %cond3A_847 = arith.constant 0 : i32
      %cond3A_848 = arith.cmpi ne, %convert_element_type3A_846, %cond3A_847 : i32
      scf.if %cond3A_848 {
        %dma_wait3A_926 = arith.constant 0 : i32
        %dma_wait3A_927 = tpu.memref_slice %arg10[%add3A_845, %dma_wait3A_926] : memref<512x64xf32, #tpu.memory_space<vmem>> -> memref<1x64xf32, #tpu.memory_space<vmem>>
        %dma_wait3A_928 = arith.constant 0 : i32
        %dma_wait3A_929 = tpu.memref_slice %arg4[%squeeze3A_843, %dma_wait3A_928] : memref<1000001x64xf32, #tpu.memory_space<hbm>> -> memref<1x64xf32, #tpu.memory_space<hbm>>
        %dma_wait3A_930 = arith.constant 0 : i32
        %dma_wait3A_931 = tpu.memref_slice %arg10[%add3A_845, %dma_wait3A_930] : memref<512x64xf32, #tpu.memory_space<vmem>> -> memref<1x64xf32, #tpu.memory_space<vmem>>
        %dma_wait3A_932 = arith.constant 0 : i32
        %dma_wait3A_933 = tpu.memref_slice %arg4[%squeeze3A_843, %dma_wait3A_932] : memref<1000001x64xf32, #tpu.memory_space<hbm>> -> memref<1x64xf32, #tpu.memory_space<hbm>>
        tpu.wait_dma2 semaphore(%arg11 : memref<!tpu.dma_semaphore, #tpu.memory_space<semaphore_mem>>) src(%dma_wait3A_933 : memref<1x64xf32, #tpu.memory_space<hbm>>) dst(%dma_wait3A_931 : memref<1x64xf32, #tpu.memory_space<vmem>>)
      } else {
      }
      %slice3A_849 = vector.extract_strided_slice %get3A_577 {offsets = [9], sizes = [1], strides = [1]} : vector<16xi32> to vector<1xi32>
      %squeeze3A_850 = vector.extract %slice3A_849[0] : i32 from vector<1xi32>
      %eq3A_851 = arith.constant 0 : i32
      %eq3A_852 = arith.cmpi eq, %squeeze3A_850, %eq3A_851 : i32
      %slice3A_853 = vector.extract_strided_slice %get3A_574 {offsets = [9], sizes = [1], strides = [1]} : vector<16xi32> to vector<1xi32>
      %squeeze3A_854 = vector.extract %slice3A_853[0] : i32 from vector<1xi32>
      %add3A_855 = arith.constant 9 : i32
      %add3A_856 = arith.addi %mul3A_571, %add3A_855 : i32
      %convert_element_type3A_857 = arith.extui %eq3A_852 : i1 to i32
      %cond3A_858 = arith.constant 0 : i32
      %cond3A_859 = arith.cmpi ne, %convert_element_type3A_857, %cond3A_858 : i32
      scf.if %cond3A_859 {
        %dma_wait3A_926 = arith.constant 0 : i32
        %dma_wait3A_927 = tpu.memref_slice %arg10[%add3A_856, %dma_wait3A_926] : memref<512x64xf32, #tpu.memory_space<vmem>> -> memref<1x64xf32, #tpu.memory_space<vmem>>
        %dma_wait3A_928 = arith.constant 0 : i32
        %dma_wait3A_929 = tpu.memref_slice %arg4[%squeeze3A_854, %dma_wait3A_928] : memref<1000001x64xf32, #tpu.memory_space<hbm>> -> memref<1x64xf32, #tpu.memory_space<hbm>>
        %dma_wait3A_930 = arith.constant 0 : i32
        %dma_wait3A_931 = tpu.memref_slice %arg10[%add3A_856, %dma_wait3A_930] : memref<512x64xf32, #tpu.memory_space<vmem>> -> memref<1x64xf32, #tpu.memory_space<vmem>>
        %dma_wait3A_932 = arith.constant 0 : i32
        %dma_wait3A_933 = tpu.memref_slice %arg4[%squeeze3A_854, %dma_wait3A_932] : memref<1000001x64xf32, #tpu.memory_space<hbm>> -> memref<1x64xf32, #tpu.memory_space<hbm>>
        tpu.wait_dma2 semaphore(%arg11 : memref<!tpu.dma_semaphore, #tpu.memory_space<semaphore_mem>>) src(%dma_wait3A_933 : memref<1x64xf32, #tpu.memory_space<hbm>>) dst(%dma_wait3A_931 : memref<1x64xf32, #tpu.memory_space<vmem>>)
      } else {
      }
      %slice3A_860 = vector.extract_strided_slice %get3A_577 {offsets = [10], sizes = [1], strides = [1]} : vector<16xi32> to vector<1xi32>
      %squeeze3A_861 = vector.extract %slice3A_860[0] : i32 from vector<1xi32>
      %eq3A_862 = arith.constant 0 : i32
      %eq3A_863 = arith.cmpi eq, %squeeze3A_861, %eq3A_862 : i32
      %slice3A_864 = vector.extract_strided_slice %get3A_574 {offsets = [10], sizes = [1], strides = [1]} : vector<16xi32> to vector<1xi32>
      %squeeze3A_865 = vector.extract %slice3A_864[0] : i32 from vector<1xi32>
      %add3A_866 = arith.constant 10 : i32
      %add3A_867 = arith.addi %mul3A_571, %add3A_866 : i32
      %convert_element_type3A_868 = arith.extui %eq3A_863 : i1 to i32
      %cond3A_869 = arith.constant 0 : i32
      %cond3A_870 = arith.cmpi ne, %convert_element_type3A_868, %cond3A_869 : i32
      scf.if %cond3A_870 {
        %dma_wait3A_926 = arith.constant 0 : i32
        %dma_wait3A_927 = tpu.memref_slice %arg10[%add3A_867, %dma_wait3A_926] : memref<512x64xf32, #tpu.memory_space<vmem>> -> memref<1x64xf32, #tpu.memory_space<vmem>>
        %dma_wait3A_928 = arith.constant 0 : i32
        %dma_wait3A_929 = tpu.memref_slice %arg4[%squeeze3A_865, %dma_wait3A_928] : memref<1000001x64xf32, #tpu.memory_space<hbm>> -> memref<1x64xf32, #tpu.memory_space<hbm>>
        %dma_wait3A_930 = arith.constant 0 : i32
        %dma_wait3A_931 = tpu.memref_slice %arg10[%add3A_867, %dma_wait3A_930] : memref<512x64xf32, #tpu.memory_space<vmem>> -> memref<1x64xf32, #tpu.memory_space<vmem>>
        %dma_wait3A_932 = arith.constant 0 : i32
        %dma_wait3A_933 = tpu.memref_slice %arg4[%squeeze3A_865, %dma_wait3A_932] : memref<1000001x64xf32, #tpu.memory_space<hbm>> -> memref<1x64xf32, #tpu.memory_space<hbm>>
        tpu.wait_dma2 semaphore(%arg11 : memref<!tpu.dma_semaphore, #tpu.memory_space<semaphore_mem>>) src(%dma_wait3A_933 : memref<1x64xf32, #tpu.memory_space<hbm>>) dst(%dma_wait3A_931 : memref<1x64xf32, #tpu.memory_space<vmem>>)
      } else {
      }
      %slice3A_871 = vector.extract_strided_slice %get3A_577 {offsets = [11], sizes = [1], strides = [1]} : vector<16xi32> to vector<1xi32>
      %squeeze3A_872 = vector.extract %slice3A_871[0] : i32 from vector<1xi32>
      %eq3A_873 = arith.constant 0 : i32
      %eq3A_874 = arith.cmpi eq, %squeeze3A_872, %eq3A_873 : i32
      %slice3A_875 = vector.extract_strided_slice %get3A_574 {offsets = [11], sizes = [1], strides = [1]} : vector<16xi32> to vector<1xi32>
      %squeeze3A_876 = vector.extract %slice3A_875[0] : i32 from vector<1xi32>
      %add3A_877 = arith.constant 11 : i32
      %add3A_878 = arith.addi %mul3A_571, %add3A_877 : i32
      %convert_element_type3A_879 = arith.extui %eq3A_874 : i1 to i32
      %cond3A_880 = arith.constant 0 : i32
      %cond3A_881 = arith.cmpi ne, %convert_element_type3A_879, %cond3A_880 : i32
      scf.if %cond3A_881 {
        %dma_wait3A_926 = arith.constant 0 : i32
        %dma_wait3A_927 = tpu.memref_slice %arg10[%add3A_878, %dma_wait3A_926] : memref<512x64xf32, #tpu.memory_space<vmem>> -> memref<1x64xf32, #tpu.memory_space<vmem>>
        %dma_wait3A_928 = arith.constant 0 : i32
        %dma_wait3A_929 = tpu.memref_slice %arg4[%squeeze3A_876, %dma_wait3A_928] : memref<1000001x64xf32, #tpu.memory_space<hbm>> -> memref<1x64xf32, #tpu.memory_space<hbm>>
        %dma_wait3A_930 = arith.constant 0 : i32
        %dma_wait3A_931 = tpu.memref_slice %arg10[%add3A_878, %dma_wait3A_930] : memref<512x64xf32, #tpu.memory_space<vmem>> -> memref<1x64xf32, #tpu.memory_space<vmem>>
        %dma_wait3A_932 = arith.constant 0 : i32
        %dma_wait3A_933 = tpu.memref_slice %arg4[%squeeze3A_876, %dma_wait3A_932] : memref<1000001x64xf32, #tpu.memory_space<hbm>> -> memref<1x64xf32, #tpu.memory_space<hbm>>
        tpu.wait_dma2 semaphore(%arg11 : memref<!tpu.dma_semaphore, #tpu.memory_space<semaphore_mem>>) src(%dma_wait3A_933 : memref<1x64xf32, #tpu.memory_space<hbm>>) dst(%dma_wait3A_931 : memref<1x64xf32, #tpu.memory_space<vmem>>)
      } else {
      }
      %slice3A_882 = vector.extract_strided_slice %get3A_577 {offsets = [12], sizes = [1], strides = [1]} : vector<16xi32> to vector<1xi32>
      %squeeze3A_883 = vector.extract %slice3A_882[0] : i32 from vector<1xi32>
      %eq3A_884 = arith.constant 0 : i32
      %eq3A_885 = arith.cmpi eq, %squeeze3A_883, %eq3A_884 : i32
      %slice3A_886 = vector.extract_strided_slice %get3A_574 {offsets = [12], sizes = [1], strides = [1]} : vector<16xi32> to vector<1xi32>
      %squeeze3A_887 = vector.extract %slice3A_886[0] : i32 from vector<1xi32>
      %add3A_888 = arith.constant 12 : i32
      %add3A_889 = arith.addi %mul3A_571, %add3A_888 : i32
      %convert_element_type3A_890 = arith.extui %eq3A_885 : i1 to i32
      %cond3A_891 = arith.constant 0 : i32
      %cond3A_892 = arith.cmpi ne, %convert_element_type3A_890, %cond3A_891 : i32
      scf.if %cond3A_892 {
        %dma_wait3A_926 = arith.constant 0 : i32
        %dma_wait3A_927 = tpu.memref_slice %arg10[%add3A_889, %dma_wait3A_926] : memref<512x64xf32, #tpu.memory_space<vmem>> -> memref<1x64xf32, #tpu.memory_space<vmem>>
        %dma_wait3A_928 = arith.constant 0 : i32
        %dma_wait3A_929 = tpu.memref_slice %arg4[%squeeze3A_887, %dma_wait3A_928] : memref<1000001x64xf32, #tpu.memory_space<hbm>> -> memref<1x64xf32, #tpu.memory_space<hbm>>
        %dma_wait3A_930 = arith.constant 0 : i32
        %dma_wait3A_931 = tpu.memref_slice %arg10[%add3A_889, %dma_wait3A_930] : memref<512x64xf32, #tpu.memory_space<vmem>> -> memref<1x64xf32, #tpu.memory_space<vmem>>
        %dma_wait3A_932 = arith.constant 0 : i32
        %dma_wait3A_933 = tpu.memref_slice %arg4[%squeeze3A_887, %dma_wait3A_932] : memref<1000001x64xf32, #tpu.memory_space<hbm>> -> memref<1x64xf32, #tpu.memory_space<hbm>>
        tpu.wait_dma2 semaphore(%arg11 : memref<!tpu.dma_semaphore, #tpu.memory_space<semaphore_mem>>) src(%dma_wait3A_933 : memref<1x64xf32, #tpu.memory_space<hbm>>) dst(%dma_wait3A_931 : memref<1x64xf32, #tpu.memory_space<vmem>>)
      } else {
      }
      %slice3A_893 = vector.extract_strided_slice %get3A_577 {offsets = [13], sizes = [1], strides = [1]} : vector<16xi32> to vector<1xi32>
      %squeeze3A_894 = vector.extract %slice3A_893[0] : i32 from vector<1xi32>
      %eq3A_895 = arith.constant 0 : i32
      %eq3A_896 = arith.cmpi eq, %squeeze3A_894, %eq3A_895 : i32
      %slice3A_897 = vector.extract_strided_slice %get3A_574 {offsets = [13], sizes = [1], strides = [1]} : vector<16xi32> to vector<1xi32>
      %squeeze3A_898 = vector.extract %slice3A_897[0] : i32 from vector<1xi32>
      %add3A_899 = arith.constant 13 : i32
      %add3A_900 = arith.addi %mul3A_571, %add3A_899 : i32
      %convert_element_type3A_901 = arith.extui %eq3A_896 : i1 to i32
      %cond3A_902 = arith.constant 0 : i32
      %cond3A_903 = arith.cmpi ne, %convert_element_type3A_901, %cond3A_902 : i32
      scf.if %cond3A_903 {
        %dma_wait3A_926 = arith.constant 0 : i32
        %dma_wait3A_927 = tpu.memref_slice %arg10[%add3A_900, %dma_wait3A_926] : memref<512x64xf32, #tpu.memory_space<vmem>> -> memref<1x64xf32, #tpu.memory_space<vmem>>
        %dma_wait3A_928 = arith.constant 0 : i32
        %dma_wait3A_929 = tpu.memref_slice %arg4[%squeeze3A_898, %dma_wait3A_928] : memref<1000001x64xf32, #tpu.memory_space<hbm>> -> memref<1x64xf32, #tpu.memory_space<hbm>>
        %dma_wait3A_930 = arith.constant 0 : i32
        %dma_wait3A_931 = tpu.memref_slice %arg10[%add3A_900, %dma_wait3A_930] : memref<512x64xf32, #tpu.memory_space<vmem>> -> memref<1x64xf32, #tpu.memory_space<vmem>>
        %dma_wait3A_932 = arith.constant 0 : i32
        %dma_wait3A_933 = tpu.memref_slice %arg4[%squeeze3A_898, %dma_wait3A_932] : memref<1000001x64xf32, #tpu.memory_space<hbm>> -> memref<1x64xf32, #tpu.memory_space<hbm>>
        tpu.wait_dma2 semaphore(%arg11 : memref<!tpu.dma_semaphore, #tpu.memory_space<semaphore_mem>>) src(%dma_wait3A_933 : memref<1x64xf32, #tpu.memory_space<hbm>>) dst(%dma_wait3A_931 : memref<1x64xf32, #tpu.memory_space<vmem>>)
      } else {
      }
      %slice3A_904 = vector.extract_strided_slice %get3A_577 {offsets = [14], sizes = [1], strides = [1]} : vector<16xi32> to vector<1xi32>
      %squeeze3A_905 = vector.extract %slice3A_904[0] : i32 from vector<1xi32>
      %eq3A_906 = arith.constant 0 : i32
      %eq3A_907 = arith.cmpi eq, %squeeze3A_905, %eq3A_906 : i32
      %slice3A_908 = vector.extract_strided_slice %get3A_574 {offsets = [14], sizes = [1], strides = [1]} : vector<16xi32> to vector<1xi32>
      %squeeze3A_909 = vector.extract %slice3A_908[0] : i32 from vector<1xi32>
      %add3A_910 = arith.constant 14 : i32
      %add3A_911 = arith.addi %mul3A_571, %add3A_910 : i32
      %convert_element_type3A_912 = arith.extui %eq3A_907 : i1 to i32
      %cond3A_913 = arith.constant 0 : i32
      %cond3A_914 = arith.cmpi ne, %convert_element_type3A_912, %cond3A_913 : i32
      scf.if %cond3A_914 {
        %dma_wait3A_926 = arith.constant 0 : i32
        %dma_wait3A_927 = tpu.memref_slice %arg10[%add3A_911, %dma_wait3A_926] : memref<512x64xf32, #tpu.memory_space<vmem>> -> memref<1x64xf32, #tpu.memory_space<vmem>>
        %dma_wait3A_928 = arith.constant 0 : i32
        %dma_wait3A_929 = tpu.memref_slice %arg4[%squeeze3A_909, %dma_wait3A_928] : memref<1000001x64xf32, #tpu.memory_space<hbm>> -> memref<1x64xf32, #tpu.memory_space<hbm>>
        %dma_wait3A_930 = arith.constant 0 : i32
        %dma_wait3A_931 = tpu.memref_slice %arg10[%add3A_911, %dma_wait3A_930] : memref<512x64xf32, #tpu.memory_space<vmem>> -> memref<1x64xf32, #tpu.memory_space<vmem>>
        %dma_wait3A_932 = arith.constant 0 : i32
        %dma_wait3A_933 = tpu.memref_slice %arg4[%squeeze3A_909, %dma_wait3A_932] : memref<1000001x64xf32, #tpu.memory_space<hbm>> -> memref<1x64xf32, #tpu.memory_space<hbm>>
        tpu.wait_dma2 semaphore(%arg11 : memref<!tpu.dma_semaphore, #tpu.memory_space<semaphore_mem>>) src(%dma_wait3A_933 : memref<1x64xf32, #tpu.memory_space<hbm>>) dst(%dma_wait3A_931 : memref<1x64xf32, #tpu.memory_space<vmem>>)
      } else {
      }
      %slice3A_915 = vector.extract_strided_slice %get3A_577 {offsets = [15], sizes = [1], strides = [1]} : vector<16xi32> to vector<1xi32>
      %squeeze3A_916 = vector.extract %slice3A_915[0] : i32 from vector<1xi32>
      %eq3A_917 = arith.constant 0 : i32
      %eq3A_918 = arith.cmpi eq, %squeeze3A_916, %eq3A_917 : i32
      %slice3A_919 = vector.extract_strided_slice %get3A_574 {offsets = [15], sizes = [1], strides = [1]} : vector<16xi32> to vector<1xi32>
      %squeeze3A_920 = vector.extract %slice3A_919[0] : i32 from vector<1xi32>
      %add3A_921 = arith.constant 15 : i32
      %add3A_922 = arith.addi %mul3A_571, %add3A_921 : i32
      %convert_element_type3A_923 = arith.extui %eq3A_918 : i1 to i32
      %cond3A_924 = arith.constant 0 : i32
      %cond3A_925 = arith.cmpi ne, %convert_element_type3A_923, %cond3A_924 : i32
      scf.if %cond3A_925 {
        %dma_wait3A_926 = arith.constant 0 : i32
        %dma_wait3A_927 = tpu.memref_slice %arg10[%add3A_922, %dma_wait3A_926] : memref<512x64xf32, #tpu.memory_space<vmem>> -> memref<1x64xf32, #tpu.memory_space<vmem>>
        %dma_wait3A_928 = arith.constant 0 : i32
        %dma_wait3A_929 = tpu.memref_slice %arg4[%squeeze3A_920, %dma_wait3A_928] : memref<1000001x64xf32, #tpu.memory_space<hbm>> -> memref<1x64xf32, #tpu.memory_space<hbm>>
        %dma_wait3A_930 = arith.constant 0 : i32
        %dma_wait3A_931 = tpu.memref_slice %arg10[%add3A_922, %dma_wait3A_930] : memref<512x64xf32, #tpu.memory_space<vmem>> -> memref<1x64xf32, #tpu.memory_space<vmem>>
        %dma_wait3A_932 = arith.constant 0 : i32
        %dma_wait3A_933 = tpu.memref_slice %arg4[%squeeze3A_920, %dma_wait3A_932] : memref<1000001x64xf32, #tpu.memory_space<hbm>> -> memref<1x64xf32, #tpu.memory_space<hbm>>
        tpu.wait_dma2 semaphore(%arg11 : memref<!tpu.dma_semaphore, #tpu.memory_space<semaphore_mem>>) src(%dma_wait3A_933 : memref<1x64xf32, #tpu.memory_space<hbm>>) dst(%dma_wait3A_931 : memref<1x64xf32, #tpu.memory_space<vmem>>)
      } else {
      }
    }
    %scan3A_564 = arith.constant 32 : i32
    "tpu.region"() ({
      %run_scoped3A = tpu.sem_alloc : memref<!tpu.dma_semaphore, #tpu.memory_space<semaphore_mem>>
      %dma_start3A_565 = arith.constant 0 : i32
      %dma_start3A_566 = tpu.memref_slice %arg5[%mul3A_2, %dma_start3A_565] : memref<16384x64xf32, #tpu.memory_space<hbm>> -> memref<512x64xf32, #tpu.memory_space<hbm>>
      %dma_start3A_567 = arith.constant 0 : i32
      %dma_start3A_568 = tpu.memref_slice %arg5[%mul3A_2, %dma_start3A_567] : memref<16384x64xf32, #tpu.memory_space<hbm>> -> memref<512x64xf32, #tpu.memory_space<hbm>>
      tpu.enqueue_dma source(%arg10 : memref<512x64xf32, #tpu.memory_space<vmem>>) target(%dma_start3A_568 : memref<512x64xf32, #tpu.memory_space<hbm>>) target_semaphore(%run_scoped3A : memref<!tpu.dma_semaphore, #tpu.memory_space<semaphore_mem>>)
      %dma_wait3A_569 = arith.constant 0 : i32
      %dma_wait3A_570 = tpu.memref_slice %arg5[%mul3A_2, %dma_wait3A_569] : memref<16384x64xf32, #tpu.memory_space<hbm>> -> memref<512x64xf32, #tpu.memory_space<hbm>>
      %dma_wait3A_571 = arith.constant 0 : i32
      %dma_wait3A_572 = tpu.memref_slice %arg5[%mul3A_2, %dma_wait3A_571] : memref<16384x64xf32, #tpu.memory_space<hbm>> -> memref<512x64xf32, #tpu.memory_space<hbm>>
      tpu.wait_dma2 semaphore(%run_scoped3A : memref<!tpu.dma_semaphore, #tpu.memory_space<semaphore_mem>>) src(%arg10 : memref<512x64xf32, #tpu.memory_space<vmem>>) dst(%dma_wait3A_572 : memref<512x64xf32, #tpu.memory_space<hbm>>)
      tpu.yield
    }) : () -> ()
    return
  }
}

</mosaic_0001>

<sc_bundles>
// kernel: _embed.3.cloned.1.call-start
scs
__scs_entry_jumppad:
0x0: {  	(pc) =	sbr.rel $0x88, $3  }
0x1: {  	(tag) =	ssettag $0x0;
	lr =	simm.s32 $0x1  }
0x2: {  	[smem:$0x3F9E] =	sst lr;
	_ =	strace $0xD0000000  }
0x3: {  	_ = 	snop  }
0x4: {  	_ = 	snop  }
0x5: {  	_ = 	snop  }
0x6: {  	_ = 	snop  }
0x7: {  	_ = 	snop  }
__scs_overlays_trampoline_lowered:
0x8: {  	[smem:$0x3FAD] =	sst s0  }
0x9: {  	[smem:$0x3FAE] =	sst s1  }
0xa: {  	[smem:$0x3FAF] =	sst s2  }
0xb: {  	[smem:$0x3FB0] =	sst s3  }
0xc: {  	[smem:$0x3FB1] =	sst s4  }
0xd: {  	[smem:$0x3FB2] =	sst s5  }
0xe: {  	[smem:$0x3FB3] =	sst s6  }
0xf: {  	[smem:$0x3FB4] =	sst s7  }
0x10: {  	[smem:$0x3FB5] =	sst s8  }
0x11: {  	[smem:$0x3FB6] =	sst s9;
	s0 =	simm.s32 @!p0 $0x0  }
0x12: {  	s1 =	sld [smem:$0x3F9C];
	s0 =	simm.s32 @p0 $0x1  }
0x13: {  	[smem:$0x3FB7] =	sst s0;
	s0 =	simm.s32 @!p1 $0x0  }
0x14: {  	s2 =	sld [smem:$0x3F9B];
	s0 =	simm.s32 @p1 $0x1  }
0x15: {  	[smem:$0x3FB8] =	sst s0;
	s0 =	simm.s32 @!p2 $0x0  }
0x16: {  	s3 =	sld [smem:$0x3FDB];
	s0 =	simm.s32 @p2 $0x1  }
0x17: {  	s4 =	simm.s32 $0x1BF5;
	[smem:$0x3FBA] =	sst s0  }
0x18: {  	s0 =	sld [smem:$0x3F9D];
	_ =	swait.ge [sflag:s4], $0x0  }
0x19: {  	s7 =	sld [smem:$0x3F9E]  }
0x1a: {  	s8 =	sadd.s32 $0xFFFFE003, lr  }
0x1b: {  	s9 =	sadd.s32 $0xFFFFFEF7, lr;
	s5 =	simm.s32 $0xFFFFFFFF;
	p2 =	slt.u32 s8, $0xFFFFF086  }
0x1c: {  	p1 =	slt.u32 s9, $0xF7A;
	s5 =	simm.s32 @!p2 $0x0  }
0x1d: {  	s5 =	simm.s32 @p1 $0x1;
	p0 =	seq.s32 s7, s2  }
0x1e: {  	s7 =	smul.u32 @!p0 $0xF7A, s2;
	p2 =	seq.s32 @!p0 s5, $0x0  }
0x1f: {  	s9 =	smul.u32 $0xF7A, s1;
	s8 =	simm.s32 @!p0 $0x1BF5;
	p2 =	por !p2, p0  }
0x20: {  	[sflag:s8] =	ssyncset.s32 @!p0 $0xFFFFF086;
	s6 =	sadd.s32 @!p0 s3, s7;
	s7 =	simm.s32 @!p0 $0x108  }
0x21: {  	s3 =	sadd.s32 s3, s9;
	s6 =	sadd.s32 @!p0 $0x88, s6;
	s7 =	simm.s32 @p2 $0x1082  }
0x22: {  	[simem:s7], [sflag:s8] =	dma.local @!p0 [hbm:s6], $0xF7A  }
0x23: {  	s9 =	sor.u32 $0xD0000000, s2;
	s6 =	simm.s32 $0x108;
	_ =	swait.ge @!p0 [sflag:s8], $0x0  }
0x24: {  	s3 =	sadd.s32 $0x88, s3;
	s6 =	simm.s32 @!p1 $0x1082;
	[sflag:s4] =	ssyncset.s32 $0xFFFFF086  }
0x25: {  	[simem:s6], [sflag:s4] =	dma.local [hbm:s3], $0xF7A  }
0x26: {  	[smem:$0x3F9E] =	sst s1;
	(tag) =	ssettag s2;
	_ =	strace s9  }
0x27: {  	s1 =	sld [smem:$0x3FAE]  }
0x28: {  	s2 =	sld [smem:$0x3FAF]  }
0x29: {  	s4 =	sld [smem:$0x3FB1]  }
0x2a: {  	p0 =	seq.s32 s5, $0x0;
	s5 =	sld [smem:$0x3FB2]  }
0x2b: {  	s6 =	sld [smem:$0x3FB3]  }
0x2c: {  	s7 =	sld [smem:$0x3FB4]  }
0x2d: {  	s3 =	simm.s32 $0x108;
	s8 =	sld [smem:$0x3FB5]  }
0x2e: {  	s3 =	simm.s32 @!p0 $0x1082;
	s9 =	sld [smem:$0x3FB6]  }
0x2f: {  	lr =	sadd.s32 s0, s3;
	s0 =	sld [smem:$0x3FAD]  }
0x30: {  	s3 =	sld [smem:$0x3FB0]  }
0x31: {  	[smem:$0x3FB9] =	sst s10  }
0x32: {  	s10 =	sld [smem:$0x3FB7];
	_ =	sdelay $0x3  }
0x33: {  	p0 =	seq.s32 s10, $0x1;
	s10 =	sld [smem:$0x3FB9];
	_ =	sdelay $0x3  }
0x34: {  	[smem:$0x3FB9] =	sst s10  }
0x35: {  	s10 =	sld [smem:$0x3FB8];
	_ =	sdelay $0x3  }
0x36: {  	p1 =	seq.s32 s10, $0x1;
	s10 =	sld [smem:$0x3FB9];
	_ =	sdelay $0x3  }
0x37: {  	[smem:$0x3FB9] =	sst s10  }
0x38: {  	s10 =	sld [smem:$0x3FBA]  }
0x39: {  	_ = 	snop;
	(pc) =	sbr.ind lr, $3  }
0x3a: {  	_ = 	snop  }
0x3b: {  	_ = 	snop  }
0x3c: {  	p2 =	seq.s32 s10, $0x1;
	s10 =	sld [smem:$0x3FB9]  }
0x3d: {  	_ =	shalt  }
0x3e: {  	_ =	shalt  }
0x3f: {  	_ =	shalt  }
0x40: {  	_ =	shalt  }
0x41: {  	_ =	shalt  }
0x42: {  	_ =	shalt  }
0x43: {  	_ =	shalt  }
0x44: {  	_ =	shalt  }
0x45: {  	_ =	shalt  }
0x46: {  	_ =	shalt  }
0x47: {  	_ =	shalt  }
0x48: {  	_ =	shalt  }
0x49: {  	_ =	shalt  }
0x4a: {  	_ =	shalt  }
0x4b: {  	_ =	shalt  }
0x4c: {  	_ =	shalt  }
0x4d: {  	_ =	shalt  }
0x4e: {  	_ =	shalt  }
0x4f: {  	_ =	shalt  }
0x50: {  	_ =	shalt  }
0x51: {  	_ =	shalt  }
0x52: {  	_ =	shalt  }
0x53: {  	_ =	shalt  }
0x54: {  	_ =	shalt  }
0x55: {  	_ =	shalt  }
0x56: {  	_ =	shalt  }
0x57: {  	_ =	shalt  }
0x58: {  	_ =	shalt  }
0x59: {  	_ =	shalt  }
0x5a: {  	_ =	shalt  }
0x5b: {  	_ =	shalt  }
0x5c: {  	_ =	shalt  }
0x5d: {  	_ =	shalt  }
0x5e: {  	_ =	shalt  }
0x5f: {  	_ =	shalt  }
0x60: {  	_ =	shalt  }
0x61: {  	_ =	shalt  }
0x62: {  	_ =	shalt  }
0x63: {  	_ =	shalt  }
0x64: {  	_ =	shalt  }
0x65: {  	_ =	shalt  }
0x66: {  	_ =	shalt  }
0x67: {  	_ =	shalt  }
0x68: {  	_ =	shalt  }
0x69: {  	_ =	shalt  }
0x6a: {  	_ =	shalt  }
0x6b: {  	_ =	shalt  }
0x6c: {  	_ =	shalt  }
0x6d: {  	_ =	shalt  }
0x6e: {  	_ =	shalt  }
0x6f: {  	_ =	shalt  }
0x70: {  	_ =	shalt  }
0x71: {  	_ =	shalt  }
0x72: {  	_ =	shalt  }
0x73: {  	_ =	shalt  }
0x74: {  	_ =	shalt  }
0x75: {  	_ =	shalt  }
0x76: {  	_ =	shalt  }
0x77: {  	_ =	shalt  }
0x78: {  	_ =	shalt  }
0x79: {  	_ =	shalt  }
0x7a: {  	_ =	shalt  }
0x7b: {  	_ =	shalt  }
0x7c: {  	_ =	shalt  }
0x7d: {  	_ =	shalt  }
0x7e: {  	_ =	shalt  }
0x7f: {  	_ =	shalt  }
0x80: {  	_ =	shalt  }
0x81: {  	_ =	shalt  }
0x82: {  	_ =	shalt  }
0x83: {  	_ =	shalt  }
0x84: {  	_ =	shalt  }
0x85: {  	_ =	shalt  }
0x86: {  	_ =	shalt  }
0x87: {  	_ =	shalt  }
.Lfunc_end0:
.L_simem_size_0:
called_computation_lowered:
.L_overlay_start_0:
0x88: {  	s2 =	sld [smem:$0x3FD9]  }
0x89: {  	s3 =	sld [smem:$0x3FFE];
	_ =	sdelay $0x1  }
0x8a: {  	s1 =	srdreg.scid  }
0x8b: {  	s0 =	sand.u32 $0x1, s1  }
0x8c: {  	s17 =	sshll.u32 s0, $0xA;
	s2 =	sadd.s32 s3, s2  }
0x8d: {  	s2 =	sadd.s32 s2, s17  }
0x8e: {  	[smem:$0x3FC5] =	sst s2  }
0x8f: {  	_ = 	snop  }
0x90: {  	s2 =	sld [smem:$0x3FC9]  }
0x91: {  	s18 =	sld [smem:$0x3FC8];
	(tm) =	ssettm $0x1  }
0x92: {  	s4 =	sld [smem:$0x3FFB];
	_ =	sdelay $0x3  }
0x93: {  	_ =	strace s4  }
0x94: {  	s4 =	sld [smem:$0x3FFC];
	_ =	sdelay $0x3  }
0x95: {  	_ =	strace s4  }
0x96: {  	s4 =	sld [smem:$0x3FFD];
	_ =	sdelay $0x3  }
0x97: {  	_ =	strace s4  }
0x98: {  	_ =	strace $0x8FFFFFFF  }
0x99: {  	s19 =	sld [smem:$0x3FDB];
	_ =	sdelay $0x1  }
0x9a: {  	s5 =	simm.s32 $_scs_section_size  }
0x9b: {  	s6 =	simm.s32 $_size__tile_overlayer_lowered;
	s7 =	simm.s32 $_tile_overlayer_lowered  }
0x9c: {  	s22 =	simm.s32 $0x1BFF;
	s21 =	sshll.u32 s7, $0x1;
	s4 =	sadd.s32 s5, s19  }
0x9d: {  	s8 =	simm.s32 $0x0;
	s20 =	sshll.u32 s6, $0x1;
	s6 =	sadd.s32 s21, s4  }
0x9e: {  	[timem:s8], [sflag:s22] =	dma.local [hbm:s6], s20  }
0x9f: {  	_ =	swait.ge [sflag:s22], s20  }
0xa0: {  	s5 =	ssub.s32 $0x0, s20;
	[sflag:s22] =	ssyncset.done $0x0  }
0xa1: {  	[sflag:s22] =	ssyncadd.s32 s5;
	_ =	sdelay $0x1  }
0xa2: {  	s23 =	simm.s32 $0x1B8B  }
0xa3: {  	_ =	swait.ge [sflag:s23], $0x1  }
0xa4: {  	[sflag:s23] =	ssyncset.done $0x0  }
0xa5: {  	s25 =	simm.s32 $0x1B8E;
	s24 =	sld [smem:$0x3FFE];
	[sflag:s23] =	ssyncadd.s32 $0xFFFFFFFF  }
0xa6: {  	s26 =	simm.s32 $execute0_lowered;
	[smem:$0x3FD2] =	sst s25  }
0xa7: {  	s6 =	sshll.u32 s26, $0x1;
	_ =	strace $0x80000046;
	[dreg:$0x1] =	wrdreg $0xFFFFFFFF  }
0xa8: {  	s28 =	simm.s32 $_size_execute0_lowered;
	s4 =	sadd.s32 s4, s6;
	[dreg:$0x0] =	wrdreg $0x0  }
0xa9: {  	s6 =	sshll.u32 s28, $0x1;
	[dreg:$0x2] =	wrdreg s4  }
0xaa: {  	[dreg:$0x3] =	wrdreg s6  }
0xab: {  	[dreg:$0x4] =	wrdreg $0xC0  }
0xac: {  	_ =	task [dreg:s8], $0x5FFFF  }
0xad: {  	[dreg:$0x1] =	wrdreg $0xFFFFFFFF  }
0xae: {  	[dreg:$0x0] =	wrdreg $0x60  }
0xaf: {  	[dreg:$0x2] =	wrdreg s2  }
0xb0: {  	[dreg:$0x3] =	wrdreg s18  }
0xb1: {  	[dreg:$0x4] =	wrdreg s24  }
0xb2: {  	[dreg:$0x5] =	wrdreg $0x9  }
0xb3: {  	_ =	task.clear_ibuf [dreg:s8], $0x6FFFF;
	_ =	strace $0x90000046  }
0xb4: {  	s29 =	simm.s32 $0x9;
	_ =	strace $0x80000048  }
0xb5: {  	_ =	swait.ge [sflag:s29], $0x1  }
0xb6: {  	[sflag:s29] =	ssyncadd.s32 $0xFFFFFFFF  }
0xb7: {  	_ =	strace $0x90000048  }
0xb8: {  	_ =	sfence  }
0xb9: {  	s30 =	sld [smem:$0x0];
	_ =	sdelay $0x2  }
0xba: {  	s31 =	sshll.u32 s1, $0xD;
	s1 =	sshrl.u32 s1, $0x2  }
0xbb: {  	s3 =	sand.u32 $0x4000, s31;
	s1 =	sadd.s32 s1, s30  }
0xbc: {  	s0 =	sor.u32 s3, s0;
	s1 =	sshll.u32 s1, $0x11  }
0xbd: {  	s0 =	sor.u32 s1, s0  }
0xbe: {  	s0 =	sadd.s32 $0x8F2B, s0  }
0xbf: {  	[sflag:s0] =	ssyncadd.remote.s32 $0x1  }
0xc0: {  	_ =	sfence.sel $0xFFFF  }
0xc1: {  	[dreg:$0x0] =	wrdreg $0xFFFFFFFF;
	(pc) =	sbr.abs _section_cstart, $3  }
0xc2: {  	[dreg:$0x1] =	wrdreg $0xFFFFFFFF  }
0xc3: {  	_ =	task.clear_ibuf [dreg:s8], $0x2FFFF;
	_ =	strace $0x9FFFFFFF  }
0xc4: {  	(tm) =	ssettm $0x7FFFFFFF  }
0xc5: {  	_ =	shalt  }
tec
execute0_lowered:
.L_overlay_start_1:
0x0: {  	(tag) =	ssettag $0x1  }
0x1: {  	s0 =	rddreg [dreg:$0x0]  }
0x2: {  	s1 =	rddreg [dreg:$0x1]  }
0x3: {  	s6 =	rddreg [dreg:$0x2];
	s3 =	srdreg.scid;
	s2 =	simm.s32 $0x0  }
0x4: {  	s5 =	stileid.u32;
	s11 =	simm.s32 $0x1;
	s4 =	sand.u32 $0x1, s3  }
0x5: {  	[smem:$0x7FF] =	sst s2;
	s25 =	sshll.u32 s5, $0xA;
	s26 =	sshll.u32 s4, $0x9  }
0x6: {  	s29 =	sadd.s32 $0xF42800, s6;
	_ =	strace $0x80000047;
	s5 =	sor.u32 s26, s25  }
0x7: {  	s4 =	ssub.s32 $0x2, s4;
	s7 =	sshll.u32 s5, $0x4;
	s5 =	sshrl.u32 s5, $0x3  }
0x8: {  	[dreg:$0x6] =	wrdreg s29;
	s8 =	sshrl.u32 s4, $0x1;
	s0 =	sadd.s32 s0, s5  }
0x9: {  	s8 =	ssub.s32 s4, s8;
	s28 =	sadd.s32 s1, s5;
	[dreg:$0x4] =	wrdreg s0  }
0xa: {  	s7 =	sadd.s32 s7, s6;
	s31 =	smax.u32 s8, $0x1;
	[dreg:$0x5] =	wrdreg s28  }
0xb: {  	s13 =	simm.s32 $0x2;
	s30 =	sadd.s32 $0xF42A00, s7;
	[dreg:$0x8] =	wrdreg s31  }
0xc: {  	s14 =	simm.s32 $0x0;
	s3 =	sadd.s32 $0x400, s6;
	[dreg:$0x7] =	wrdreg s30  }
.LBB2_1:
0xd: {  	s0 =	rddreg [dreg:$0x4]  }
0xe: {  	[tilespmem:s2], [sflag:$0x1] =	stream.linear.gather [hbm4b:s0+s2], $0x200, $0x38;
	[tilespmem:$0x10680] =	vst v63  }
0xf: {  	s7 =	rddreg [dreg:$0x5];
	s1 =	simm.s32 $0x200  }
0x10: {  	[tilespmem:s1], [sflag:$0x1] =	stream.linear.gather [hbm4b:s7+s2], $0x200, $0x38;
	[tilespmem:$0x10680] =	vst v63  }
0x11: {  	s8 =	rddreg [dreg:$0x6];
	s9 =	simm.s32 $0x600  }
0x12: {  	[tilespmem:s9], [sflag:$0x1] =	stream.linear.gather [hbm4b:s8+s2], $0x80, $0x38;
	[tilespmem:$0x10680] =	vst v63  }
0x13: {  	_ =	swait.ge [sflag:s11], $0x80  }
0x14: {  	[sflag:s11] =	ssyncset.done $0x0  }
0x15: {  	[sflag:s11] =	ssyncadd.s32 $0xFFFFFF80  }
0x16: {  	_ =	swait.ge [sflag:s11], $0x200  }
0x17: {  	[sflag:s11] =	ssyncset.done $0x0  }
0x18: {  	[sflag:s11] =	ssyncadd.s32 $0xFFFFFE00  }
0x19: {  	_ =	swait.ge [sflag:s11], $0x200  }
0x1a: {  	[sflag:s11] =	ssyncset.done $0x0  }
0x1b: {  	[sflag:s11] =	ssyncadd.s32 $0xFFFFFE00  }
0x1c: {  	v0 =	vld [tilespmem:$0x200]  }
0x1d: {  	v1 =	vld [tilespmem:$0x0]  }
0x1e: {  	v2 =	vld [tilespmem:$0x210]  }
0x1f: {  	v3 =	vld [tilespmem:$0x10]  }
0x20: {  	v4 =	vld [tilespmem:$0x220]  }
0x21: {  	v5 =	vld [tilespmem:$0x20]  }
0x22: {  	v6 =	vld [tilespmem:$0x230]  }
0x23: {  	v7 =	vld [tilespmem:$0x30]  }
0x24: {  	v8 =	vld [tilespmem:$0x240]  }
0x25: {  	v9 =	vld [tilespmem:$0x40]  }
0x26: {  	v10 =	vld [tilespmem:$0x250]  }
0x27: {  	v11 =	vld [tilespmem:$0x50]  }
0x28: {  	v12 =	vld [tilespmem:$0x260]  }
0x29: {  	v13 =	vld [tilespmem:$0x60]  }
0x2a: {  	v14 =	vld [tilespmem:$0x270]  }
0x2b: {  	v15 =	vld [tilespmem:$0x70]  }
0x2c: {  	v16 =	vld [tilespmem:$0x280]  }
0x2d: {  	v17 =	vld [tilespmem:$0x80]  }
0x2e: {  	v18 =	vld [tilespmem:$0x290]  }
0x2f: {  	v19 =	vld [tilespmem:$0x90]  }
0x30: {  	v20 =	vld [tilespmem:$0x2A0]  }
0x31: {  	v21 =	vld [tilespmem:$0xA0]  }
0x32: {  	v22 =	vld [tilespmem:$0x2B0]  }
0x33: {  	v23 =	vld [tilespmem:$0xB0]  }
0x34: {  	v24 =	vld [tilespmem:$0x2C0]  }
0x35: {  	v25 =	vld [tilespmem:$0xC0]  }
0x36: {  	v26 =	vld [tilespmem:$0x2D0]  }
0x37: {  	v27 =	vld [tilespmem:$0xD0]  }
0x38: {  	v28 =	vld [tilespmem:$0x2E0]  }
0x39: {  	v29 =	vld [tilespmem:$0xE0]  }
0x3a: {  	v30 =	vld [tilespmem:$0x2F0]  }
0x3b: {  	v31 =	vld [tilespmem:$0xF0]  }
0x3c: {  	v32 =	vld [tilespmem:$0x300]  }
0x3d: {  	v33 =	vld [tilespmem:$0x100]  }
0x3e: {  	v34 =	vld [tilespmem:$0x310]  }
0x3f: {  	v35 =	vld [tilespmem:$0x110]  }
0x40: {  	v47 =	vld [tilespmem:$0x140];
	vm0 =	veq.s32 v0, $0x1  }
0x41: {  	v48 =	vld [tilespmem:$0x350];
	vm9 =	veq.s32 v2, $0x1;
	v1 =	vsel vm0, $0xF4240, v1  }
0x42: {  	v49 =	vld [tilespmem:$0x150];
	vm10 =	veq.s32 v4, $0x1;
	[tilespmem:$0x400] =	vst v1;
	v1 =	vsel vm9, $0xF4240, v3  }
0x43: {  	v50 =	vld [tilespmem:$0x360];
	vm11 =	veq.s32 v6, $0x1;
	[tilespmem:$0x410] =	vst v1;
	v1 =	vsel vm10, $0xF4240, v5  }
0x44: {  	v51 =	vld [tilespmem:$0x160];
	vm12 =	veq.s32 v8, $0x1;
	[tilespmem:$0x420] =	vst v1;
	v1 =	vsel vm11, $0xF4240, v7  }
0x45: {  	v52 =	vld [tilespmem:$0x370];
	vm13 =	veq.s32 v10, $0x1;
	[tilespmem:$0x430] =	vst v1;
	v1 =	vsel vm12, $0xF4240, v9  }
0x46: {  	v53 =	vld [tilespmem:$0x170];
	vm14 =	veq.s32 v12, $0x1;
	[tilespmem:$0x440] =	vst v1;
	v1 =	vsel vm13, $0xF4240, v11  }
0x47: {  	v0 =	vld [tilespmem:$0x320];
	vm15 =	veq.s32 v14, $0x1;
	[tilespmem:$0x450] =	vst v1;
	v1 =	vsel vm14, $0xF4240, v13  }
0x48: {  	v54 =	vld [tilespmem:$0x380];
	vm4 =	veq.s32 v16, $0x1;
	[tilespmem:$0x460] =	vst v1;
	v1 =	vsel vm15, $0xF4240, v15  }
0x49: {  	v55 =	vld [tilespmem:$0x180];
	vm5 =	veq.s32 v18, $0x1;
	[tilespmem:$0x470] =	vst v1;
	v1 =	vsel vm4, $0xF4240, v17  }
0x4a: {  	v56 =	vld [tilespmem:$0x390];
	vm6 =	veq.s32 v20, $0x1;
	[tilespmem:$0x480] =	vst v1;
	v1 =	vsel vm5, $0xF4240, v19  }
0x4b: {  	v2 =	vld [tilespmem:$0x120];
	vm7 =	veq.s32 v22, $0x1;
	[tilespmem:$0x490] =	vst v1;
	v1 =	vsel vm6, $0xF4240, v21  }
0x4c: {  	vm8 =	veq.s32 v24, $0x1;
	vm14 =	veq.s32 v0, $0x1;
	v0 =	vld [tilespmem:$0x3B0];
	[tilespmem:$0x4A0] =	vst v1;
	v1 =	vsel vm7, $0xF4240, v23  }
0x4d: {  	v4 =	vld [tilespmem:$0x130];
	vm9 =	veq.s32 v26, $0x1;
	[tilespmem:$0x4B0] =	vst v1;
	v1 =	vsel vm8, $0xF4240, v25  }
0x4e: {  	v3 =	vld [tilespmem:$0x330];
	vm10 =	veq.s32 v28, $0x1;
	[tilespmem:$0x4C0] =	vst v1;
	v1 =	vsel vm9, $0xF4240, v27  }
0x4f: {  	v5 =	vld [tilespmem:$0x340];
	vm11 =	veq.s32 v30, $0x1;
	[tilespmem:$0x4D0] =	vst v1;
	v1 =	vsel vm10, $0xF4240, v29  }
0x50: {  	v63 =	vld [tilespmem:$0x3F0];
	vm12 =	veq.s32 v32, $0x1;
	[tilespmem:$0x4E0] =	vst v1;
	v1 =	vsel vm11, $0xF4240, v31  }
0x51: {  	vm13 =	veq.s32 v34, $0x1;
	vm11 =	veq.s32 v0, $0x1;
	v0 =	vld [tilespmem:$0x1F0];
	[tilespmem:$0x4F0] =	vst v1;
	v1 =	vsel vm12, $0xF4240, v33  }
0x52: {  	v57 =	vld [tilespmem:$0x190];
	[tilespmem:$0x500] =	vst v1;
	v1 =	vsel vm13, $0xF4240, v35  }
0x53: {  	v58 =	vld [tilespmem:$0x3A0];
	vm15 =	veq.s32 v3, $0x1;
	[tilespmem:$0x510] =	vst v1;
	v1 =	vsel vm14, $0xF4240, v2  }
0x54: {  	v59 =	vld [tilespmem:$0x1A0];
	vm4 =	veq.s32 v5, $0x1;
	[tilespmem:$0x520] =	vst v1;
	v1 =	vsel vm15, $0xF4240, v4  }
0x55: {  	v60 =	vld [tilespmem:$0x1D0];
	vm15 =	veq.s32 v63, $0x1;
	[tilespmem:$0x530] =	vst v1;
	v1 =	vsel vm4, $0xF4240, v47  }
0x56: {  	v3 =	vld [tilespmem:$0x3C0];
	vm5 =	veq.s32 v48, $0x1;
	v0 =	vsel vm15, $0xF4240, v0;
	[tilespmem:$0x540] =	vst v1  }
0x57: {  	v5 =	vld [tilespmem:$0x3D0];
	vm6 =	veq.s32 v50, $0x1;
	v1 =	vsel vm5, $0xF4240, v49;
	[tilespmem:$0x5F0] =	vst v0  }
0x58: {  	vm7 =	veq.s32 v52, $0x1;
	v2 =	vld [tilespmem:$0x1B0];
	[tilespmem:$0x550] =	vst v1;
	v1 =	vsel vm6, $0xF4240, v51  }
0x59: {  	vm8 =	veq.s32 v54, $0x1;
	v4 =	vld [tilespmem:$0x1C0];
	[tilespmem:$0x560] =	vst v1;
	v1 =	vsel vm7, $0xF4240, v53  }
0x5a: {  	v61 =	vld [tilespmem:$0x3E0];
	vm9 =	veq.s32 v56, $0x1;
	[tilespmem:$0x570] =	vst v1;
	v1 =	vsel vm8, $0xF4240, v55  }
0x5b: {  	v62 =	vld [tilespmem:$0x1E0];
	vm10 =	veq.s32 v58, $0x1;
	[tilespmem:$0x580] =	vst v1;
	v1 =	vsel vm9, $0xF4240, v57  }
0x5c: {  	[tilespmem:$0x590] =	vst v1;
	v1 =	vsel vm10, $0xF4240, v59  }
0x5d: {  	vm12 =	veq.s32 v3, $0x1;
	[tilespmem:$0x5A0] =	vst v1;
	v1 =	vsel vm11, $0xF4240, v2  }
0x5e: {  	vm13 =	veq.s32 v5, $0x1;
	[tilespmem:$0x5B0] =	vst v1;
	v1 =	vsel vm12, $0xF4240, v4  }
0x5f: {  	vm14 =	veq.s32 v61, $0x1;
	[tilespmem:$0x5C0] =	vst v1;
	v1 =	vsel vm13, $0xF4240, v60  }
0x60: {  	[tilespmem:$0x5D0] =	vst v1;
	v1 =	vsel vm14, $0xF4240, v62  }
0x61: {  	s10 =	simm.s32 $0x0;
	[tilespmem:$0x5E0] =	vst v1  }
0x62: {  	v4 =	vld [tilespmem:s10+$0x200];
	_ =	sdelay $0x4  }
0x63: {  	(v2sf) =	vpush v4, $0x0;
	_ =	sdelay $0x3  }
0x64: {  	(v2sf) =	vpush v4, $0x1;
	_ =	sdelay $0x3  }
0x65: {  	(v2sf) =	vpush v4, $0x2;
	_ =	sdelay $0x3  }
0x66: {  	v0 =	vld [tilespmem:$0x600];
	(v2sf) =	vpush v4, $0x3  }
0x67: {  	v1 =	vld [tilespmem:$0x610]  }
0x68: {  	v3 =	vld [tilespmem:$0x620]  }
0x69: {  	v2 =	vld [tilespmem:$0x630];
	s12 =	spop (v2sf)  }
0x6a: {  	s15 =	simm.s32 $0xA80;
	(v2sf) =	vpush v4, $0x4;
	p0 =	sne.s32 s12, $0x1  }
0x6b: {  	[tilespmem:s15+$0xFFFFFC00] =	vst @!p0 v0  }
0x6c: {  	[tilespmem:s15+$0xFFFFFC10] =	vst @!p0 v1  }
0x6d: {  	s16 =	spop (v2sf);
	[tilespmem:s15+$0xFFFFFC20] =	vst @!p0 v3  }
0x6e: {  	(v2sf) =	vpush v4, $0x5;
	[tilespmem:s15+$0xFFFFFC30] =	vst @!p0 v2;
	p0 =	sne.s32 s16, $0x1  }
0x6f: {  	[tilespmem:s15+$0xFFFFFC80] =	vst @!p0 v0  }
0x70: {  	[tilespmem:s15+$0xFFFFFC90] =	vst @!p0 v1  }
0x71: {  	s17 =	spop (v2sf);
	[tilespmem:s15+$0xFFFFFCA0] =	vst @!p0 v3  }
0x72: {  	(v2sf) =	vpush v4, $0x6;
	[tilespmem:s15+$0xFFFFFCB0] =	vst @!p0 v2;
	p0 =	sne.s32 s17, $0x1  }
0x73: {  	[tilespmem:s15+$0xFFFFFD00] =	vst @!p0 v0  }
0x74: {  	[tilespmem:s15+$0xFFFFFD10] =	vst @!p0 v1  }
0x75: {  	s18 =	spop (v2sf);
	[tilespmem:s15+$0xFFFFFD20] =	vst @!p0 v3  }
0x76: {  	(v2sf) =	vpush v4, $0x7;
	[tilespmem:s15+$0xFFFFFD30] =	vst @!p0 v2;
	p0 =	sne.s32 s18, $0x1  }
0x77: {  	[tilespmem:s15+$0xFFFFFD80] =	vst @!p0 v0  }
0x78: {  	[tilespmem:s15+$0xFFFFFD90] =	vst @!p0 v1  }
0x79: {  	[tilespmem:s15+$0xFFFFFDA0] =	vst @!p0 v3;
	s19 =	spop (v2sf)  }
0x7a: {  	[tilespmem:s15+$0xFFFFFDB0] =	vst @!p0 v2;
	(v2sf) =	vpush v4, $0x8;
	p0 =	sne.s32 s19, $0x1  }
0x7b: {  	[tilespmem:s15+$0xFFFFFE00] =	vst @!p0 v0  }
0x7c: {  	[tilespmem:s15+$0xFFFFFE10] =	vst @!p0 v1  }
0x7d: {  	s20 =	spop (v2sf);
	[tilespmem:s15+$0xFFFFFE20] =	vst @!p0 v3  }
0x7e: {  	(v2sf) =	vpush v4, $0x9;
	[tilespmem:s15+$0xFFFFFE30] =	vst @!p0 v2;
	p0 =	sne.s32 s20, $0x1  }
0x7f: {  	[tilespmem:s15+$0xFFFFFE80] =	vst @!p0 v0  }
0x80: {  	[tilespmem:s15+$0xFFFFFE90] =	vst @!p0 v1  }
0x81: {  	s21 =	spop (v2sf);
	[tilespmem:s15+$0xFFFFFEA0] =	vst @!p0 v3  }
0x82: {  	(v2sf) =	vpush v4, $0xA;
	[tilespmem:s15+$0xFFFFFEB0] =	vst @!p0 v2;
	p0 =	sne.s32 s21, $0x1  }
0x83: {  	[tilespmem:s15+$0xFFFFFF00] =	vst @!p0 v0  }
0x84: {  	[tilespmem:s15+$0xFFFFFF10] =	vst @!p0 v1  }
0x85: {  	s22 =	spop (v2sf);
	[tilespmem:s15+$0xFFFFFF20] =	vst @!p0 v3  }
0x86: {  	(v2sf) =	vpush v4, $0xB;
	[tilespmem:s15+$0xFFFFFF30] =	vst @!p0 v2;
	p0 =	sne.s32 s22, $0x1  }
0x87: {  	[tilespmem:s15+$0xFFFFFF80] =	vst @!p0 v0  }
0x88: {  	[tilespmem:s15+$0xFFFFFF90] =	vst @!p0 v1  }
0x89: {  	[tilespmem:s15+$0xFFFFFFA0] =	vst @!p0 v3;
	s23 =	spop (v2sf)  }
0x8a: {  	[tilespmem:s15+$0xFFFFFFB0] =	vst @!p0 v2;
	(v2sf) =	vpush v4, $0xC;
	p0 =	sne.s32 s23, $0x1  }
0x8b: {  	[tilespmem:s15+$0x0] =	vst @!p0 v0  }
0x8c: {  	[tilespmem:s15+$0x10] =	vst @!p0 v1  }
0x8d: {  	s24 =	spop (v2sf);
	[tilespmem:s15+$0x20] =	vst @!p0 v3  }
0x8e: {  	(v2sf) =	vpush v4, $0xD;
	[tilespmem:s15+$0x30] =	vst @!p0 v2;
	p0 =	sne.s32 s24, $0x1  }
0x8f: {  	[tilespmem:s15+$0x80] =	vst @!p0 v0  }
0x90: {  	[tilespmem:s15+$0x90] =	vst @!p0 v1  }
0x91: {  	s25 =	spop (v2sf);
	[tilespmem:s15+$0xA0] =	vst @!p0 v3  }
0x92: {  	(v2sf) =	vpush v4, $0xE;
	[tilespmem:s15+$0xB0] =	vst @!p0 v2;
	p0 =	sne.s32 s25, $0x1  }
0x93: {  	[tilespmem:s15+$0x100] =	vst @!p0 v0  }
0x94: {  	[tilespmem:s15+$0x110] =	vst @!p0 v1  }
0x95: {  	s26 =	spop (v2sf);
	[tilespmem:s15+$0x120] =	vst @!p0 v3  }
0x96: {  	(v2sf) =	vpush v4, $0xF;
	[tilespmem:s15+$0x130] =	vst @!p0 v2;
	p0 =	sne.s32 s26, $0x1  }
0x97: {  	[tilespmem:s15+$0x180] =	vst @!p0 v0  }
0x98: {  	[tilespmem:s15+$0x190] =	vst @!p0 v1  }
0x99: {  	[tilespmem:s15+$0x1A0] =	vst @!p0 v3;
	s28 =	spop (v2sf)  }
0x9a: {  	[tilespmem:s15+$0x1B0] =	vst @!p0 v2;
	p0 =	sne.s32 s28, $0x1  }
0x9b: {  	[tilespmem:s15+$0x200] =	vst @!p0 v0  }
0x9c: {  	[tilespmem:s15+$0x210] =	vst @!p0 v1  }
0x9d: {  	s29 =	spop (v2sf);
	[tilespmem:s15+$0x220] =	vst @!p0 v3  }
0x9e: {  	[tilespmem:s15+$0x230] =	vst @!p0 v2;
	p0 =	sne.s32 s29, $0x1  }
0x9f: {  	[tilespmem:s15+$0x280] =	vst @!p0 v0  }
0xa0: {  	[tilespmem:s15+$0x290] =	vst @!p0 v1  }
0xa1: {  	s30 =	spop (v2sf);
	[tilespmem:s15+$0x2A0] =	vst @!p0 v3  }
0xa2: {  	[tilespmem:s15+$0x2B0] =	vst @!p0 v2;
	p0 =	sne.s32 s30, $0x1  }
0xa3: {  	[tilespmem:s15+$0x300] =	vst @!p0 v0  }
0xa4: {  	[tilespmem:s15+$0x310] =	vst @!p0 v1  }
0xa5: {  	s31 =	spop (v2sf);
	[tilespmem:s15+$0x320] =	vst @!p0 v3  }
0xa6: {  	[tilespmem:s15+$0x330] =	vst @!p0 v2;
	p3 =	sne.s32 s31, $0x1  }
0xa7: {  	[tilespmem:s15+$0x380] =	vst @!p3 v0  }
0xa8: {  	[tilespmem:s15+$0x390] =	vst @!p3 v1  }
0xa9: {  	s16 =	simm.s32 $0x40;
	[tilespmem:s15+$0x3A0] =	vst @!p3 v3  }
.LBB2_2:
0xaa: {  	s0 =	sshra.s32 s16, $0x2;
	[tilespmem:s15+$0x3B0] =	vst @!p3 v2  }
0xab: {  	v4 =	vld [tilespmem:s0+$0x200];
	_ =	sdelay $0x4  }
0xac: {  	(v2sf) =	vpush v4, $0x0;
	_ =	sdelay $0x3  }
0xad: {  	(v2sf) =	vpush v4, $0x1;
	_ =	sdelay $0x3  }
0xae: {  	(v2sf) =	vpush v4, $0x2;
	_ =	sdelay $0x3  }
0xaf: {  	(v2sf) =	vpush v4, $0x3  }
0xb0: {  	s16 =	sadd.s32 $0x40, s16  }
0xb1: {  	p0 =	sne.s32 s16, $0x800  }
0xb2: {  	s0 =	simm.s32 @!p0 $0x0;
	s31 =	spop (v2sf)  }
0xb3: {  	s15 =	sadd.s32 $0x800, s15;
	s0 =	simm.s32 @p0 $0x1;
	(v2sf) =	vpush v4, $0x4;
	p0 =	sne.s32 s31, $0x1  }
0xb4: {  	[tilespmem:s15+$0xFFFFFC00] =	vst @!p0 v0  }
0xb5: {  	[tilespmem:s15+$0xFFFFFC10] =	vst @!p0 v1  }
0xb6: {  	s1 =	spop (v2sf);
	[tilespmem:s15+$0xFFFFFC20] =	vst @!p0 v3  }
0xb7: {  	(v2sf) =	vpush v4, $0x5;
	p2 =	sne.s32 s1, $0x1;
	[tilespmem:s15+$0xFFFFFC30] =	vst @!p0 v2  }
0xb8: {  	(v2sf) =	vpush v4, $0x6;
	[tilespmem:s15+$0xFFFFFC80] =	vst @!p2 v0  }
0xb9: {  	(v2sf) =	vpush v4, $0x7;
	[tilespmem:s15+$0xFFFFFC90] =	vst @!p2 v1  }
0xba: {  	(v2sf) =	vpush v4, $0x8;
	s4 =	spop (v2sf);
	[tilespmem:s15+$0xFFFFFCA0] =	vst @!p2 v3  }
0xbb: {  	p3 =	sne.s32 s4, $0x1;
	[tilespmem:s15+$0xFFFFFCB0] =	vst @!p2 v2  }
0xbc: {  	[tilespmem:s15+$0xFFFFFD00] =	vst @!p3 v0  }
0xbd: {  	[tilespmem:s15+$0xFFFFFD10] =	vst @!p3 v1  }
0xbe: {  	(v2sf) =	vpush v4, $0x9;
	s5 =	spop (v2sf);
	[tilespmem:s15+$0xFFFFFD20] =	vst @!p3 v3  }
0xbf: {  	p6 =	sne.s32 s5, $0x1;
	[tilespmem:s15+$0xFFFFFD30] =	vst @!p3 v2  }
0xc0: {  	[tilespmem:s15+$0xFFFFFD80] =	vst @!p6 v0  }
0xc1: {  	[tilespmem:s15+$0xFFFFFD90] =	vst @!p6 v1  }
0xc2: {  	(v2sf) =	vpush v4, $0xA;
	s6 =	spop (v2sf);
	[tilespmem:s15+$0xFFFFFDA0] =	vst @!p6 v3  }
0xc3: {  	p5 =	sne.s32 s6, $0x1;
	[tilespmem:s15+$0xFFFFFDB0] =	vst @!p6 v2  }
0xc4: {  	[tilespmem:s15+$0xFFFFFE00] =	vst @!p5 v0  }
0xc5: {  	[tilespmem:s15+$0xFFFFFE10] =	vst @!p5 v1  }
0xc6: {  	(v2sf) =	vpush v4, $0xB;
	s7 =	spop (v2sf);
	[tilespmem:s15+$0xFFFFFE20] =	vst @!p5 v3  }
0xc7: {  	p4 =	sne.s32 s7, $0x1;
	s8 =	spop (v2sf);
	[tilespmem:s15+$0xFFFFFE30] =	vst @!p5 v2  }
0xc8: {  	s9 =	spop (v2sf);
	[tilespmem:s15+$0xFFFFFE80] =	vst @!p4 v0  }
0xc9: {  	[tilespmem:s15+$0xFFFFFE90] =	vst @!p4 v1;
	s10 =	spop (v2sf)  }
0xca: {  	(v2sf) =	vpush v4, $0xC;
	[tilespmem:s15+$0xFFFFFEA0] =	vst @!p4 v3;
	p2 =	sne.s32 s10, $0x1  }
0xcb: {  	[smem:$0x7FD] =	sst s0;
	p1 =	sne.s32 s8, $0x1;
	[tilespmem:s15+$0xFFFFFEB0] =	vst @!p4 v2;
	s0 =	simm.s32 @!p2 $0x0  }
0xcc: {  	[tilespmem:s15+$0xFFFFFF00] =	vst @!p1 v0;
	s0 =	simm.s32 @p2 $0x1  }
0xcd: {  	p0 =	sne.s32 s9, $0x1;
	[tilespmem:s15+$0xFFFFFF10] =	vst @!p1 v1;
	s12 =	spop (v2sf);
	[smem:$0x7F6] =	sst s0  }
0xce: {  	(v2sf) =	vpush v4, $0xD;
	[tilespmem:s15+$0xFFFFFF80] =	vst @!p0 v0;
	p2 =	sne.s32 s12, $0x1;
	s23 =	sld [smem:$0x7F6]  }
0xcf: {  	[tilespmem:s15+$0xFFFFFF90] =	vst @!p0 v1;
	s0 =	simm.s32 @!p2 $0x0  }
0xd0: {  	[tilespmem:s15+$0xFFFFFFA0] =	vst @!p0 v3;
	s0 =	simm.s32 @p2 $0x1  }
0xd1: {  	[tilespmem:s15+$0xFFFFFFB0] =	vst @!p0 v2;
	s17 =	spop (v2sf);
	[smem:$0x7F7] =	sst s0;
	p0 =	seq.s32 s23, $0x1  }
0xd2: {  	(v2sf) =	vpush v4, $0xE;
	p2 =	sne.s32 s17, $0x1;
	s24 =	sld [smem:$0x7F7];
	[tilespmem:s15+$0x0] =	vst @!p0 v0  }
0xd3: {  	s0 =	simm.s32 @!p2 $0x0;
	[tilespmem:s15+$0x10] =	vst @!p0 v1  }
0xd4: {  	s0 =	simm.s32 @p2 $0x1;
	[tilespmem:s15+$0x20] =	vst @!p0 v3  }
0xd5: {  	s18 =	spop (v2sf);
	[smem:$0x7F8] =	sst s0;
	[tilespmem:s15+$0x30] =	vst @!p0 v2;
	p0 =	seq.s32 s24, $0x1  }
0xd6: {  	p2 =	sne.s32 s18, $0x1;
	s25 =	sld [smem:$0x7F8];
	[tilespmem:s15+$0x80] =	vst @!p0 v0  }
0xd7: {  	s0 =	simm.s32 @!p2 $0x0;
	[tilespmem:s15+$0x90] =	vst @!p0 v1  }
0xd8: {  	s0 =	simm.s32 @p2 $0x1;
	[tilespmem:s15+$0xA0] =	vst @!p0 v3  }
0xd9: {  	s19 =	spop (v2sf);
	[smem:$0x7F9] =	sst s0;
	[tilespmem:s15+$0xB0] =	vst @!p0 v2;
	p0 =	seq.s32 s25, $0x1  }
0xda: {  	p3 =	sne.s32 s19, $0x1;
	s26 =	sld [smem:$0x7F9];
	[tilespmem:s15+$0x100] =	vst @!p0 v0  }
0xdb: {  	s0 =	simm.s32 @!p3 $0x0;
	[tilespmem:s15+$0x110] =	vst @!p0 v1  }
0xdc: {  	s0 =	simm.s32 @p3 $0x1;
	[tilespmem:s15+$0x120] =	vst @!p0 v3  }
0xdd: {  	s20 =	spop (v2sf);
	[smem:$0x7FA] =	sst s0;
	[tilespmem:s15+$0x130] =	vst @!p0 v2;
	p0 =	seq.s32 s26, $0x1  }
0xde: {  	p3 =	sne.s32 s20, $0x1;
	s28 =	sld [smem:$0x7FA];
	[tilespmem:s15+$0x180] =	vst @!p0 v0  }
0xdf: {  	(v2sf) =	vpush v4, $0xF;
	s0 =	simm.s32 @!p3 $0x0;
	[tilespmem:s15+$0x190] =	vst @!p0 v1  }
0xe0: {  	s0 =	simm.s32 @p3 $0x1;
	[tilespmem:s15+$0x1A0] =	vst @!p0 v3  }
0xe1: {  	s21 =	spop (v2sf);
	[smem:$0x7FB] =	sst s0;
	[tilespmem:s15+$0x1B0] =	vst @!p0 v2;
	p0 =	seq.s32 s28, $0x1  }
0xe2: {  	p3 =	sne.s32 s21, $0x1;
	s29 =	sld [smem:$0x7FB];
	[tilespmem:s15+$0x200] =	vst @!p0 v0  }
0xe3: {  	s0 =	simm.s32 @!p3 $0x0;
	[tilespmem:s15+$0x210] =	vst @!p0 v1  }
0xe4: {  	s0 =	simm.s32 @p3 $0x1;
	[tilespmem:s15+$0x220] =	vst @!p0 v3  }
0xe5: {  	[smem:$0x7FC] =	sst s0;
	[tilespmem:s15+$0x230] =	vst @!p0 v2;
	p0 =	seq.s32 s29, $0x1  }
0xe6: {  	s30 =	sld [smem:$0x7FC];
	[tilespmem:s15+$0x280] =	vst @!p0 v0  }
0xe7: {  	[tilespmem:s15+$0x290] =	vst @!p0 v1  }
0xe8: {  	[tilespmem:s15+$0x2A0] =	vst @!p0 v3  }
0xe9: {  	[tilespmem:s15+$0x2B0] =	vst @!p0 v2;
	p0 =	seq.s32 s30, $0x1  }
0xea: {  	s31 =	sld [smem:$0x7FD];
	[tilespmem:s15+$0x300] =	vst @!p0 v0  }
0xeb: {  	[tilespmem:s15+$0x310] =	vst @!p0 v1  }
0xec: {  	[tilespmem:s15+$0x320] =	vst @!p0 v3  }
0xed: {  	[tilespmem:s15+$0x330] =	vst @!p0 v2;
	p0 =	seq.s32 s31, $0x1  }
.Ltmp0:
0xee: {  	[tilespmem:s15+$0xFFFFFF20] =	vst @!p1 v3;
	s22 =	spop (v2sf);
	(pc) =	sbr.rel @p0 .LBB2_2-.Ltmp0, $4  }
0xef: {  	[tilespmem:s15+$0xFFFFFF30] =	vst @!p1 v2;
	p3 =	sne.s32 s22, $0x1  }
0xf0: {  	[tilespmem:s15+$0x380] =	vst @!p3 v0  }
0xf1: {  	[tilespmem:s15+$0x390] =	vst @!p3 v1  }
0xf2: {  	[tilespmem:s15+$0x3A0] =	vst @!p3 v3  }
0xf3: {  	[tilespmem:s15+$0x3B0] =	vst @!p3 v2;
	s0 =	simm.s32 $0x200  }
0xf4: {  	v0 =	vld [tilespmem:s0+$0x0];
	_ =	sdelay $0x4  }
0xf5: {  	(v2sf) =	vpush v0, $0x0  }
0xf6: {  	(v2sf) =	vpush v0, $0x3  }
0xf7: {  	(v2sf) =	vpush v0, $0x1  }
0xf8: {  	(v2sf) =	vpush v0, $0x9  }
0xf9: {  	(v2sf) =	vpush v0, $0xB  }
0xfa: {  	(v2sf) =	vpush v0, $0x2  }
0xfb: {  	(v2sf) =	vpush v0, $0xC  }
0xfc: {  	(v2sf) =	vpush v0, $0xD  }
0xfd: {  	(v2sf) =	vpush v0, $0xE  }
0xfe: {  	(v2sf) =	vpush v0, $0xF  }
0xff: {  	(v2sf) =	vpush v0, $0x6  }
0x100: {  	s15 =	simm.s32 $0x400;
	(v2sf) =	vpush v0, $0x5  }
0x101: {  	v1 =	vld [tilespmem:s15+$0x0]  }
0x102: {  	(v2sf) =	vpush v0, $0x7  }
0x103: {  	(v2sf) =	vpush v0, $0x4  }
0x104: {  	s26 =	spop (v2sf);
	(v2sf) =	vpush v0, $0x8  }
0x105: {  	p0 =	sne.s32 s26, $0x0;
	(v2sf) =	vpush v0, $0xA;
	s28 =	spop (v2sf)  }
0x106: {  	(v2sf) =	vpush @!p0 v1, $0x0;
	s1 =	spop (v2sf)  }
0x107: {  	s29 =	spop (v2sf)  }
0x108: {  	p3 =	sne.s32 s1, $0x0;
	s9 =	spop (v2sf)  }
0x109: {  	(v2sf) =	vpush @!p3 v1, $0x1;
	s16 =	spop (v2sf)  }
0x10a: {  	s20 =	spop (v2sf)  }
0x10b: {  	s0 =	simm.s32 @!p0 $0x0;
	p5 =	sne.s32 s28, $0x0;
	s17 =	spop (v2sf)  }
0x10c: {  	s25 =	simm.s32 @!p0 $0x680;
	s0 =	simm.s32 @p0 $0x1;
	s19 =	spop (v2sf)  }
0x10d: {  	[smem:$0x7F5] =	sst s0;
	s0 =	simm.s32 @!p5 $0x0;
	s18 =	spop (v2sf)  }
0x10e: {  	s26 =	simm.s32 @!p3 $0x700;
	s0 =	simm.s32 @p5 $0x1;
	s21 =	spop (v2sf)  }
0x10f: {  	p4 =	sne.s32 s9, $0x0;
	p1 =	sne.s32 s16, $0x0;
	s30 =	spop (v2sf)  }
0x110: {  	[smem:$0x7EB] =	sst s0;
	s16 =	simm.s32 @!p0 $0x1;
	p2 =	sne.s32 s30, $0x0  }
0x111: {  	p6 =	sne.s32 s21, $0x0;
	s22 =	spop (v2sf);
	s4 =	simm.s32 @!p2 $0x0  }
0x112: {  	(v2sf) =	vpush @!p1 v1, $0x2;
	s21 =	simm.s32 @!p5 $0x800;
	s31 =	spop (v2sf);
	s4 =	simm.s32 @p2 $0x1  }
0x113: {  	s23 =	spop (v2sf);
	[smem:$0x7E9] =	sst s4;
	s4 =	simm.s32 @!p4 $0x0  }
0x114: {  	(v2sf) =	vpush @!p5 v1, $0x3;
	s24 =	spop (v2sf);
	s4 =	simm.s32 @p4 $0x1;
	s5 =	sld [smem:$0x7E9]  }
0x115: {  	(v2sf) =	vpush @!p2 v1, $0x5;
	p2 =	sne.s32 s31, $0x0;
	s28 =	spop @!p0 (v2sf);
	[smem:$0x7F2] =	sst s4  }
0x116: {  	s4 =	simm.s32 @!p3 $0x0;
	s9 =	sshll.u32 @!p0 s28, $0x4;
	s28 =	simm.s32 @!p0 $0x0  }
0x117: {  	s4 =	simm.s32 @p3 $0x1;
	s6 =	sld [smem:$0x7F2];
	s0 =	sand.u32 @!p0 $0x1FFFFFF0, s9  }
0x118: {  	s9 =	spop @!p3 (v2sf);
	[smem:$0x7F4] =	sst s4;
	s0 =	sadd.s32 @!p0 s3, s0  }
0x119: {  	[tilespmem:s25], [sflag:$0x1] =	stream.linear.gather @!p0 [hbm4b:s0+s28], $0x80, $0x38;
	[tilespmem:$0x10680] =	vst v63  }
0x11a: {  	(v2sf) =	vpush @!p4 v1, $0xB;
	p4 =	seq.s32 s5, $0x1;
	s9 =	sshll.u32 @!p3 s9, $0x4;
	p0 =	sne.s32 s17, $0x0  }
0x11b: {  	s5 =	sld [smem:$0x7EB];
	s9 =	sand.u32 @!p3 $0x1FFFFFF0, s9;
	s4 =	simm.s32 @!p0 $0x0  }
0x11c: {  	s25 =	simm.s32 @!p3 $0x0;
	s9 =	sadd.s32 @!p3 s3, s9;
	s4 =	simm.s32 @p0 $0x1  }
0x11d: {  	[tilespmem:s26], [sflag:$0x1] =	stream.linear.gather @!p3 [hbm4b:s9+s25], $0x80, $0x38;
	[tilespmem:$0x10680] =	vst v63  }
0x11e: {  	s12 =	simm.s32 @!p2 $0x0;
	s0 =	simm.s32 @!p1 $0x780;
	[smem:$0x7F3] =	sst s4  }
0x11f: {  	s17 =	simm.s32 @!p0 $0x0;
	p0 =	sne.s32 s29, $0x0;
	s4 =	sld [smem:$0x7E9]  }
0x120: {  	(v2sf) =	vpush @!p2 v1, $0x4;
	p3 =	sne.s32 s22, $0x0;
	s22 =	simm.s32 @!p2 $0x880;
	s1 =	simm.s32 @!p0 $0x0  }
0x121: {  	(v2sf) =	vpush @!p6 v1, $0x6;
	s25 =	spop @!p1 (v2sf);
	s26 =	simm.s32 @!p1 $0x0;
	s1 =	simm.s32 @p0 $0x1  }
0x122: {  	(v2sf) =	vpush @!p0 v1, $0x9;
	s25 =	sshll.u32 @!p1 s25, $0x4;
	[smem:$0x7EA] =	sst s1;
	p0 =	seq.s32 s4, $0x1  }
0x123: {  	s1 =	simm.s32 @!p0 $0x900;
	s9 =	simm.s32 @!p0 $0x0;
	p0 =	sne.s32 s24, $0x0  }
0x124: {  	s29 =	simm.s32 @!p5 $0x0;
	(v2sf) =	vpush @!p3 v1, $0x7;
	s25 =	sand.u32 @!p1 $0x1FFFFFF0, s25;
	s4 =	simm.s32 @!p0 $0x0  }
0x125: {  	s7 =	sld [smem:$0x7EA];
	(v2sf) =	vpush @!p0 v1, $0xA;
	s4 =	simm.s32 @p0 $0x1;
	p0 =	sne.s32 s20, $0x0  }
0x126: {  	s24 =	simm.s32 @!p6 $0x980;
	[smem:$0x7ED] =	sst s4;
	s4 =	simm.s32 @!p0 $0x0  }
0x127: {  	s20 =	simm.s32 @!p0 $0x0;
	s4 =	simm.s32 @p0 $0x1;
	p0 =	sne.s32 s23, $0x0  }
0x128: {  	s23 =	sadd.s32 @!p1 s3, s25;
	s25 =	spop @!p5 (v2sf);
	[smem:$0x7F1] =	sst s4  }
0x129: {  	[tilespmem:s0], [sflag:$0x1] =	stream.linear.gather @!p1 [hbm4b:s23+s26], $0x80, $0x38;
	[tilespmem:$0x10680] =	vst v63  }
0x12a: {  	s4 =	simm.s32 @!p1 $0x0;
	s0 =	simm.s32 @!p3 $0xA00;
	s23 =	sshll.u32 @!p5 s25, $0x4  }
0x12b: {  	s25 =	spop @!p4 (v2sf);
	s26 =	simm.s32 @!p0 $0xA80;
	s8 =	sld [smem:$0x7F1]  }
0x12c: {  	s4 =	simm.s32 @p1 $0x1;
	p1 =	seq.s32 s6, $0x1;
	s6 =	sld [smem:$0x7F2]  }
0x12d: {  	s23 =	sand.u32 @!p5 $0x1FFFFFF0, s23;
	s25 =	sshll.u32 @!p4 s25, $0x4;
	[smem:$0x7E8] =	sst s4  }
0x12e: {  	s23 =	sadd.s32 @!p5 s3, s23;
	s25 =	sand.u32 @!p4 $0x1FFFFFF0, s25;
	s28 =	spop @!p1 (v2sf)  }
0x12f: {  	p5 =	seq.s32 s7, $0x1;
	s4 =	simm.s32 @!p2 $0x0;
	s7 =	sld [smem:$0x7F3]  }
0x130: {  	s25 =	sadd.s32 @!p4 s3, s25;
	s30 =	spop @!p2 (v2sf);
	s28 =	sshll.u32 @!p1 s28, $0x4  }
0x131: {  	s10 =	simm.s32 @!p5 $0xB00;
	s4 =	simm.s32 @p2 $0x1;
	s30 =	sshll.u32 @!p2 s30, $0x4  }
0x132: {  	s31 =	spop @!p6 (v2sf);
	p1 =	seq.s32 s8, $0x1;
	[smem:$0x7EC] =	sst s4  }
0x133: {  	(v2sf) =	vpush @!p0 v1, $0x8;
	s8 =	sld [smem:$0x7ED];
	s4 =	simm.s32 @!p6 $0x0;
	s30 =	sand.u32 @!p2 $0x1FFFFFF0, s30  }
0x134: {  	s31 =	sshll.u32 @!p6 s31, $0x4;
	(v2sf) =	vpush @!p1 v1, $0xC;
	p1 =	seq.s32 s5, $0x1;
	s4 =	simm.s32 @p6 $0x1  }
0x135: {  	[tilespmem:s21], [sflag:$0x1] =	stream.linear.gather @!p1 [hbm4b:s23+s29], $0x80, $0x38;
	[tilespmem:$0x10680] =	vst v63  }
0x136: {  	s30 =	sadd.s32 @!p2 s3, s30;
	s31 =	sand.u32 @!p6 $0x1FFFFFF0, s31;
	s21 =	spop @!p5 (v2sf)  }
0x137: {  	s29 =	simm.s32 @!p3 $0x0;
	p1 =	seq.s32 s7, $0x1;
	[smem:$0x7EE] =	sst s4  }
0x138: {  	s4 =	simm.s32 @!p3 $0x0;
	s23 =	sadd.s32 @!p6 s3, s31;
	(v2sf) =	vpush @!p1 v1, $0xD;
	p1 =	sne.s32 s19, $0x0  }
0x139: {  	[tilespmem:s22], [sflag:$0x1] =	stream.linear.gather @!p2 [hbm4b:s30+s12], $0x80, $0x38;
	[tilespmem:$0x10680] =	vst v63  }
0x13a: {  	s4 =	simm.s32 @p3 $0x1;
	p2 =	seq.s32 s6, $0x1;
	s22 =	simm.s32 @!p6 $0x0  }
0x13b: {  	[smem:$0x7EF] =	sst s4;
	s12 =	sand.u32 @!p2 $0x1FFFFFF0, s28;
	s28 =	spop @!p3 (v2sf)  }
0x13c: {  	[tilespmem:s1], [sflag:$0x1] =	stream.linear.gather @!p4 [hbm4b:s25+s9], $0x80, $0x38;
	[tilespmem:$0x10680] =	vst v63  }
0x13d: {  	(v2sf) =	vpush @!p1 v1, $0xE;
	p4 =	por p1, p1;
	p1 =	sne.s32 s18, $0x0;
	s18 =	sshll.u32 @!p3 s28, $0x4  }
0x13e: {  	s12 =	sadd.s32 @!p2 s3, s12;
	p2 =	seq.s32 s8, $0x1;
	s18 =	sand.u32 @!p3 $0x1FFFFFF0, s18  }
0x13f: {  	[tilespmem:s24], [sflag:$0x1] =	stream.linear.gather @!p6 [hbm4b:s23+s22], $0x80, $0x38;
	[tilespmem:$0x10680] =	vst v63  }
0x140: {  	s4 =	simm.s32 @!p0 $0x0;
	s30 =	spop @!p2 (v2sf);
	s18 =	sadd.s32 @!p3 s3, s18  }
0x141: {  	[tilespmem:s0], [sflag:$0x1] =	stream.linear.gather @!p3 [hbm4b:s18+s29], $0x80, $0x38;
	[tilespmem:$0x10680] =	vst v63  }
0x142: {  	s31 =	sld [smem:$0x7F5];
	s4 =	simm.s32 @p0 $0x1;
	s9 =	spop @!p0 (v2sf)  }
0x143: {  	s19 =	simm.s32 @!p0 $0x0;
	[smem:$0x7F0] =	sst s4;
	s9 =	sshll.u32 @!p0 s9, $0x4  }
0x144: {  	s1 =	sshll.u32 @!p5 s21, $0x4;
	s28 =	sld [smem:$0x7F2];
	s9 =	sand.u32 @!p0 $0x1FFFFFF0, s9  }
0x145: {  	s1 =	sand.u32 @!p5 $0x1FFFFFF0, s1;
	(v2sf) =	vpush @!p1 v1, $0xF;
	s29 =	sld [smem:$0x7F3];
	s9 =	sadd.s32 @!p0 s3, s9  }
0x146: {  	[tilespmem:s26], [sflag:$0x1] =	stream.linear.gather @!p0 [hbm4b:s9+s19], $0x80, $0x38;
	[tilespmem:$0x10680] =	vst v63  }
0x147: {  	s21 =	simm.s32 @!p5 $0x0;
	s1 =	sadd.s32 @!p5 s3, s1;
	s26 =	sld [smem:$0x7F1]  }
0x148: {  	s0 =	simm.s32 @!p2 $0xB80;
	s18 =	sshll.u32 @!p2 s30, $0x4;
	s30 =	sld [smem:$0x7F4]  }
0x149: {  	[tilespmem:s10], [sflag:$0x1] =	stream.linear.gather @!p5 [hbm4b:s1+s21], $0x80, $0x38;
	[tilespmem:$0x10680] =	vst v63  }
0x14a: {  	s9 =	sand.u32 @!p2 $0x1FFFFFF0, s18;
	s18 =	simm.s32 @!p2 $0x0;
	p3 =	seq.s32 s26, $0x1  }
0x14b: {  	p5 =	por p2, p2;
	s1 =	sadd.s32 @!p2 s3, s9;
	s19 =	spop @!p3 (v2sf)  }
0x14c: {  	[tilespmem:s0], [sflag:$0x1] =	stream.linear.gather @!p5 [hbm4b:s1+s18], $0x80, $0x38;
	[tilespmem:$0x10680] =	vst v63  }
0x14d: {  	p0 =	seq.s32 s29, $0x1;
	p2 =	seq.s32 s28, $0x1;
	s10 =	sshll.u32 @!p3 s19, $0x4  }
0x14e: {  	s9 =	simm.s32 @!p2 $0xC00;
	s0 =	simm.s32 @!p2 $0x0;
	s1 =	sand.u32 @!p3 $0x1FFFFFF0, s10  }
0x14f: {  	[tilespmem:s9], [sflag:$0x1] =	stream.linear.gather @!p2 [hbm4b:s12+s0], $0x80, $0x38;
	[tilespmem:$0x10680] =	vst v63  }
0x150: {  	s10 =	spop @!p0 (v2sf);
	s0 =	simm.s32 @!p0 $0xD00;
	s12 =	simm.s32 @!p3 $0xC80  }
0x151: {  	p2 =	por p1, p1;
	s9 =	spop @!p4 (v2sf);
	s10 =	sshll.u32 @!p0 s10, $0x4  }
0x152: {  	s1 =	sadd.s32 @!p3 s3, s1;
	s9 =	sshll.u32 @!p4 s9, $0x4;
	s10 =	sand.u32 @!p0 $0x1FFFFFF0, s10  }
0x153: {  	[tilespmem:s12], [sflag:$0x1] =	stream.linear.gather @!p3 [hbm4b:s1+s20], $0x80, $0x38;
	[tilespmem:$0x10680] =	vst v63  }
0x154: {  	s18 =	spop @!p1 (v2sf);
	s9 =	sand.u32 @!p4 $0x1FFFFFF0, s9;
	s1 =	sadd.s32 @!p0 s3, s10  }
0x155: {  	[tilespmem:s0], [sflag:$0x1] =	stream.linear.gather @!p0 [hbm4b:s1+s17], $0x80, $0x38;
	[tilespmem:$0x10680] =	vst v63  }
0x156: {  	s10 =	sshll.u32 @!p1 s18, $0x4;
	s9 =	sadd.s32 @!p4 s3, s9;
	s0 =	simm.s32 @!p4 $0xD80  }
0x157: {  	s1 =	simm.s32 @!p4 $0x0;
	s10 =	sand.u32 @!p2 $0x1FFFFFF0, s10;
	p0 =	seq.s32 s31, $0x1  }
0x158: {  	[tilespmem:s0], [sflag:$0x1] =	stream.linear.gather @!p4 [hbm4b:s9+s1], $0x80, $0x38;
	[tilespmem:$0x10680] =	vst v63  }
0x159: {  	s0 =	simm.s32 @!p2 $0xE00;
	s1 =	sadd.s32 @!p2 s3, s10;
	s9 =	simm.s32 @!p2 $0x0  }
0x15a: {  	[tilespmem:s0], [sflag:$0x1] =	stream.linear.gather @!p2 [hbm4b:s1+s9], $0x80, $0x38;
	[tilespmem:$0x10680] =	vst v63  }
0x15b: {  	_ =	swait.ge @!p0 [sflag:s16], $0x80  }
0x15c: {  	p1 =	seq.s32 s30, $0x1;
	s17 =	simm.s32 $0x210;
	[sflag:s16] =	ssyncset.done @!p0 $0x0  }
0x15d: {  	s0 =	simm.s32 @!p1 $0x1;
	[sflag:s16] =	ssyncadd.s32 @!p0 $0xFFFFFF80;
	s16 =	simm.s32 $0x2000  }
.LBB2_4:
0x15e: {  	_ =	swait.ge @!p1 [sflag:s0], $0x80  }
0x15f: {  	s18 =	smov.u32 s16;
	s16 =	sadd.s32 $0x2000, s16;
	s10 =	sld [smem:$0x7E8]  }
0x160: {  	p6 =	sne.s32 s16, $0x40000  }
0x161: {  	[sflag:s0] =	ssyncset.done @!p1 $0x0;
	s1 =	simm.s32 @!p6 $0x0  }
0x162: {  	[sflag:s0] =	ssyncadd.s32 @!p1 $0xFFFFFF80;
	s1 =	simm.s32 @p6 $0x1;
	p1 =	seq.s32 s10, $0x1  }
0x163: {  	[smem:$0x7E7] =	sst s1;
	s0 =	simm.s32 @!p1 $0x1  }
0x164: {  	_ =	swait.ge @!p1 [sflag:s0], $0x80  }
0x165: {  	s12 =	sld [smem:$0x7EB];
	_ =	sdelay $0x2  }
0x166: {  	[sflag:s0] =	ssyncset.done @!p1 $0x0;
	p0 =	seq.s32 s12, $0x1  }
0x167: {  	[sflag:s0] =	ssyncadd.s32 @!p1 $0xFFFFFF80;
	s0 =	simm.s32 @!p0 $0x1  }
0x168: {  	_ =	swait.ge @!p0 [sflag:s0], $0x80  }
0x169: {  	s19 =	sld [smem:$0x7EC];
	_ =	sdelay $0x1  }
0x16a: {  	[sflag:s0] =	ssyncset.done @!p0 $0x0  }
0x16b: {  	[sflag:s0] =	ssyncadd.s32 @!p0 $0xFFFFFF80;
	p0 =	seq.s32 s19, $0x1  }
0x16c: {  	s0 =	simm.s32 @!p0 $0x1  }
0x16d: {  	_ =	swait.ge @!p0 [sflag:s0], $0x80  }
0x16e: {  	s20 =	sld [smem:$0x7E9];
	_ =	sdelay $0x1  }
0x16f: {  	[sflag:s0] =	ssyncset.done @!p0 $0x0  }
0x170: {  	[sflag:s0] =	ssyncadd.s32 @!p0 $0xFFFFFF80;
	p0 =	seq.s32 s20, $0x1  }
0x171: {  	s0 =	simm.s32 @!p0 $0x1  }
0x172: {  	_ =	swait.ge @!p0 [sflag:s0], $0x80  }
0x173: {  	s21 =	sld [smem:$0x7EE];
	_ =	sdelay $0x1  }
0x174: {  	[sflag:s0] =	ssyncset.done @!p0 $0x0  }
0x175: {  	[sflag:s0] =	ssyncadd.s32 @!p0 $0xFFFFFF80;
	p0 =	seq.s32 s21, $0x1  }
0x176: {  	s0 =	simm.s32 @!p0 $0x1  }
0x177: {  	_ =	swait.ge @!p0 [sflag:s0], $0x80  }
0x178: {  	s22 =	sld [smem:$0x7EF];
	_ =	sdelay $0x1  }
0x179: {  	[sflag:s0] =	ssyncset.done @!p0 $0x0  }
0x17a: {  	[sflag:s0] =	ssyncadd.s32 @!p0 $0xFFFFFF80;
	p0 =	seq.s32 s22, $0x1  }
0x17b: {  	s0 =	simm.s32 @!p0 $0x1  }
0x17c: {  	_ =	swait.ge @!p0 [sflag:s0], $0x80  }
0x17d: {  	s23 =	sld [smem:$0x7F0];
	_ =	sdelay $0x1  }
0x17e: {  	[sflag:s0] =	ssyncset.done @!p0 $0x0  }
0x17f: {  	[sflag:s0] =	ssyncadd.s32 @!p0 $0xFFFFFF80;
	p0 =	seq.s32 s23, $0x1  }
0x180: {  	s0 =	simm.s32 @!p0 $0x1  }
0x181: {  	_ =	swait.ge @!p0 [sflag:s0], $0x80  }
0x182: {  	s24 =	sld [smem:$0x7EA];
	_ =	sdelay $0x1  }
0x183: {  	[sflag:s0] =	ssyncset.done @!p0 $0x0  }
0x184: {  	[sflag:s0] =	ssyncadd.s32 @!p0 $0xFFFFFF80;
	p0 =	seq.s32 s24, $0x1  }
0x185: {  	s0 =	simm.s32 @!p0 $0x1  }
0x186: {  	_ =	swait.ge @!p0 [sflag:s0], $0x80  }
0x187: {  	[sflag:s0] =	ssyncset.done @!p0 $0x0  }
0x188: {  	[sflag:s0] =	ssyncadd.s32 @!p0 $0xFFFFFF80;
	s0 =	simm.s32 @!p5 $0x1  }
0x189: {  	_ =	swait.ge @!p5 [sflag:s0], $0x80  }
0x18a: {  	s25 =	sld [smem:$0x7F2];
	_ =	sdelay $0x2  }
0x18b: {  	[sflag:s0] =	ssyncset.done @!p5 $0x0;
	p0 =	seq.s32 s25, $0x1  }
0x18c: {  	[sflag:s0] =	ssyncadd.s32 @!p5 $0xFFFFFF80;
	s0 =	simm.s32 @!p0 $0x1  }
0x18d: {  	_ =	swait.ge @!p0 [sflag:s0], $0x80  }
0x18e: {  	[sflag:s0] =	ssyncset.done @!p0 $0x0  }
0x18f: {  	[sflag:s0] =	ssyncadd.s32 @!p0 $0xFFFFFF80;
	s0 =	simm.s32 @!p3 $0x1  }
0x190: {  	_ =	swait.ge @!p3 [sflag:s0], $0x80  }
0x191: {  	s26 =	sld [smem:$0x7F3];
	_ =	sdelay $0x2  }
0x192: {  	[sflag:s0] =	ssyncset.done @!p3 $0x0;
	p0 =	seq.s32 s26, $0x1  }
0x193: {  	[sflag:s0] =	ssyncadd.s32 @!p3 $0xFFFFFF80;
	s0 =	simm.s32 @!p0 $0x1  }
0x194: {  	_ =	swait.ge @!p0 [sflag:s0], $0x80  }
0x195: {  	[sflag:s0] =	ssyncset.done @!p0 $0x0  }
0x196: {  	[sflag:s0] =	ssyncadd.s32 @!p0 $0xFFFFFF80;
	s0 =	simm.s32 @!p4 $0x1  }
0x197: {  	_ =	swait.ge @!p4 [sflag:s0], $0x80  }
0x198: {  	[sflag:s0] =	ssyncset.done @!p4 $0x0  }
0x199: {  	[sflag:s0] =	ssyncadd.s32 @!p4 $0xFFFFFF80;
	s0 =	simm.s32 @!p2 $0x1  }
0x19a: {  	_ =	swait.ge @!p2 [sflag:s0], $0x80  }
0x19b: {  	[sflag:s0] =	ssyncset.done @!p2 $0x0  }
0x19c: {  	[sflag:s0] =	ssyncadd.s32 @!p2 $0xFFFFFF80  }
0x19d: {  	v1 =	vld [tilespmem:s17+$0x0];
	_ =	sdelay $0x4  }
0x19e: {  	(v2sf) =	vpush v1, $0x0  }
0x19f: {  	(v2sf) =	vpush v1, $0x3  }
0x1a0: {  	(v2sf) =	vpush v1, $0x1;
	_ =	sdelay $0x1  }
0x1a1: {  	(v2sf) =	vpush v1, $0x9;
	_ =	sdelay $0x1  }
0x1a2: {  	(v2sf) =	vpush v1, $0xB  }
0x1a3: {  	(v2sf) =	vpush v1, $0x2;
	_ =	sdelay $0x1  }
0x1a4: {  	(v2sf) =	vpush v1, $0xC  }
0x1a5: {  	(v2sf) =	vpush v1, $0xD;
	_ =	sdelay $0x1  }
0x1a6: {  	(v2sf) =	vpush v1, $0xE;
	_ =	sdelay $0x1  }
0x1a7: {  	(v2sf) =	vpush v1, $0xF  }
0x1a8: {  	s28 =	spop (v2sf)  }
0x1a9: {  	s15 =	sadd.s32 $0x10, s15;
	(v2sf) =	vpush v1, $0x6;
	p0 =	sne.s32 s28, $0x0;
	s29 =	spop (v2sf)  }
0x1aa: {  	v0 =	vld [tilespmem:s15+$0x0];
	(v2sf) =	vpush v1, $0x5;
	s0 =	simm.s32 @!p0 $0x0;
	s1 =	sshra.s32 @!p0 s18, $0x2;
	s9 =	spop (v2sf)  }
0x1ab: {  	(v2sf) =	vpush v1, $0x7;
	s19 =	simm.s32 @!p0 $0x1;
	p5 =	sne.s32 s29, $0x0;
	s0 =	simm.s32 @p0 $0x1  }
0x1ac: {  	(v2sf) =	vpush v1, $0x4;
	s1 =	sadd.s32 @!p0 $0x680, s1;
	p1 =	sne.s32 s9, $0x0;
	s10 =	spop (v2sf)  }
0x1ad: {  	(v2sf) =	vpush v1, $0x8;
	[smem:$0x7E6] =	sst s0;
	s4 =	simm.s32 @!p1 $0x0;
	s9 =	sshra.s32 @!p1 s18, $0x2  }
0x1ae: {  	(v2sf) =	vpush v1, $0xA;
	s12 =	spop (v2sf);
	s4 =	simm.s32 @p1 $0x1;
	s31 =	sadd.s32 @!p1 $0x700, s9  }
0x1af: {  	(v2sf) =	vpush @!p0 v0, $0x0;
	s20 =	spop (v2sf);
	s9 =	simm.s32 @!p0 $0x0;
	p0 =	sne.s32 s12, $0x0  }
0x1b0: {  	[smem:$0x7F4] =	sst s4;
	p6 =	sne.s32 s20, $0x0;
	s4 =	simm.s32 @!p0 $0x0  }
0x1b1: {  	s21 =	spop (v2sf);
	s20 =	sshra.s32 @!p6 s18, $0x2;
	s4 =	simm.s32 @p0 $0x1  }
0x1b2: {  	s5 =	spop (v2sf);
	p0 =	sne.s32 s10, $0x0;
	s10 =	sshra.s32 @!p5 s18, $0x2  }
0x1b3: {  	p3 =	sne.s32 s21, $0x0;
	[smem:$0x7F2] =	sst s4;
	s30 =	sadd.s32 @!p6 $0x780, s20  }
0x1b4: {  	p4 =	sne.s32 s5, $0x0;
	s6 =	spop (v2sf);
	s4 =	simm.s32 @!p0 $0x0  }
0x1b5: {  	(v2sf) =	vpush @!p1 v0, $0x1;
	s28 =	sadd.s32 @!p5 $0x800, s10;
	s4 =	simm.s32 @p0 $0x1;
	p1 =	sne.s32 s6, $0x0  }
0x1b6: {  	s7 =	spop (v2sf);
	s20 =	simm.s32 @!p4 $0x0;
	s5 =	sld [smem:$0x7F2]  }
0x1b7: {  	p0 =	por p4, p4;
	[smem:$0x7EA] =	sst s4;
	s4 =	simm.s32 @!p1 $0x0  }
0x1b8: {  	s6 =	sld [smem:$0x7E6];
	s8 =	spop (v2sf);
	s4 =	simm.s32 @p1 $0x1  }
0x1b9: {  	p1 =	sne.s32 s7, $0x0;
	s25 =	spop (v2sf);
	s7 =	sld [smem:$0x7F4]  }
0x1ba: {  	[smem:$0x7E4] =	sst s4;
	s0 =	simm.s32 @!p1 $0x0;
	s4 =	simm.s32 @!p4 $0x0  }
0x1bb: {  	p2 =	sne.s32 s25, $0x0;
	s10 =	spop (v2sf);
	s21 =	sshra.s32 @!p1 s18, $0x2  }
0x1bc: {  	s25 =	sshra.s32 @!p0 s18, $0x2;
	p0 =	seq.s32 s5, $0x1;
	s0 =	simm.s32 @p1 $0x1  }
0x1bd: {  	(v2sf) =	vpush @!p6 v0, $0x2;
	s4 =	simm.s32 @p4 $0x1;
	p1 =	sne.s32 s8, $0x0;
	s8 =	sld [smem:$0x7EA]  }
0x1be: {  	s12 =	sshra.s32 @!p2 s18, $0x2;
	s24 =	simm.s32 @!p2 $0x0;
	[smem:$0x7E5] =	sst s0  }
0x1bf: {  	s26 =	spop (v2sf);
	[smem:$0x7F3] =	sst s4;
	s4 =	simm.s32 @!p2 $0x0  }
0x1c0: {  	s23 =	sadd.s32 @!p2 $0x900, s12;
	p4 =	sne.s32 s26, $0x0;
	s26 =	sshra.s32 @!p1 s18, $0x2  }
0x1c1: {  	(v2sf) =	vpush @!p5 v0, $0x3;
	s4 =	simm.s32 @p2 $0x1;
	s12 =	spop (v2sf);
	s22 =	sshra.s32 @!p4 s18, $0x2  }
0x1c2: {  	(v2sf) =	vpush @!p2 v0, $0x5;
	[smem:$0x7E9] =	sst s4;
	s4 =	simm.s32 @!p3 $0x0;
	s29 =	spop (v2sf)  }
0x1c3: {  	(v2sf) =	vpush @!p0 v0, $0xB;
	p0 =	por p1, p1;
	s4 =	simm.s32 @p3 $0x1;
	p2 =	sne.s32 s29, $0x0  }
0x1c4: {  	s26 =	sadd.s32 @!p0 $0x980, s26;
	[smem:$0x7F1] =	sst s4;
	s4 =	simm.s32 @!p1 $0x0  }
0x1c5: {  	s4 =	simm.s32 @p1 $0x1;
	p1 =	seq.s32 s6, $0x1;
	s6 =	simm.s32 @!p2 $0x0  }
0x1c6: {  	[smem:$0x7EE] =	sst s4;
	s0 =	spop @!p1 (v2sf);
	s6 =	simm.s32 @p2 $0x1  }
0x1c7: {  	(v2sf) =	vpush @!p4 v0, $0x4;
	s29 =	sshll.u32 @!p1 s0, $0x4;
	s0 =	sadd.s32 @!p4 $0x880, s22;
	s22 =	simm.s32 @!p3 $0x0  }
0x1c8: {  	(v2sf) =	vpush @!p0 v0, $0x6;
	p0 =	seq.s32 s7, $0x1;
	[smem:$0x7ED] =	sst s6;
	p3 =	seq.s32 s8, $0x1  }
0x1c9: {  	s6 =	simm.s32 @!p6 $0x0;
	s29 =	sand.u32 @!p1 $0x1FFFFFF0, s29;
	s4 =	spop @!p0 (v2sf)  }
0x1ca: {  	s7 =	sld [smem:$0x7F2];
	s5 =	sadd.s32 @!p1 s3, s29;
	s4 =	sshll.u32 @!p0 s4, $0x4  }
0x1cb: {  	(v2sf) =	vpush @!p3 v0, $0x9;
	[tilespmem:s1], [sflag:$0x1] =	stream.linear.gather @!p1 [hbm4b:s5+s9], $0x80, $0x38;
	[tilespmem:$0x10680] =	vst v63  }
0x1cc: {  	s8 =	sld [smem:$0x7EE];
	s1 =	sand.u32 @!p0 $0x1FFFFFF0, s4;
	s4 =	spop @!p6 (v2sf)  }
0x1cd: {  	s5 =	simm.s32 @!p0 $0x0;
	s1 =	sadd.s32 @!p0 s3, s1;
	s4 =	sshll.u32 @!p6 s4, $0x4  }
0x1ce: {  	[tilespmem:s31], [sflag:$0x1] =	stream.linear.gather @!p0 [hbm4b:s1+s5], $0x80, $0x38;
	[tilespmem:$0x10680] =	vst v63  }
0x1cf: {  	p3 =	sne.s32 s10, $0x0;
	s6 =	simm.s32 @p6 $0x1;
	s1 =	sand.u32 @!p6 $0x1FFFFFF0, s4  }
0x1d0: {  	s29 =	sshra.s32 @!p2 s18, $0x2;
	s9 =	simm.s32 @!p6 $0x0;
	s5 =	sadd.s32 @!p6 s3, s1  }
0x1d1: {  	(v2sf) =	vpush @!p3 v0, $0x7;
	[tilespmem:s30], [sflag:$0x1] =	stream.linear.gather @!p6 [hbm4b:s5+s9], $0x80, $0x38;
	[tilespmem:$0x10680] =	vst v63  }
0x1d2: {  	(v2sf) =	vpush @!p2 v0, $0xA;
	p2 =	por p5, p5;
	s4 =	sshra.s32 @!p3 s18, $0x2;
	s30 =	sld [smem:$0x7E9]  }
0x1d3: {  	p0 =	sne.s32 s12, $0x0;
	s1 =	sadd.s32 @!p3 $0xA00, s4;
	s4 =	spop @!p5 (v2sf)  }
0x1d4: {  	s31 =	sld [smem:$0x7EA];
	s10 =	sshra.s32 @!p0 s18, $0x2;
	s4 =	sshll.u32 @!p5 s4, $0x4  }
0x1d5: {  	p6 =	seq.s32 s7, $0x1;
	s4 =	sand.u32 @!p5 $0x1FFFFFF0, s4;
	p1 =	seq.s32 s30, $0x1  }
0x1d6: {  	s4 =	sadd.s32 @!p5 s3, s4;
	s30 =	sadd.s32 @!p0 $0xA80, s10;
	s5 =	spop @!p1 (v2sf)  }
0x1d7: {  	s10 =	simm.s32 @!p5 $0x0;
	p5 =	seq.s32 s31, $0x1;
	s12 =	spop @!p6 (v2sf)  }
0x1d8: {  	s12 =	sshll.u32 @!p6 s12, $0x4;
	p6 =	seq.s32 s8, $0x1;
	s31 =	spop @!p4 (v2sf)  }
0x1d9: {  	[smem:$0x7E8] =	sst s6;
	s6 =	spop @!p6 (v2sf)  }
0x1da: {  	(v2sf) =	vpush @!p0 v0, $0x8;
	s8 =	spop @!p5 (v2sf);
	[smem:$0x7E3] =	sst s0  }
0x1db: {  	s0 =	sld [smem:$0x7F1];
	_ =	sdelay $0x1  }
0x1dc: {  	s6 =	sshll.u32 @!p6 s6, $0x4  }
0x1dd: {  	s6 =	sand.u32 @!p6 $0x1FFFFFF0, s6;
	p6 =	seq.s32 s0, $0x1;
	s0 =	sld [smem:$0x7E3]  }
0x1de: {  	_ =	sdelay $0x1  }
0x1df: {  	(v2sf) =	vpush @!p6 v0, $0xC;
	[smem:$0x7E3] =	sst s0;
	s0 =	simm.s32 @!p2 $0x0  }
0x1e0: {  	s0 =	simm.s32 @p2 $0x1  }
0x1e1: {  	[smem:$0x7EB] =	sst s0  }
0x1e2: {  	s0 =	sld [smem:$0x7E3]  }
0x1e3: {  	[tilespmem:s28], [sflag:$0x1] =	stream.linear.gather @!p2 [hbm4b:s4+s10], $0x80, $0x38;
	[tilespmem:$0x10680] =	vst v63  }
0x1e4: {  	s28 =	sld [smem:$0x7F2];
	_ =	sdelay $0x2  }
0x1e5: {  	s10 =	sld [smem:$0x7EE];
	p2 =	seq.s32 s28, $0x1  }
0x1e6: {  	s28 =	spop @!p3 (v2sf);
	[smem:$0x7E3] =	sst s0;
	s0 =	simm.s32 @!p4 $0x0  }
0x1e7: {  	s0 =	simm.s32 @p4 $0x1  }
0x1e8: {  	s7 =	simm.s32 @!p4 $0x0;
	s9 =	sshra.s32 @!p5 s18, $0x2;
	[smem:$0x7EC] =	sst s0  }
0x1e9: {  	s5 =	sshll.u32 @!p1 s5, $0x4;
	s31 =	sshll.u32 @!p4 s31, $0x4;
	s0 =	sld [smem:$0x7E3]  }
0x1ea: {  	s9 =	sadd.s32 @!p5 $0xB00, s9;
	s5 =	sand.u32 @!p1 $0x1FFFFFF0, s5;
	s31 =	sand.u32 @!p4 $0x1FFFFFF0, s31  }
0x1eb: {  	s5 =	sadd.s32 @!p1 s3, s5;
	s31 =	sadd.s32 @!p4 s3, s31;
	p6 =	seq.s32 s10, $0x1  }
0x1ec: {  	[tilespmem:s0], [sflag:$0x1] =	stream.linear.gather @!p4 [hbm4b:s31+s7], $0x80, $0x38;
	[tilespmem:$0x10680] =	vst v63  }
0x1ed: {  	s4 =	sadd.s32 @!p6 s3, s6;
	s6 =	simm.s32 @!p3 $0x0;
	s7 =	sld [smem:$0x7F3]  }
0x1ee: {  	s10 =	sand.u32 @!p2 $0x1FFFFFF0, s12;
	s0 =	sshll.u32 @!p3 s28, $0x4;
	s31 =	sld [smem:$0x7ED]  }
0x1ef: {  	s12 =	simm.s32 @!p6 $0x0;
	s28 =	sld [smem:$0x7E5];
	s0 =	sand.u32 @!p3 $0x1FFFFFF0, s0  }
0x1f0: {  	[tilespmem:s23], [sflag:$0x1] =	stream.linear.gather @!p1 [hbm4b:s5+s24], $0x80, $0x38;
	[tilespmem:$0x10680] =	vst v63  }
0x1f1: {  	s10 =	sadd.s32 @!p2 s3, s10;
	s24 =	sld [smem:$0x7E4];
	s0 =	sadd.s32 @!p3 s3, s0  }
0x1f2: {  	p2 =	seq.s32 s7, $0x1;
	s7 =	sshll.u32 @!p5 s8, $0x4;
	p6 =	seq.s32 s31, $0x1  }
0x1f3: {  	s31 =	sld [smem:$0x7EE];
	s8 =	spop @!p6 (v2sf);
	s5 =	sand.u32 @!p5 $0x1FFFFFF0, s7  }
0x1f4: {  	(v2sf) =	vpush @!p2 v0, $0xD;
	s7 =	sadd.s32 @!p2 $0xD00, s25;
	p2 =	seq.s32 s28, $0x1;
	s25 =	sld [smem:$0x7F2]  }
0x1f5: {  	s28 =	sld [smem:$0x7F3];
	p4 =	seq.s32 s24, $0x1;
	s23 =	spop @!p0 (v2sf)  }
0x1f6: {  	s5 =	sadd.s32 @!p5 s3, s5;
	s24 =	simm.s32 @!p0 $0x0;
	s23 =	sshll.u32 @!p0 s23, $0x4  }
0x1f7: {  	s8 =	sshll.u32 @!p6 s8, $0x4;
	p1 =	seq.s32 s31, $0x1;
	s23 =	sand.u32 @!p0 $0x1FFFFFF0, s23  }
0x1f8: {  	[tilespmem:s26], [sflag:$0x1] =	stream.linear.gather @!p1 [hbm4b:s4+s12], $0x80, $0x38;
	[tilespmem:$0x10680] =	vst v63  }
0x1f9: {  	(v2sf) =	vpush @!p4 v0, $0xE;
	s26 =	sld [smem:$0x7F1];
	s4 =	sadd.s32 @!p0 s3, s23;
	s23 =	simm.s32 @!p3 $0x0  }
0x1fa: {  	s12 =	sadd.s32 @!p6 $0xB80, s29;
	s29 =	sld [smem:$0x7E6];
	s23 =	simm.s32 @p3 $0x1  }
0x1fb: {  	(v2sf) =	vpush @!p2 v0, $0xF;
	[tilespmem:s1], [sflag:$0x1] =	stream.linear.gather @!p3 [hbm4b:s0+s6], $0x80, $0x38;
	[tilespmem:$0x10680] =	vst v63  }
0x1fc: {  	s0 =	simm.s32 @!p5 $0x0;
	s1 =	sand.u32 @!p6 $0x1FFFFFF0, s8;
	s8 =	simm.s32 @!p0 $0x0  }
0x1fd: {  	s6 =	simm.s32 @!p6 $0x0;
	s8 =	simm.s32 @p0 $0x1;
	s1 =	sadd.s32 @!p6 s3, s1  }
0x1fe: {  	[tilespmem:s30], [sflag:$0x1] =	stream.linear.gather @!p0 [hbm4b:s4+s24], $0x80, $0x38;
	[tilespmem:$0x10680] =	vst v63  }
0x1ff: {  	p3 =	seq.s32 s26, $0x1;
	[smem:$0x7F0] =	sst s8;
	p0 =	seq.s32 s25, $0x1  }
0x200: {  	s8 =	spop @!p3 (v2sf);
	s4 =	sshra.s32 @!p0 s18, $0x2;
	p1 =	por p0, p0  }
0x201: {  	[tilespmem:s9], [sflag:$0x1] =	stream.linear.gather @!p5 [hbm4b:s5+s0], $0x80, $0x38;
	[tilespmem:$0x10680] =	vst v63  }
0x202: {  	s0 =	sadd.s32 @!p0 $0xC00, s4;
	s4 =	simm.s32 @!p0 $0x0;
	s5 =	sshll.u32 @!p3 s8, $0x4  }
0x203: {  	[tilespmem:s12], [sflag:$0x1] =	stream.linear.gather @!p6 [hbm4b:s1+s6], $0x80, $0x38;
	[tilespmem:$0x10680] =	vst v63  }
0x204: {  	p0 =	seq.s32 s28, $0x1;
	s5 =	sand.u32 @!p3 $0x1FFFFFF0, s5;
	s1 =	sshra.s32 @!p3 s18, $0x2  }
0x205: {  	[tilespmem:s0], [sflag:$0x1] =	stream.linear.gather @!p1 [hbm4b:s10+s4], $0x80, $0x38;
	[tilespmem:$0x10680] =	vst v63  }
0x206: {  	s1 =	sadd.s32 @!p3 $0xC80, s1;
	s0 =	sadd.s32 @!p3 s3, s5;
	s6 =	spop @!p0 (v2sf)  }
0x207: {  	[tilespmem:s1], [sflag:$0x1] =	stream.linear.gather @!p3 [hbm4b:s0+s22], $0x80, $0x38;
	[tilespmem:$0x10680] =	vst v63  }
0x208: {  	[smem:$0x7EF] =	sst s23;
	s4 =	sshll.u32 @!p0 s6, $0x4;
	s5 =	spop @!p4 (v2sf)  }
0x209: {  	s0 =	sshra.s32 @!p4 s18, $0x2;
	s4 =	sand.u32 @!p0 $0x1FFFFFF0, s4;
	s5 =	sshll.u32 @!p4 s5, $0x4  }
0x20a: {  	s4 =	sadd.s32 @!p0 s3, s4;
	s6 =	spop @!p2 (v2sf);
	s5 =	sand.u32 @!p4 $0x1FFFFFF0, s5  }
0x20b: {  	[tilespmem:s7], [sflag:$0x1] =	stream.linear.gather @!p0 [hbm4b:s4+s20], $0x80, $0x38;
	[tilespmem:$0x10680] =	vst v63  }
0x20c: {  	s0 =	sadd.s32 @!p4 $0xD80, s0;
	s1 =	sadd.s32 @!p4 s3, s5;
	s5 =	sshll.u32 @!p2 s6, $0x4  }
0x20d: {  	s4 =	simm.s32 @!p4 $0x0;
	p0 =	seq.s32 s29, $0x1;
	s5 =	sand.u32 @!p2 $0x1FFFFFF0, s5  }
0x20e: {  	[tilespmem:s0], [sflag:$0x1] =	stream.linear.gather @!p4 [hbm4b:s1+s4], $0x80, $0x38;
	[tilespmem:$0x10680] =	vst v63  }
0x20f: {  	s0 =	sadd.s32 @!p2 $0xE00, s21;
	s4 =	simm.s32 @!p2 $0x0;
	s1 =	sadd.s32 @!p2 s3, s5  }
0x210: {  	[tilespmem:s0], [sflag:$0x1] =	stream.linear.gather @!p2 [hbm4b:s1+s4], $0x80, $0x38;
	[tilespmem:$0x10680] =	vst v63  }
0x211: {  	_ =	swait.ge @!p0 [sflag:s19], $0x80  }
0x212: {  	s31 =	sld [smem:$0x7E7];
	_ =	sdelay $0x2  }
0x213: {  	p5 =	por p6, p6;
	p6 =	seq.s32 s31, $0x1  }
.Ltmp1:
0x214: {  	s30 =	sld [smem:$0x7F4];
	(pc) =	sbr.rel @p6 .LBB2_4-.Ltmp1, $3  }
0x215: {  	_ =	sdelay $0x1  }
0x216: {  	[sflag:s19] =	ssyncset.done @!p0 $0x0;
	p1 =	seq.s32 s30, $0x1  }
0x217: {  	s17 =	sadd.s32 $0x10, s17;
	[sflag:s19] =	ssyncadd.s32 @!p0 $0xFFFFFF80;
	s0 =	simm.s32 @!p1 $0x1  }
0x218: {  	_ =	swait.ge @!p1 [sflag:s0], $0x80  }
0x219: {  	s19 =	sld [smem:$0x7E8];
	_ =	sdelay $0x1  }
0x21a: {  	[sflag:s0] =	ssyncset.done @!p1 $0x0  }
0x21b: {  	[sflag:s0] =	ssyncadd.s32 @!p1 $0xFFFFFF80;
	p1 =	seq.s32 s19, $0x1  }
0x21c: {  	s0 =	simm.s32 @!p1 $0x1  }
0x21d: {  	_ =	swait.ge @!p1 [sflag:s0], $0x80  }
0x21e: {  	s20 =	sld [smem:$0x7EB];
	_ =	sdelay $0x2  }
0x21f: {  	[sflag:s0] =	ssyncset.done @!p1 $0x0;
	p0 =	seq.s32 s20, $0x1  }
0x220: {  	[sflag:s0] =	ssyncadd.s32 @!p1 $0xFFFFFF80;
	s0 =	simm.s32 @!p0 $0x1  }
0x221: {  	_ =	swait.ge @!p0 [sflag:s0], $0x80  }
0x222: {  	s21 =	sld [smem:$0x7EC];
	_ =	sdelay $0x1  }
0x223: {  	[sflag:s0] =	ssyncset.done @!p0 $0x0  }
0x224: {  	[sflag:s0] =	ssyncadd.s32 @!p0 $0xFFFFFF80;
	p0 =	seq.s32 s21, $0x1  }
0x225: {  	s0 =	simm.s32 @!p0 $0x1  }
0x226: {  	_ =	swait.ge @!p0 [sflag:s0], $0x80  }
0x227: {  	s22 =	sld [smem:$0x7E9];
	_ =	sdelay $0x1  }
0x228: {  	[sflag:s0] =	ssyncset.done @!p0 $0x0  }
0x229: {  	[sflag:s0] =	ssyncadd.s32 @!p0 $0xFFFFFF80;
	p0 =	seq.s32 s22, $0x1  }
0x22a: {  	s0 =	simm.s32 @!p0 $0x1  }
0x22b: {  	_ =	swait.ge @!p0 [sflag:s0], $0x80  }
0x22c: {  	s23 =	sld [smem:$0x7EE];
	_ =	sdelay $0x1  }
0x22d: {  	[sflag:s0] =	ssyncset.done @!p0 $0x0  }
0x22e: {  	[sflag:s0] =	ssyncadd.s32 @!p0 $0xFFFFFF80;
	p0 =	seq.s32 s23, $0x1  }
0x22f: {  	s0 =	simm.s32 @!p0 $0x1  }
0x230: {  	_ =	swait.ge @!p0 [sflag:s0], $0x80  }
0x231: {  	s24 =	sld [smem:$0x7EF];
	_ =	sdelay $0x1  }
0x232: {  	[sflag:s0] =	ssyncset.done @!p0 $0x0  }
0x233: {  	[sflag:s0] =	ssyncadd.s32 @!p0 $0xFFFFFF80;
	p0 =	seq.s32 s24, $0x1  }
0x234: {  	s0 =	simm.s32 @!p0 $0x1  }
0x235: {  	_ =	swait.ge @!p0 [sflag:s0], $0x80  }
0x236: {  	s25 =	sld [smem:$0x7F0];
	_ =	sdelay $0x1  }
0x237: {  	[sflag:s0] =	ssyncset.done @!p0 $0x0  }
0x238: {  	[sflag:s0] =	ssyncadd.s32 @!p0 $0xFFFFFF80;
	p0 =	seq.s32 s25, $0x1  }
0x239: {  	s0 =	simm.s32 @!p0 $0x1  }
0x23a: {  	_ =	swait.ge @!p0 [sflag:s0], $0x80  }
0x23b: {  	s26 =	sld [smem:$0x7EA];
	_ =	sdelay $0x1  }
0x23c: {  	[sflag:s0] =	ssyncset.done @!p0 $0x0  }
0x23d: {  	[sflag:s0] =	ssyncadd.s32 @!p0 $0xFFFFFF80;
	p0 =	seq.s32 s26, $0x1  }
0x23e: {  	s0 =	simm.s32 @!p0 $0x1  }
0x23f: {  	_ =	swait.ge @!p0 [sflag:s0], $0x80  }
0x240: {  	[sflag:s0] =	ssyncset.done @!p0 $0x0  }
0x241: {  	[sflag:s0] =	ssyncadd.s32 @!p0 $0xFFFFFF80;
	s0 =	simm.s32 @!p5 $0x1  }
0x242: {  	_ =	swait.ge @!p5 [sflag:s0], $0x80  }
0x243: {  	s28 =	sld [smem:$0x7F2];
	_ =	sdelay $0x2  }
0x244: {  	[sflag:s0] =	ssyncset.done @!p5 $0x0;
	p0 =	seq.s32 s28, $0x1  }
0x245: {  	[sflag:s0] =	ssyncadd.s32 @!p5 $0xFFFFFF80;
	s0 =	simm.s32 @!p0 $0x1  }
0x246: {  	_ =	swait.ge @!p0 [sflag:s0], $0x80  }
0x247: {  	[sflag:s0] =	ssyncset.done @!p0 $0x0  }
0x248: {  	[sflag:s0] =	ssyncadd.s32 @!p0 $0xFFFFFF80;
	s0 =	simm.s32 @!p3 $0x1  }
0x249: {  	_ =	swait.ge @!p3 [sflag:s0], $0x80  }
0x24a: {  	s29 =	sld [smem:$0x7F3];
	_ =	sdelay $0x2  }
0x24b: {  	[sflag:s0] =	ssyncset.done @!p3 $0x0;
	p0 =	seq.s32 s29, $0x1  }
0x24c: {  	[sflag:s0] =	ssyncadd.s32 @!p3 $0xFFFFFF80;
	s0 =	simm.s32 @!p0 $0x1  }
0x24d: {  	_ =	swait.ge @!p0 [sflag:s0], $0x80  }
0x24e: {  	[sflag:s0] =	ssyncset.done @!p0 $0x0  }
0x24f: {  	[sflag:s0] =	ssyncadd.s32 @!p0 $0xFFFFFF80;
	s0 =	simm.s32 @!p4 $0x1  }
0x250: {  	_ =	swait.ge @!p4 [sflag:s0], $0x80  }
0x251: {  	[sflag:s0] =	ssyncset.done @!p4 $0x0  }
0x252: {  	[sflag:s0] =	ssyncadd.s32 @!p4 $0xFFFFFF80;
	s0 =	simm.s32 @!p2 $0x1  }
0x253: {  	_ =	swait.ge @!p2 [sflag:s0], $0x80  }
0x254: {  	[sflag:s0] =	ssyncset.done @!p2 $0x0  }
0x255: {  	s1 =	simm.s32 $0x680;
	s30 =	rddreg [dreg:$0x7];
	[sflag:s0] =	ssyncadd.s32 @!p2 $0xFFFFFF80  }
0x256: {  	[hbm4b:s30+s2] =	stream.linear.scatter [tilespmem:s1], [sflag:$0x2], $0x10000, $0x38;
	[tilespmem:$0x10680] =	vst v63  }
0x257: {  	_ =	swait.ge [sflag:s13], $0x10000  }
0x258: {  	s14 =	sadd.s32 $0x1, s14;
	s31 =	rddreg [dreg:$0x8]  }
0x259: {  	p0 =	sne.s32 s14, s31  }
.Ltmp2:
0x25a: {  	_ = 	snop;
	(pc) =	sbr.rel @p0 .LBB2_1-.Ltmp2, $3  }
0x25b: {  	_ =	sdelay $0x1  }
0x25c: {  	[sflag:s13] =	ssyncset.done $0x0  }
0x25d: {  	[sflag:s13] =	ssyncadd.s32 $0xFFFF0000  }
0x25e: {  	_ =	sfence.sel $0x180000  }
0x25f: {  	[bflag:$0x0] =	sbarrier.arrive $0xFFFF  }
0x260: {  	_ =	strace $0x90000047  }
0x261: {  	s0 =	stileid.u32;
	[bflag:$0x2] =	sbarrier.arrive $0xFFFF  }
0x262: {  	p0 =	sne.s32 s0, $0x0;
	s0 =	rddreg [dreg:$0x3]  }
0x263: {  	s0 =	sadd.s32 @!p0 $0x100000, s0  }
0x264: {  	[sflag:s0] =	ssyncadd.tile.s32 @!p0 $0x1;
	_ =	shalt  }
.Lfunc_end2:
_tile_overlayer_lowered:
.L_overlay_start_2:
0x265: {  	(tag) =	ssettag $0x2  }
0x266: {  	s0 =	rddreg [dreg:$0x0];
	s2 =	stileid.u32  }
0x267: {  	s1 =	rddreg [dreg:$0x1];
	p0 =	sne.s32 s2, $0x0  }
0x268: {  	s3 =	rddreg [dreg:$0x2];
	[bflag:$0x3] =	sbarrier.arrive $0xFFFF;
	s2 =	simm.s32 @!p0 $0x1C02  }
0x269: {  	[timem:s3], [sflag:s2] =	dma.local @!p0 [hbm:s0], s1  }
0x26a: {  	s0 =	simm.s32 @!p0 $0x2  }
0x26b: {  	_ =	swait.ge @!p0 [sflag:s0], s1  }
0x26c: {  	s1 =	ssub.s32 @!p0 $0x0, s1;
	[sflag:s0] =	ssyncset.done @!p0 $0x0  }
0x26d: {  	[sflag:s0] =	ssyncadd.s32 @!p0 s1  }
0x26e: {  	[bflag:$0x3] =	sbarrier.arrive $0xFFFF  }
0x26f: {  	_ =	shalt  }

</sc_bundles>
